<compile_context>
chip_gen: v7x
topology: tpu7x:2x2x1
jax: 0.10.2.dev20260603
libtpu: 0.0.44.dev20260713+nightly
codegen_flags: <defaults>
</compile_context>

<pallas_src>
import jax
import jax.numpy as jnp
from jax import lax
from jax.experimental import pallas as pl
from jax.experimental.pallas import tpu as pltpu
from jax.experimental.pallas import tpu_sc as plsc

TM = 1024
NC, NS, L = 2, 16, 16
NW = NC * NS
TOKENS = 16384
NEXP = 64
RPW = TOKENS // NW
NGRP = RPW // L


def _matmul_block(x_ref, wt_ref, s_ref):
    s_ref[...] = jax.lax.dot_general(
        x_ref[...], wt_ref[...], (((1,), (0,)), ((), ())),
        preferred_element_type=jnp.float32)


def _scores(x, wt):
    tokens, d = x.shape
    n_exp = wt.shape[1]
    return pl.pallas_call(
        _matmul_block,
        grid=(tokens // TM,),
        in_specs=[
            pl.BlockSpec((TM, d), lambda i: (i, 0)),
            pl.BlockSpec((d, n_exp), lambda i: (0, 0)),
        ],
        out_specs=pl.BlockSpec((TM, n_exp), lambda i: (i, 0)),
        out_shape=jax.ShapeDtypeStruct((tokens, n_exp), jnp.float32),
    )(x, wt)


def _sc_top2(s_hbm, topi_hbm, topv_hbm, sv, iv, vv):
    wid = lax.axis_index("s") * NC + lax.axis_index("c")
    base = wid * RPW
    pltpu.sync_copy(s_hbm.at[pl.ds(base * NEXP, RPW * NEXP)], sv)

    lanes = lax.iota(jnp.int32, L)

    def group(g, carry):
        rows = g * L + lanes
        neg = jnp.full((L,), -jnp.inf, jnp.float32)
        m1, m2 = neg, neg
        i1 = jnp.zeros((L,), jnp.int32)
        i2 = i1
        flat = rows * NEXP
        for e in range(NEXP):
            ev = jnp.full((L,), e, jnp.int32)
            v = plsc.load_gather(sv, [flat + e])
            gt1 = v > m1
            gt2 = v > m2
            nm2 = jnp.where(gt1, m1, jnp.where(gt2, v, m2))
            ni2 = jnp.where(gt1, i1, jnp.where(gt2, ev, i2))
            m1 = jnp.where(gt1, v, m1)
            i1 = jnp.where(gt1, ev, i1)
            m2, i2 = nm2, ni2
        e2 = jnp.exp(m2 - m1)
        inv = 1.0 / (1.0 + e2)
        out2 = rows * 2
        plsc.store_scatter(iv, [out2], i1)
        plsc.store_scatter(iv, [out2 + 1], i2)
        plsc.store_scatter(vv, [out2], inv)
        plsc.store_scatter(vv, [out2 + 1], e2 * inv)
        return carry

    lax.fori_loop(0, NGRP, group, 0)
    pltpu.sync_copy(iv, topi_hbm.at[pl.ds(base * 2, RPW * 2)])
    pltpu.sync_copy(vv, topv_hbm.at[pl.ds(base * 2, RPW * 2)])


_sc_call = pl.kernel(
    _sc_top2,
    out_type=(
        jax.ShapeDtypeStruct((TOKENS * 2,), jnp.int32),
        jax.ShapeDtypeStruct((TOKENS * 2,), jnp.float32),
    ),
    mesh=plsc.VectorSubcoreMesh(
        core_axis_name="c", subcore_axis_name="s",
        num_cores=NC, num_subcores=NS),
    scratch_types=[
        pltpu.VMEM((RPW * NEXP,), jnp.float32),
        pltpu.VMEM((RPW * 2,), jnp.int32),
        pltpu.VMEM((RPW * 2,), jnp.float32),
    ],
    compiler_params=pltpu.CompilerParams(needs_layout_passes=False),
)


@jax.jit
def kernel(x, W):
    scores = _scores(x, W.T)
    topi, topv = _sc_call(scores.reshape(-1))
    return (topi.reshape(TOKENS, 2), topv.reshape(TOKENS, 2))

# --- scband reference (transcript-rebuilt; emitter-appended) ---
"""Pipeline reference for scband-top2-router-6640019439876 (READ-ONLY COPY).

The authoritative reference and input builder live on the scoring server;
editing this copy changes nothing except your own understanding.
"""

import jax, jax.numpy as jnp
import numpy as np

TOKENS = 16384
D_MODEL = 4096
N_EXPERTS = 64

def setup_inputs(seed: int = 0) -> dict:
    key = jax.random.key(seed)
    k1, k2 = jax.random.split(key)
    x = jax.random.normal(k1, (TOKENS, D_MODEL), dtype=jnp.float32)
    # nn.Linear(d_model, num_experts, bias=False) weight: [num_experts, d_model]
    W = jax.random.normal(k2, (N_EXPERTS, D_MODEL), dtype=jnp.float32) * 0.02
    return {"x": x, "W": W}

def reference(x, W):
    scores = x @ W.T                               # [TOKENS, N_EXPERTS]
    probs = jax.nn.softmax(scores, axis=-1)
    topv, topi = jax.lax.top_k(probs, 2)           # values, indices
    topv = topv / (jnp.sum(topv, axis=-1, keepdims=True) + 1e-9)
    return (topi, topv)

if __name__ == "__main__":
    import jax
    _d = setup_inputs()
    print(jax.jit(kernel)(*tuple(_d.values())))

</pallas_src>

<mosaic_0001>
#map = affine_map<(d0, d1) -> (0)>
module attributes {stable_mosaic.version = 14 : i64} {
  func.func @_sc_top2(%arg0: i32, %arg1: i32, %arg2: memref<1048576xf32, #tpu.memory_space<hbm>>, %arg3: memref<32768xi32, #tpu.memory_space<hbm>>, %arg4: memref<32768xf32, #tpu.memory_space<hbm>>, %arg5: memref<32768xf32, #tpu.memory_space<vmem>>, %arg6: memref<1024xi32, #tpu.memory_space<vmem>>, %arg7: memref<1024xf32, #tpu.memory_space<vmem>>) attributes {dimension_semantics = [#tpu.dimension_semantics<core_parallel>, #tpu.dimension_semantics<subcore_parallel>], iteration_bounds = array<i64: 2, 16>, scalar_prefetch = 0 : i64, scratch_operands = 3 : i64, tpu.core_type = #tpu.core_type<sc_vector_subcore>, window_params = [{transform_indices = #map}, {transform_indices = #map}, {transform_indices = #map}]} {
    %mul3A = arith.constant 2 : i32
    %mul3A_0 = arith.muli %arg1, %mul3A : i32
    %add3A = arith.addi %mul3A_0, %arg0 : i32
    %mul3A_1 = arith.constant 512 : i32
    %mul3A_2 = arith.muli %add3A, %mul3A_1 : i32
    %mul3A_3 = arith.constant 64 : i32
    %mul3A_4 = arith.muli %mul3A_2, %mul3A_3 : i32
    "tpu.region"() ({
      %run_scoped3A = tpu.sem_alloc : memref<!tpu.dma_semaphore, #tpu.memory_space<semaphore_mem>>
      %dma_start3A = tpu.memref_slice %arg2[%mul3A_4] : memref<1048576xf32, #tpu.memory_space<hbm>> -> memref<32768xf32, #tpu.memory_space<hbm>>
      %dma_start3A_14 = tpu.memref_slice %arg2[%mul3A_4] : memref<1048576xf32, #tpu.memory_space<hbm>> -> memref<32768xf32, #tpu.memory_space<hbm>>
      tpu.enqueue_dma source(%dma_start3A_14 : memref<32768xf32, #tpu.memory_space<hbm>>) target(%arg5 : memref<32768xf32, #tpu.memory_space<vmem>>) target_semaphore(%run_scoped3A : memref<!tpu.dma_semaphore, #tpu.memory_space<semaphore_mem>>)
      %dma_wait3A = tpu.memref_slice %arg2[%mul3A_4] : memref<1048576xf32, #tpu.memory_space<hbm>> -> memref<32768xf32, #tpu.memory_space<hbm>>
      %dma_wait3A_15 = tpu.memref_slice %arg2[%mul3A_4] : memref<1048576xf32, #tpu.memory_space<hbm>> -> memref<32768xf32, #tpu.memory_space<hbm>>
      tpu.wait_dma2 semaphore(%run_scoped3A : memref<!tpu.dma_semaphore, #tpu.memory_space<semaphore_mem>>) src(%dma_wait3A_15 : memref<32768xf32, #tpu.memory_space<hbm>>) dst(%arg5 : memref<32768xf32, #tpu.memory_space<vmem>>)
      tpu.yield
    }) : () -> ()
    %iota3A = tpu.iota {dimensions = array<i32: 0>} : vector<16xi32>
    %scan3A = arith.constant 0 : i32
    %scan3A_5 = arith.constant 0 : i32
    %scan3A_6 = arith.constant 32 : i32
    %scan3A_7 = arith.addi %scan3A_5, %scan3A_6 : i32
    %scan3A_8 = arith.constant 1 : i32
    scf.for %scan3A_14 = %scan3A_5 to %scan3A_7 step %scan3A_8  : i32 {
      %mul3A_15 = arith.constant 16 : i32
      %mul3A_16 = arith.muli %scan3A_14, %mul3A_15 : i32
      %add3A_17 = vector.broadcast %mul3A_16 : i32 to vector<16xi32>
      %add3A_18 = arith.addi %add3A_17, %iota3A : vector<16xi32>
      %broadcast_in_dim3A = arith.constant 0xFF800000 : f32
      %broadcast_in_dim3A_19 = vector.broadcast %broadcast_in_dim3A : f32 to vector<16xf32>
      %broadcast_in_dim3A_20 = arith.constant 0 : i32
      %broadcast_in_dim3A_21 = vector.broadcast %broadcast_in_dim3A_20 : i32 to vector<16xi32>
      %mul3A_22 = arith.constant 64 : i32
      %mul3A_23 = vector.broadcast %mul3A_22 : i32 to vector<16xi32>
      %mul3A_24 = arith.muli %add3A_18, %mul3A_23 : vector<16xi32>
      %broadcast_in_dim3A_25 = arith.constant 0 : i32
      %broadcast_in_dim3A_26 = vector.broadcast %broadcast_in_dim3A_25 : i32 to vector<16xi32>
      %add3A_27 = arith.constant 0 : i32
      %add3A_28 = vector.broadcast %add3A_27 : i32 to vector<16xi32>
      %add3A_29 = arith.addi %mul3A_24, %add3A_28 : vector<16xi32>
      %gather3A = tpu.vector_load_idx %arg5[%add3A_29] : memref<32768xf32, #tpu.memory_space<vmem>>[vector<16xi32>], vector<16xf32>,
      %gt3A = arith.cmpf ogt, %gather3A, %broadcast_in_dim3A_19 : vector<16xf32>
      %gt3A_30 = arith.cmpf ogt, %gather3A, %broadcast_in_dim3A_19 : vector<16xf32>
      %select_n3A = arith.select %gt3A_30, %gather3A, %broadcast_in_dim3A_19 : vector<16xi1>, vector<16xf32>
      %select_n3A_31 = arith.select %gt3A, %broadcast_in_dim3A_19, %select_n3A : vector<16xi1>, vector<16xf32>
      %select_n3A_32 = arith.select %gt3A_30, %broadcast_in_dim3A_26, %broadcast_in_dim3A_21 : vector<16xi1>, vector<16xi32>
      %select_n3A_33 = arith.select %gt3A, %broadcast_in_dim3A_21, %select_n3A_32 : vector<16xi1>, vector<16xi32>
      %select_n3A_34 = arith.select %gt3A, %gather3A, %broadcast_in_dim3A_19 : vector<16xi1>, vector<16xf32>
      %select_n3A_35 = arith.select %gt3A, %broadcast_in_dim3A_26, %broadcast_in_dim3A_21 : vector<16xi1>, vector<16xi32>
      %broadcast_in_dim3A_36 = arith.constant 1 : i32
      %broadcast_in_dim3A_37 = vector.broadcast %broadcast_in_dim3A_36 : i32 to vector<16xi32>
      %add3A_38 = arith.constant 1 : i32
      %add3A_39 = vector.broadcast %add3A_38 : i32 to vector<16xi32>
      %add3A_40 = arith.addi %mul3A_24, %add3A_39 : vector<16xi32>
      %gather3A_41 = tpu.vector_load_idx %arg5[%add3A_40] : memref<32768xf32, #tpu.memory_space<vmem>>[vector<16xi32>], vector<16xf32>,
      %gt3A_42 = arith.cmpf ogt, %gather3A_41, %select_n3A_34 : vector<16xf32>
      %gt3A_43 = arith.cmpf ogt, %gather3A_41, %select_n3A_31 : vector<16xf32>
      %select_n3A_44 = arith.select %gt3A_43, %gather3A_41, %select_n3A_31 : vector<16xi1>, vector<16xf32>
      %select_n3A_45 = arith.select %gt3A_42, %select_n3A_34, %select_n3A_44 : vector<16xi1>, vector<16xf32>
      %select_n3A_46 = arith.select %gt3A_43, %broadcast_in_dim3A_37, %select_n3A_33 : vector<16xi1>, vector<16xi32>
      %select_n3A_47 = arith.select %gt3A_42, %select_n3A_35, %select_n3A_46 : vector<16xi1>, vector<16xi32>
      %select_n3A_48 = arith.select %gt3A_42, %gather3A_41, %select_n3A_34 : vector<16xi1>, vector<16xf32>
      %select_n3A_49 = arith.select %gt3A_42, %broadcast_in_dim3A_37, %select_n3A_35 : vector<16xi1>, vector<16xi32>
      %broadcast_in_dim3A_50 = arith.constant 2 : i32
      %broadcast_in_dim3A_51 = vector.broadcast %broadcast_in_dim3A_50 : i32 to vector<16xi32>
      %add3A_52 = arith.constant 2 : i32
      %add3A_53 = vector.broadcast %add3A_52 : i32 to vector<16xi32>
      %add3A_54 = arith.addi %mul3A_24, %add3A_53 : vector<16xi32>
      %gather3A_55 = tpu.vector_load_idx %arg5[%add3A_54] : memref<32768xf32, #tpu.memory_space<vmem>>[vector<16xi32>], vector<16xf32>,
      %gt3A_56 = arith.cmpf ogt, %gather3A_55, %select_n3A_48 : vector<16xf32>
      %gt3A_57 = arith.cmpf ogt, %gather3A_55, %select_n3A_45 : vector<16xf32>
      %select_n3A_58 = arith.select %gt3A_57, %gather3A_55, %select_n3A_45 : vector<16xi1>, vector<16xf32>
      %select_n3A_59 = arith.select %gt3A_56, %select_n3A_48, %select_n3A_58 : vector<16xi1>, vector<16xf32>
      %select_n3A_60 = arith.select %gt3A_57, %broadcast_in_dim3A_51, %select_n3A_47 : vector<16xi1>, vector<16xi32>
      %select_n3A_61 = arith.select %gt3A_56, %select_n3A_49, %select_n3A_60 : vector<16xi1>, vector<16xi32>
      %select_n3A_62 = arith.select %gt3A_56, %gather3A_55, %select_n3A_48 : vector<16xi1>, vector<16xf32>
      %select_n3A_63 = arith.select %gt3A_56, %broadcast_in_dim3A_51, %select_n3A_49 : vector<16xi1>, vector<16xi32>
      %broadcast_in_dim3A_64 = arith.constant 3 : i32
      %broadcast_in_dim3A_65 = vector.broadcast %broadcast_in_dim3A_64 : i32 to vector<16xi32>
      %add3A_66 = arith.constant 3 : i32
      %add3A_67 = vector.broadcast %add3A_66 : i32 to vector<16xi32>
      %add3A_68 = arith.addi %mul3A_24, %add3A_67 : vector<16xi32>
      %gather3A_69 = tpu.vector_load_idx %arg5[%add3A_68] : memref<32768xf32, #tpu.memory_space<vmem>>[vector<16xi32>], vector<16xf32>,
      %gt3A_70 = arith.cmpf ogt, %gather3A_69, %select_n3A_62 : vector<16xf32>
      %gt3A_71 = arith.cmpf ogt, %gather3A_69, %select_n3A_59 : vector<16xf32>
      %select_n3A_72 = arith.select %gt3A_71, %gather3A_69, %select_n3A_59 : vector<16xi1>, vector<16xf32>
      %select_n3A_73 = arith.select %gt3A_70, %select_n3A_62, %select_n3A_72 : vector<16xi1>, vector<16xf32>
      %select_n3A_74 = arith.select %gt3A_71, %broadcast_in_dim3A_65, %select_n3A_61 : vector<16xi1>, vector<16xi32>
      %select_n3A_75 = arith.select %gt3A_70, %select_n3A_63, %select_n3A_74 : vector<16xi1>, vector<16xi32>
      %select_n3A_76 = arith.select %gt3A_70, %gather3A_69, %select_n3A_62 : vector<16xi1>, vector<16xf32>
      %select_n3A_77 = arith.select %gt3A_70, %broadcast_in_dim3A_65, %select_n3A_63 : vector<16xi1>, vector<16xi32>
      %broadcast_in_dim3A_78 = arith.constant 4 : i32
      %broadcast_in_dim3A_79 = vector.broadcast %broadcast_in_dim3A_78 : i32 to vector<16xi32>
      %add3A_80 = arith.constant 4 : i32
      %add3A_81 = vector.broadcast %add3A_80 : i32 to vector<16xi32>
      %add3A_82 = arith.addi %mul3A_24, %add3A_81 : vector<16xi32>
      %gather3A_83 = tpu.vector_load_idx %arg5[%add3A_82] : memref<32768xf32, #tpu.memory_space<vmem>>[vector<16xi32>], vector<16xf32>,
      %gt3A_84 = arith.cmpf ogt, %gather3A_83, %select_n3A_76 : vector<16xf32>
      %gt3A_85 = arith.cmpf ogt, %gather3A_83, %select_n3A_73 : vector<16xf32>
      %select_n3A_86 = arith.select %gt3A_85, %gather3A_83, %select_n3A_73 : vector<16xi1>, vector<16xf32>
      %select_n3A_87 = arith.select %gt3A_84, %select_n3A_76, %select_n3A_86 : vector<16xi1>, vector<16xf32>
      %select_n3A_88 = arith.select %gt3A_85, %broadcast_in_dim3A_79, %select_n3A_75 : vector<16xi1>, vector<16xi32>
      %select_n3A_89 = arith.select %gt3A_84, %select_n3A_77, %select_n3A_88 : vector<16xi1>, vector<16xi32>
      %select_n3A_90 = arith.select %gt3A_84, %gather3A_83, %select_n3A_76 : vector<16xi1>, vector<16xf32>
      %select_n3A_91 = arith.select %gt3A_84, %broadcast_in_dim3A_79, %select_n3A_77 : vector<16xi1>, vector<16xi32>
      %broadcast_in_dim3A_92 = arith.constant 5 : i32
      %broadcast_in_dim3A_93 = vector.broadcast %broadcast_in_dim3A_92 : i32 to vector<16xi32>
      %add3A_94 = arith.constant 5 : i32
      %add3A_95 = vector.broadcast %add3A_94 : i32 to vector<16xi32>
      %add3A_96 = arith.addi %mul3A_24, %add3A_95 : vector<16xi32>
      %gather3A_97 = tpu.vector_load_idx %arg5[%add3A_96] : memref<32768xf32, #tpu.memory_space<vmem>>[vector<16xi32>], vector<16xf32>,
      %gt3A_98 = arith.cmpf ogt, %gather3A_97, %select_n3A_90 : vector<16xf32>
      %gt3A_99 = arith.cmpf ogt, %gather3A_97, %select_n3A_87 : vector<16xf32>
      %select_n3A_100 = arith.select %gt3A_99, %gather3A_97, %select_n3A_87 : vector<16xi1>, vector<16xf32>
      %select_n3A_101 = arith.select %gt3A_98, %select_n3A_90, %select_n3A_100 : vector<16xi1>, vector<16xf32>
      %select_n3A_102 = arith.select %gt3A_99, %broadcast_in_dim3A_93, %select_n3A_89 : vector<16xi1>, vector<16xi32>
      %select_n3A_103 = arith.select %gt3A_98, %select_n3A_91, %select_n3A_102 : vector<16xi1>, vector<16xi32>
      %select_n3A_104 = arith.select %gt3A_98, %gather3A_97, %select_n3A_90 : vector<16xi1>, vector<16xf32>
      %select_n3A_105 = arith.select %gt3A_98, %broadcast_in_dim3A_93, %select_n3A_91 : vector<16xi1>, vector<16xi32>
      %broadcast_in_dim3A_106 = arith.constant 6 : i32
      %broadcast_in_dim3A_107 = vector.broadcast %broadcast_in_dim3A_106 : i32 to vector<16xi32>
      %add3A_108 = arith.constant 6 : i32
      %add3A_109 = vector.broadcast %add3A_108 : i32 to vector<16xi32>
      %add3A_110 = arith.addi %mul3A_24, %add3A_109 : vector<16xi32>
      %gather3A_111 = tpu.vector_load_idx %arg5[%add3A_110] : memref<32768xf32, #tpu.memory_space<vmem>>[vector<16xi32>], vector<16xf32>,
      %gt3A_112 = arith.cmpf ogt, %gather3A_111, %select_n3A_104 : vector<16xf32>
      %gt3A_113 = arith.cmpf ogt, %gather3A_111, %select_n3A_101 : vector<16xf32>
      %select_n3A_114 = arith.select %gt3A_113, %gather3A_111, %select_n3A_101 : vector<16xi1>, vector<16xf32>
      %select_n3A_115 = arith.select %gt3A_112, %select_n3A_104, %select_n3A_114 : vector<16xi1>, vector<16xf32>
      %select_n3A_116 = arith.select %gt3A_113, %broadcast_in_dim3A_107, %select_n3A_103 : vector<16xi1>, vector<16xi32>
      %select_n3A_117 = arith.select %gt3A_112, %select_n3A_105, %select_n3A_116 : vector<16xi1>, vector<16xi32>
      %select_n3A_118 = arith.select %gt3A_112, %gather3A_111, %select_n3A_104 : vector<16xi1>, vector<16xf32>
      %select_n3A_119 = arith.select %gt3A_112, %broadcast_in_dim3A_107, %select_n3A_105 : vector<16xi1>, vector<16xi32>
      %broadcast_in_dim3A_120 = arith.constant 7 : i32
      %broadcast_in_dim3A_121 = vector.broadcast %broadcast_in_dim3A_120 : i32 to vector<16xi32>
      %add3A_122 = arith.constant 7 : i32
      %add3A_123 = vector.broadcast %add3A_122 : i32 to vector<16xi32>
      %add3A_124 = arith.addi %mul3A_24, %add3A_123 : vector<16xi32>
      %gather3A_125 = tpu.vector_load_idx %arg5[%add3A_124] : memref<32768xf32, #tpu.memory_space<vmem>>[vector<16xi32>], vector<16xf32>,
      %gt3A_126 = arith.cmpf ogt, %gather3A_125, %select_n3A_118 : vector<16xf32>
      %gt3A_127 = arith.cmpf ogt, %gather3A_125, %select_n3A_115 : vector<16xf32>
      %select_n3A_128 = arith.select %gt3A_127, %gather3A_125, %select_n3A_115 : vector<16xi1>, vector<16xf32>
      %select_n3A_129 = arith.select %gt3A_126, %select_n3A_118, %select_n3A_128 : vector<16xi1>, vector<16xf32>
      %select_n3A_130 = arith.select %gt3A_127, %broadcast_in_dim3A_121, %select_n3A_117 : vector<16xi1>, vector<16xi32>
      %select_n3A_131 = arith.select %gt3A_126, %select_n3A_119, %select_n3A_130 : vector<16xi1>, vector<16xi32>
      %select_n3A_132 = arith.select %gt3A_126, %gather3A_125, %select_n3A_118 : vector<16xi1>, vector<16xf32>
      %select_n3A_133 = arith.select %gt3A_126, %broadcast_in_dim3A_121, %select_n3A_119 : vector<16xi1>, vector<16xi32>
      %broadcast_in_dim3A_134 = arith.constant 8 : i32
      %broadcast_in_dim3A_135 = vector.broadcast %broadcast_in_dim3A_134 : i32 to vector<16xi32>
      %add3A_136 = arith.constant 8 : i32
      %add3A_137 = vector.broadcast %add3A_136 : i32 to vector<16xi32>
      %add3A_138 = arith.addi %mul3A_24, %add3A_137 : vector<16xi32>
      %gather3A_139 = tpu.vector_load_idx %arg5[%add3A_138] : memref<32768xf32, #tpu.memory_space<vmem>>[vector<16xi32>], vector<16xf32>,
      %gt3A_140 = arith.cmpf ogt, %gather3A_139, %select_n3A_132 : vector<16xf32>
      %gt3A_141 = arith.cmpf ogt, %gather3A_139, %select_n3A_129 : vector<16xf32>
      %select_n3A_142 = arith.select %gt3A_141, %gather3A_139, %select_n3A_129 : vector<16xi1>, vector<16xf32>
      %select_n3A_143 = arith.select %gt3A_140, %select_n3A_132, %select_n3A_142 : vector<16xi1>, vector<16xf32>
      %select_n3A_144 = arith.select %gt3A_141, %broadcast_in_dim3A_135, %select_n3A_131 : vector<16xi1>, vector<16xi32>
      %select_n3A_145 = arith.select %gt3A_140, %select_n3A_133, %select_n3A_144 : vector<16xi1>, vector<16xi32>
      %select_n3A_146 = arith.select %gt3A_140, %gather3A_139, %select_n3A_132 : vector<16xi1>, vector<16xf32>
      %select_n3A_147 = arith.select %gt3A_140, %broadcast_in_dim3A_135, %select_n3A_133 : vector<16xi1>, vector<16xi32>
      %broadcast_in_dim3A_148 = arith.constant 9 : i32
      %broadcast_in_dim3A_149 = vector.broadcast %broadcast_in_dim3A_148 : i32 to vector<16xi32>
      %add3A_150 = arith.constant 9 : i32
      %add3A_151 = vector.broadcast %add3A_150 : i32 to vector<16xi32>
      %add3A_152 = arith.addi %mul3A_24, %add3A_151 : vector<16xi32>
      %gather3A_153 = tpu.vector_load_idx %arg5[%add3A_152] : memref<32768xf32, #tpu.memory_space<vmem>>[vector<16xi32>], vector<16xf32>,
      %gt3A_154 = arith.cmpf ogt, %gather3A_153, %select_n3A_146 : vector<16xf32>
      %gt3A_155 = arith.cmpf ogt, %gather3A_153, %select_n3A_143 : vector<16xf32>
      %select_n3A_156 = arith.select %gt3A_155, %gather3A_153, %select_n3A_143 : vector<16xi1>, vector<16xf32>
      %select_n3A_157 = arith.select %gt3A_154, %select_n3A_146, %select_n3A_156 : vector<16xi1>, vector<16xf32>
      %select_n3A_158 = arith.select %gt3A_155, %broadcast_in_dim3A_149, %select_n3A_145 : vector<16xi1>, vector<16xi32>
      %select_n3A_159 = arith.select %gt3A_154, %select_n3A_147, %select_n3A_158 : vector<16xi1>, vector<16xi32>
      %select_n3A_160 = arith.select %gt3A_154, %gather3A_153, %select_n3A_146 : vector<16xi1>, vector<16xf32>
      %select_n3A_161 = arith.select %gt3A_154, %broadcast_in_dim3A_149, %select_n3A_147 : vector<16xi1>, vector<16xi32>
      %broadcast_in_dim3A_162 = arith.constant 10 : i32
      %broadcast_in_dim3A_163 = vector.broadcast %broadcast_in_dim3A_162 : i32 to vector<16xi32>
      %add3A_164 = arith.constant 10 : i32
      %add3A_165 = vector.broadcast %add3A_164 : i32 to vector<16xi32>
      %add3A_166 = arith.addi %mul3A_24, %add3A_165 : vector<16xi32>
      %gather3A_167 = tpu.vector_load_idx %arg5[%add3A_166] : memref<32768xf32, #tpu.memory_space<vmem>>[vector<16xi32>], vector<16xf32>,
      %gt3A_168 = arith.cmpf ogt, %gather3A_167, %select_n3A_160 : vector<16xf32>
      %gt3A_169 = arith.cmpf ogt, %gather3A_167, %select_n3A_157 : vector<16xf32>
      %select_n3A_170 = arith.select %gt3A_169, %gather3A_167, %select_n3A_157 : vector<16xi1>, vector<16xf32>
      %select_n3A_171 = arith.select %gt3A_168, %select_n3A_160, %select_n3A_170 : vector<16xi1>, vector<16xf32>
      %select_n3A_172 = arith.select %gt3A_169, %broadcast_in_dim3A_163, %select_n3A_159 : vector<16xi1>, vector<16xi32>
      %select_n3A_173 = arith.select %gt3A_168, %select_n3A_161, %select_n3A_172 : vector<16xi1>, vector<16xi32>
      %select_n3A_174 = arith.select %gt3A_168, %gather3A_167, %select_n3A_160 : vector<16xi1>, vector<16xf32>
      %select_n3A_175 = arith.select %gt3A_168, %broadcast_in_dim3A_163, %select_n3A_161 : vector<16xi1>, vector<16xi32>
      %broadcast_in_dim3A_176 = arith.constant 11 : i32
      %broadcast_in_dim3A_177 = vector.broadcast %broadcast_in_dim3A_176 : i32 to vector<16xi32>
      %add3A_178 = arith.constant 11 : i32
      %add3A_179 = vector.broadcast %add3A_178 : i32 to vector<16xi32>
      %add3A_180 = arith.addi %mul3A_24, %add3A_179 : vector<16xi32>
      %gather3A_181 = tpu.vector_load_idx %arg5[%add3A_180] : memref<32768xf32, #tpu.memory_space<vmem>>[vector<16xi32>], vector<16xf32>,
      %gt3A_182 = arith.cmpf ogt, %gather3A_181, %select_n3A_174 : vector<16xf32>
      %gt3A_183 = arith.cmpf ogt, %gather3A_181, %select_n3A_171 : vector<16xf32>
      %select_n3A_184 = arith.select %gt3A_183, %gather3A_181, %select_n3A_171 : vector<16xi1>, vector<16xf32>
      %select_n3A_185 = arith.select %gt3A_182, %select_n3A_174, %select_n3A_184 : vector<16xi1>, vector<16xf32>
      %select_n3A_186 = arith.select %gt3A_183, %broadcast_in_dim3A_177, %select_n3A_173 : vector<16xi1>, vector<16xi32>
      %select_n3A_187 = arith.select %gt3A_182, %select_n3A_175, %select_n3A_186 : vector<16xi1>, vector<16xi32>
      %select_n3A_188 = arith.select %gt3A_182, %gather3A_181, %select_n3A_174 : vector<16xi1>, vector<16xf32>
      %select_n3A_189 = arith.select %gt3A_182, %broadcast_in_dim3A_177, %select_n3A_175 : vector<16xi1>, vector<16xi32>
      %broadcast_in_dim3A_190 = arith.constant 12 : i32
      %broadcast_in_dim3A_191 = vector.broadcast %broadcast_in_dim3A_190 : i32 to vector<16xi32>
      %add3A_192 = arith.constant 12 : i32
      %add3A_193 = vector.broadcast %add3A_192 : i32 to vector<16xi32>
      %add3A_194 = arith.addi %mul3A_24, %add3A_193 : vector<16xi32>
      %gather3A_195 = tpu.vector_load_idx %arg5[%add3A_194] : memref<32768xf32, #tpu.memory_space<vmem>>[vector<16xi32>], vector<16xf32>,
      %gt3A_196 = arith.cmpf ogt, %gather3A_195, %select_n3A_188 : vector<16xf32>
      %gt3A_197 = arith.cmpf ogt, %gather3A_195, %select_n3A_185 : vector<16xf32>
      %select_n3A_198 = arith.select %gt3A_197, %gather3A_195, %select_n3A_185 : vector<16xi1>, vector<16xf32>
      %select_n3A_199 = arith.select %gt3A_196, %select_n3A_188, %select_n3A_198 : vector<16xi1>, vector<16xf32>
      %select_n3A_200 = arith.select %gt3A_197, %broadcast_in_dim3A_191, %select_n3A_187 : vector<16xi1>, vector<16xi32>
      %select_n3A_201 = arith.select %gt3A_196, %select_n3A_189, %select_n3A_200 : vector<16xi1>, vector<16xi32>
      %select_n3A_202 = arith.select %gt3A_196, %gather3A_195, %select_n3A_188 : vector<16xi1>, vector<16xf32>
      %select_n3A_203 = arith.select %gt3A_196, %broadcast_in_dim3A_191, %select_n3A_189 : vector<16xi1>, vector<16xi32>
      %broadcast_in_dim3A_204 = arith.constant 13 : i32
      %broadcast_in_dim3A_205 = vector.broadcast %broadcast_in_dim3A_204 : i32 to vector<16xi32>
      %add3A_206 = arith.constant 13 : i32
      %add3A_207 = vector.broadcast %add3A_206 : i32 to vector<16xi32>
      %add3A_208 = arith.addi %mul3A_24, %add3A_207 : vector<16xi32>
      %gather3A_209 = tpu.vector_load_idx %arg5[%add3A_208] : memref<32768xf32, #tpu.memory_space<vmem>>[vector<16xi32>], vector<16xf32>,
      %gt3A_210 = arith.cmpf ogt, %gather3A_209, %select_n3A_202 : vector<16xf32>
      %gt3A_211 = arith.cmpf ogt, %gather3A_209, %select_n3A_199 : vector<16xf32>
      %select_n3A_212 = arith.select %gt3A_211, %gather3A_209, %select_n3A_199 : vector<16xi1>, vector<16xf32>
      %select_n3A_213 = arith.select %gt3A_210, %select_n3A_202, %select_n3A_212 : vector<16xi1>, vector<16xf32>
      %select_n3A_214 = arith.select %gt3A_211, %broadcast_in_dim3A_205, %select_n3A_201 : vector<16xi1>, vector<16xi32>
      %select_n3A_215 = arith.select %gt3A_210, %select_n3A_203, %select_n3A_214 : vector<16xi1>, vector<16xi32>
      %select_n3A_216 = arith.select %gt3A_210, %gather3A_209, %select_n3A_202 : vector<16xi1>, vector<16xf32>
      %select_n3A_217 = arith.select %gt3A_210, %broadcast_in_dim3A_205, %select_n3A_203 : vector<16xi1>, vector<16xi32>
      %broadcast_in_dim3A_218 = arith.constant 14 : i32
      %broadcast_in_dim3A_219 = vector.broadcast %broadcast_in_dim3A_218 : i32 to vector<16xi32>
      %add3A_220 = arith.constant 14 : i32
      %add3A_221 = vector.broadcast %add3A_220 : i32 to vector<16xi32>
      %add3A_222 = arith.addi %mul3A_24, %add3A_221 : vector<16xi32>
      %gather3A_223 = tpu.vector_load_idx %arg5[%add3A_222] : memref<32768xf32, #tpu.memory_space<vmem>>[vector<16xi32>], vector<16xf32>,
      %gt3A_224 = arith.cmpf ogt, %gather3A_223, %select_n3A_216 : vector<16xf32>
      %gt3A_225 = arith.cmpf ogt, %gather3A_223, %select_n3A_213 : vector<16xf32>
      %select_n3A_226 = arith.select %gt3A_225, %gather3A_223, %select_n3A_213 : vector<16xi1>, vector<16xf32>
      %select_n3A_227 = arith.select %gt3A_224, %select_n3A_216, %select_n3A_226 : vector<16xi1>, vector<16xf32>
      %select_n3A_228 = arith.select %gt3A_225, %broadcast_in_dim3A_219, %select_n3A_215 : vector<16xi1>, vector<16xi32>
      %select_n3A_229 = arith.select %gt3A_224, %select_n3A_217, %select_n3A_228 : vector<16xi1>, vector<16xi32>
      %select_n3A_230 = arith.select %gt3A_224, %gather3A_223, %select_n3A_216 : vector<16xi1>, vector<16xf32>
      %select_n3A_231 = arith.select %gt3A_224, %broadcast_in_dim3A_219, %select_n3A_217 : vector<16xi1>, vector<16xi32>
      %broadcast_in_dim3A_232 = arith.constant 15 : i32
      %broadcast_in_dim3A_233 = vector.broadcast %broadcast_in_dim3A_232 : i32 to vector<16xi32>
      %add3A_234 = arith.constant 15 : i32
      %add3A_235 = vector.broadcast %add3A_234 : i32 to vector<16xi32>
      %add3A_236 = arith.addi %mul3A_24, %add3A_235 : vector<16xi32>
      %gather3A_237 = tpu.vector_load_idx %arg5[%add3A_236] : memref<32768xf32, #tpu.memory_space<vmem>>[vector<16xi32>], vector<16xf32>,
      %gt3A_238 = arith.cmpf ogt, %gather3A_237, %select_n3A_230 : vector<16xf32>
      %gt3A_239 = arith.cmpf ogt, %gather3A_237, %select_n3A_227 : vector<16xf32>
      %select_n3A_240 = arith.select %gt3A_239, %gather3A_237, %select_n3A_227 : vector<16xi1>, vector<16xf32>
      %select_n3A_241 = arith.select %gt3A_238, %select_n3A_230, %select_n3A_240 : vector<16xi1>, vector<16xf32>
      %select_n3A_242 = arith.select %gt3A_239, %broadcast_in_dim3A_233, %select_n3A_229 : vector<16xi1>, vector<16xi32>
      %select_n3A_243 = arith.select %gt3A_238, %select_n3A_231, %select_n3A_242 : vector<16xi1>, vector<16xi32>
      %select_n3A_244 = arith.select %gt3A_238, %gather3A_237, %select_n3A_230 : vector<16xi1>, vector<16xf32>
      %select_n3A_245 = arith.select %gt3A_238, %broadcast_in_dim3A_233, %select_n3A_231 : vector<16xi1>, vector<16xi32>
      %broadcast_in_dim3A_246 = arith.constant 16 : i32
      %broadcast_in_dim3A_247 = vector.broadcast %broadcast_in_dim3A_246 : i32 to vector<16xi32>
      %add3A_248 = arith.constant 16 : i32
      %add3A_249 = vector.broadcast %add3A_248 : i32 to vector<16xi32>
      %add3A_250 = arith.addi %mul3A_24, %add3A_249 : vector<16xi32>
      %gather3A_251 = tpu.vector_load_idx %arg5[%add3A_250] : memref<32768xf32, #tpu.memory_space<vmem>>[vector<16xi32>], vector<16xf32>,
      %gt3A_252 = arith.cmpf ogt, %gather3A_251, %select_n3A_244 : vector<16xf32>
      %gt3A_253 = arith.cmpf ogt, %gather3A_251, %select_n3A_241 : vector<16xf32>
      %select_n3A_254 = arith.select %gt3A_253, %gather3A_251, %select_n3A_241 : vector<16xi1>, vector<16xf32>
      %select_n3A_255 = arith.select %gt3A_252, %select_n3A_244, %select_n3A_254 : vector<16xi1>, vector<16xf32>
      %select_n3A_256 = arith.select %gt3A_253, %broadcast_in_dim3A_247, %select_n3A_243 : vector<16xi1>, vector<16xi32>
      %select_n3A_257 = arith.select %gt3A_252, %select_n3A_245, %select_n3A_256 : vector<16xi1>, vector<16xi32>
      %select_n3A_258 = arith.select %gt3A_252, %gather3A_251, %select_n3A_244 : vector<16xi1>, vector<16xf32>
      %select_n3A_259 = arith.select %gt3A_252, %broadcast_in_dim3A_247, %select_n3A_245 : vector<16xi1>, vector<16xi32>
      %broadcast_in_dim3A_260 = arith.constant 17 : i32
      %broadcast_in_dim3A_261 = vector.broadcast %broadcast_in_dim3A_260 : i32 to vector<16xi32>
      %add3A_262 = arith.constant 17 : i32
      %add3A_263 = vector.broadcast %add3A_262 : i32 to vector<16xi32>
      %add3A_264 = arith.addi %mul3A_24, %add3A_263 : vector<16xi32>
      %gather3A_265 = tpu.vector_load_idx %arg5[%add3A_264] : memref<32768xf32, #tpu.memory_space<vmem>>[vector<16xi32>], vector<16xf32>,
      %gt3A_266 = arith.cmpf ogt, %gather3A_265, %select_n3A_258 : vector<16xf32>
      %gt3A_267 = arith.cmpf ogt, %gather3A_265, %select_n3A_255 : vector<16xf32>
      %select_n3A_268 = arith.select %gt3A_267, %gather3A_265, %select_n3A_255 : vector<16xi1>, vector<16xf32>
      %select_n3A_269 = arith.select %gt3A_266, %select_n3A_258, %select_n3A_268 : vector<16xi1>, vector<16xf32>
      %select_n3A_270 = arith.select %gt3A_267, %broadcast_in_dim3A_261, %select_n3A_257 : vector<16xi1>, vector<16xi32>
      %select_n3A_271 = arith.select %gt3A_266, %select_n3A_259, %select_n3A_270 : vector<16xi1>, vector<16xi32>
      %select_n3A_272 = arith.select %gt3A_266, %gather3A_265, %select_n3A_258 : vector<16xi1>, vector<16xf32>
      %select_n3A_273 = arith.select %gt3A_266, %broadcast_in_dim3A_261, %select_n3A_259 : vector<16xi1>, vector<16xi32>
      %broadcast_in_dim3A_274 = arith.constant 18 : i32
      %broadcast_in_dim3A_275 = vector.broadcast %broadcast_in_dim3A_274 : i32 to vector<16xi32>
      %add3A_276 = arith.constant 18 : i32
      %add3A_277 = vector.broadcast %add3A_276 : i32 to vector<16xi32>
      %add3A_278 = arith.addi %mul3A_24, %add3A_277 : vector<16xi32>
      %gather3A_279 = tpu.vector_load_idx %arg5[%add3A_278] : memref<32768xf32, #tpu.memory_space<vmem>>[vector<16xi32>], vector<16xf32>,
      %gt3A_280 = arith.cmpf ogt, %gather3A_279, %select_n3A_272 : vector<16xf32>
      %gt3A_281 = arith.cmpf ogt, %gather3A_279, %select_n3A_269 : vector<16xf32>
      %select_n3A_282 = arith.select %gt3A_281, %gather3A_279, %select_n3A_269 : vector<16xi1>, vector<16xf32>
      %select_n3A_283 = arith.select %gt3A_280, %select_n3A_272, %select_n3A_282 : vector<16xi1>, vector<16xf32>
      %select_n3A_284 = arith.select %gt3A_281, %broadcast_in_dim3A_275, %select_n3A_271 : vector<16xi1>, vector<16xi32>
      %select_n3A_285 = arith.select %gt3A_280, %select_n3A_273, %select_n3A_284 : vector<16xi1>, vector<16xi32>
      %select_n3A_286 = arith.select %gt3A_280, %gather3A_279, %select_n3A_272 : vector<16xi1>, vector<16xf32>
      %select_n3A_287 = arith.select %gt3A_280, %broadcast_in_dim3A_275, %select_n3A_273 : vector<16xi1>, vector<16xi32>
      %broadcast_in_dim3A_288 = arith.constant 19 : i32
      %broadcast_in_dim3A_289 = vector.broadcast %broadcast_in_dim3A_288 : i32 to vector<16xi32>
      %add3A_290 = arith.constant 19 : i32
      %add3A_291 = vector.broadcast %add3A_290 : i32 to vector<16xi32>
      %add3A_292 = arith.addi %mul3A_24, %add3A_291 : vector<16xi32>
      %gather3A_293 = tpu.vector_load_idx %arg5[%add3A_292] : memref<32768xf32, #tpu.memory_space<vmem>>[vector<16xi32>], vector<16xf32>,
      %gt3A_294 = arith.cmpf ogt, %gather3A_293, %select_n3A_286 : vector<16xf32>
      %gt3A_295 = arith.cmpf ogt, %gather3A_293, %select_n3A_283 : vector<16xf32>
      %select_n3A_296 = arith.select %gt3A_295, %gather3A_293, %select_n3A_283 : vector<16xi1>, vector<16xf32>
      %select_n3A_297 = arith.select %gt3A_294, %select_n3A_286, %select_n3A_296 : vector<16xi1>, vector<16xf32>
      %select_n3A_298 = arith.select %gt3A_295, %broadcast_in_dim3A_289, %select_n3A_285 : vector<16xi1>, vector<16xi32>
      %select_n3A_299 = arith.select %gt3A_294, %select_n3A_287, %select_n3A_298 : vector<16xi1>, vector<16xi32>
      %select_n3A_300 = arith.select %gt3A_294, %gather3A_293, %select_n3A_286 : vector<16xi1>, vector<16xf32>
      %select_n3A_301 = arith.select %gt3A_294, %broadcast_in_dim3A_289, %select_n3A_287 : vector<16xi1>, vector<16xi32>
      %broadcast_in_dim3A_302 = arith.constant 20 : i32
      %broadcast_in_dim3A_303 = vector.broadcast %broadcast_in_dim3A_302 : i32 to vector<16xi32>
      %add3A_304 = arith.constant 20 : i32
      %add3A_305 = vector.broadcast %add3A_304 : i32 to vector<16xi32>
      %add3A_306 = arith.addi %mul3A_24, %add3A_305 : vector<16xi32>
      %gather3A_307 = tpu.vector_load_idx %arg5[%add3A_306] : memref<32768xf32, #tpu.memory_space<vmem>>[vector<16xi32>], vector<16xf32>,
      %gt3A_308 = arith.cmpf ogt, %gather3A_307, %select_n3A_300 : vector<16xf32>
      %gt3A_309 = arith.cmpf ogt, %gather3A_307, %select_n3A_297 : vector<16xf32>
      %select_n3A_310 = arith.select %gt3A_309, %gather3A_307, %select_n3A_297 : vector<16xi1>, vector<16xf32>
      %select_n3A_311 = arith.select %gt3A_308, %select_n3A_300, %select_n3A_310 : vector<16xi1>, vector<16xf32>
      %select_n3A_312 = arith.select %gt3A_309, %broadcast_in_dim3A_303, %select_n3A_299 : vector<16xi1>, vector<16xi32>
      %select_n3A_313 = arith.select %gt3A_308, %select_n3A_301, %select_n3A_312 : vector<16xi1>, vector<16xi32>
      %select_n3A_314 = arith.select %gt3A_308, %gather3A_307, %select_n3A_300 : vector<16xi1>, vector<16xf32>
      %select_n3A_315 = arith.select %gt3A_308, %broadcast_in_dim3A_303, %select_n3A_301 : vector<16xi1>, vector<16xi32>
      %broadcast_in_dim3A_316 = arith.constant 21 : i32
      %broadcast_in_dim3A_317 = vector.broadcast %broadcast_in_dim3A_316 : i32 to vector<16xi32>
      %add3A_318 = arith.constant 21 : i32
      %add3A_319 = vector.broadcast %add3A_318 : i32 to vector<16xi32>
      %add3A_320 = arith.addi %mul3A_24, %add3A_319 : vector<16xi32>
      %gather3A_321 = tpu.vector_load_idx %arg5[%add3A_320] : memref<32768xf32, #tpu.memory_space<vmem>>[vector<16xi32>], vector<16xf32>,
      %gt3A_322 = arith.cmpf ogt, %gather3A_321, %select_n3A_314 : vector<16xf32>
      %gt3A_323 = arith.cmpf ogt, %gather3A_321, %select_n3A_311 : vector<16xf32>
      %select_n3A_324 = arith.select %gt3A_323, %gather3A_321, %select_n3A_311 : vector<16xi1>, vector<16xf32>
      %select_n3A_325 = arith.select %gt3A_322, %select_n3A_314, %select_n3A_324 : vector<16xi1>, vector<16xf32>
      %select_n3A_326 = arith.select %gt3A_323, %broadcast_in_dim3A_317, %select_n3A_313 : vector<16xi1>, vector<16xi32>
      %select_n3A_327 = arith.select %gt3A_322, %select_n3A_315, %select_n3A_326 : vector<16xi1>, vector<16xi32>
      %select_n3A_328 = arith.select %gt3A_322, %gather3A_321, %select_n3A_314 : vector<16xi1>, vector<16xf32>
      %select_n3A_329 = arith.select %gt3A_322, %broadcast_in_dim3A_317, %select_n3A_315 : vector<16xi1>, vector<16xi32>
      %broadcast_in_dim3A_330 = arith.constant 22 : i32
      %broadcast_in_dim3A_331 = vector.broadcast %broadcast_in_dim3A_330 : i32 to vector<16xi32>
      %add3A_332 = arith.constant 22 : i32
      %add3A_333 = vector.broadcast %add3A_332 : i32 to vector<16xi32>
      %add3A_334 = arith.addi %mul3A_24, %add3A_333 : vector<16xi32>
      %gather3A_335 = tpu.vector_load_idx %arg5[%add3A_334] : memref<32768xf32, #tpu.memory_space<vmem>>[vector<16xi32>], vector<16xf32>,
      %gt3A_336 = arith.cmpf ogt, %gather3A_335, %select_n3A_328 : vector<16xf32>
      %gt3A_337 = arith.cmpf ogt, %gather3A_335, %select_n3A_325 : vector<16xf32>
      %select_n3A_338 = arith.select %gt3A_337, %gather3A_335, %select_n3A_325 : vector<16xi1>, vector<16xf32>
      %select_n3A_339 = arith.select %gt3A_336, %select_n3A_328, %select_n3A_338 : vector<16xi1>, vector<16xf32>
      %select_n3A_340 = arith.select %gt3A_337, %broadcast_in_dim3A_331, %select_n3A_327 : vector<16xi1>, vector<16xi32>
      %select_n3A_341 = arith.select %gt3A_336, %select_n3A_329, %select_n3A_340 : vector<16xi1>, vector<16xi32>
      %select_n3A_342 = arith.select %gt3A_336, %gather3A_335, %select_n3A_328 : vector<16xi1>, vector<16xf32>
      %select_n3A_343 = arith.select %gt3A_336, %broadcast_in_dim3A_331, %select_n3A_329 : vector<16xi1>, vector<16xi32>
      %broadcast_in_dim3A_344 = arith.constant 23 : i32
      %broadcast_in_dim3A_345 = vector.broadcast %broadcast_in_dim3A_344 : i32 to vector<16xi32>
      %add3A_346 = arith.constant 23 : i32
      %add3A_347 = vector.broadcast %add3A_346 : i32 to vector<16xi32>
      %add3A_348 = arith.addi %mul3A_24, %add3A_347 : vector<16xi32>
      %gather3A_349 = tpu.vector_load_idx %arg5[%add3A_348] : memref<32768xf32, #tpu.memory_space<vmem>>[vector<16xi32>], vector<16xf32>,
      %gt3A_350 = arith.cmpf ogt, %gather3A_349, %select_n3A_342 : vector<16xf32>
      %gt3A_351 = arith.cmpf ogt, %gather3A_349, %select_n3A_339 : vector<16xf32>
      %select_n3A_352 = arith.select %gt3A_351, %gather3A_349, %select_n3A_339 : vector<16xi1>, vector<16xf32>
      %select_n3A_353 = arith.select %gt3A_350, %select_n3A_342, %select_n3A_352 : vector<16xi1>, vector<16xf32>
      %select_n3A_354 = arith.select %gt3A_351, %broadcast_in_dim3A_345, %select_n3A_341 : vector<16xi1>, vector<16xi32>
      %select_n3A_355 = arith.select %gt3A_350, %select_n3A_343, %select_n3A_354 : vector<16xi1>, vector<16xi32>
      %select_n3A_356 = arith.select %gt3A_350, %gather3A_349, %select_n3A_342 : vector<16xi1>, vector<16xf32>
      %select_n3A_357 = arith.select %gt3A_350, %broadcast_in_dim3A_345, %select_n3A_343 : vector<16xi1>, vector<16xi32>
      %broadcast_in_dim3A_358 = arith.constant 24 : i32
      %broadcast_in_dim3A_359 = vector.broadcast %broadcast_in_dim3A_358 : i32 to vector<16xi32>
      %add3A_360 = arith.constant 24 : i32
      %add3A_361 = vector.broadcast %add3A_360 : i32 to vector<16xi32>
      %add3A_362 = arith.addi %mul3A_24, %add3A_361 : vector<16xi32>
      %gather3A_363 = tpu.vector_load_idx %arg5[%add3A_362] : memref<32768xf32, #tpu.memory_space<vmem>>[vector<16xi32>], vector<16xf32>,
      %gt3A_364 = arith.cmpf ogt, %gather3A_363, %select_n3A_356 : vector<16xf32>
      %gt3A_365 = arith.cmpf ogt, %gather3A_363, %select_n3A_353 : vector<16xf32>
      %select_n3A_366 = arith.select %gt3A_365, %gather3A_363, %select_n3A_353 : vector<16xi1>, vector<16xf32>
      %select_n3A_367 = arith.select %gt3A_364, %select_n3A_356, %select_n3A_366 : vector<16xi1>, vector<16xf32>
      %select_n3A_368 = arith.select %gt3A_365, %broadcast_in_dim3A_359, %select_n3A_355 : vector<16xi1>, vector<16xi32>
      %select_n3A_369 = arith.select %gt3A_364, %select_n3A_357, %select_n3A_368 : vector<16xi1>, vector<16xi32>
      %select_n3A_370 = arith.select %gt3A_364, %gather3A_363, %select_n3A_356 : vector<16xi1>, vector<16xf32>
      %select_n3A_371 = arith.select %gt3A_364, %broadcast_in_dim3A_359, %select_n3A_357 : vector<16xi1>, vector<16xi32>
      %broadcast_in_dim3A_372 = arith.constant 25 : i32
      %broadcast_in_dim3A_373 = vector.broadcast %broadcast_in_dim3A_372 : i32 to vector<16xi32>
      %add3A_374 = arith.constant 25 : i32
      %add3A_375 = vector.broadcast %add3A_374 : i32 to vector<16xi32>
      %add3A_376 = arith.addi %mul3A_24, %add3A_375 : vector<16xi32>
      %gather3A_377 = tpu.vector_load_idx %arg5[%add3A_376] : memref<32768xf32, #tpu.memory_space<vmem>>[vector<16xi32>], vector<16xf32>,
      %gt3A_378 = arith.cmpf ogt, %gather3A_377, %select_n3A_370 : vector<16xf32>
      %gt3A_379 = arith.cmpf ogt, %gather3A_377, %select_n3A_367 : vector<16xf32>
      %select_n3A_380 = arith.select %gt3A_379, %gather3A_377, %select_n3A_367 : vector<16xi1>, vector<16xf32>
      %select_n3A_381 = arith.select %gt3A_378, %select_n3A_370, %select_n3A_380 : vector<16xi1>, vector<16xf32>
      %select_n3A_382 = arith.select %gt3A_379, %broadcast_in_dim3A_373, %select_n3A_369 : vector<16xi1>, vector<16xi32>
      %select_n3A_383 = arith.select %gt3A_378, %select_n3A_371, %select_n3A_382 : vector<16xi1>, vector<16xi32>
      %select_n3A_384 = arith.select %gt3A_378, %gather3A_377, %select_n3A_370 : vector<16xi1>, vector<16xf32>
      %select_n3A_385 = arith.select %gt3A_378, %broadcast_in_dim3A_373, %select_n3A_371 : vector<16xi1>, vector<16xi32>
      %broadcast_in_dim3A_386 = arith.constant 26 : i32
      %broadcast_in_dim3A_387 = vector.broadcast %broadcast_in_dim3A_386 : i32 to vector<16xi32>
      %add3A_388 = arith.constant 26 : i32
      %add3A_389 = vector.broadcast %add3A_388 : i32 to vector<16xi32>
      %add3A_390 = arith.addi %mul3A_24, %add3A_389 : vector<16xi32>
      %gather3A_391 = tpu.vector_load_idx %arg5[%add3A_390] : memref<32768xf32, #tpu.memory_space<vmem>>[vector<16xi32>], vector<16xf32>,
      %gt3A_392 = arith.cmpf ogt, %gather3A_391, %select_n3A_384 : vector<16xf32>
      %gt3A_393 = arith.cmpf ogt, %gather3A_391, %select_n3A_381 : vector<16xf32>
      %select_n3A_394 = arith.select %gt3A_393, %gather3A_391, %select_n3A_381 : vector<16xi1>, vector<16xf32>
      %select_n3A_395 = arith.select %gt3A_392, %select_n3A_384, %select_n3A_394 : vector<16xi1>, vector<16xf32>
      %select_n3A_396 = arith.select %gt3A_393, %broadcast_in_dim3A_387, %select_n3A_383 : vector<16xi1>, vector<16xi32>
      %select_n3A_397 = arith.select %gt3A_392, %select_n3A_385, %select_n3A_396 : vector<16xi1>, vector<16xi32>
      %select_n3A_398 = arith.select %gt3A_392, %gather3A_391, %select_n3A_384 : vector<16xi1>, vector<16xf32>
      %select_n3A_399 = arith.select %gt3A_392, %broadcast_in_dim3A_387, %select_n3A_385 : vector<16xi1>, vector<16xi32>
      %broadcast_in_dim3A_400 = arith.constant 27 : i32
      %broadcast_in_dim3A_401 = vector.broadcast %broadcast_in_dim3A_400 : i32 to vector<16xi32>
      %add3A_402 = arith.constant 27 : i32
      %add3A_403 = vector.broadcast %add3A_402 : i32 to vector<16xi32>
      %add3A_404 = arith.addi %mul3A_24, %add3A_403 : vector<16xi32>
      %gather3A_405 = tpu.vector_load_idx %arg5[%add3A_404] : memref<32768xf32, #tpu.memory_space<vmem>>[vector<16xi32>], vector<16xf32>,
      %gt3A_406 = arith.cmpf ogt, %gather3A_405, %select_n3A_398 : vector<16xf32>
      %gt3A_407 = arith.cmpf ogt, %gather3A_405, %select_n3A_395 : vector<16xf32>
      %select_n3A_408 = arith.select %gt3A_407, %gather3A_405, %select_n3A_395 : vector<16xi1>, vector<16xf32>
      %select_n3A_409 = arith.select %gt3A_406, %select_n3A_398, %select_n3A_408 : vector<16xi1>, vector<16xf32>
      %select_n3A_410 = arith.select %gt3A_407, %broadcast_in_dim3A_401, %select_n3A_397 : vector<16xi1>, vector<16xi32>
      %select_n3A_411 = arith.select %gt3A_406, %select_n3A_399, %select_n3A_410 : vector<16xi1>, vector<16xi32>
      %select_n3A_412 = arith.select %gt3A_406, %gather3A_405, %select_n3A_398 : vector<16xi1>, vector<16xf32>
      %select_n3A_413 = arith.select %gt3A_406, %broadcast_in_dim3A_401, %select_n3A_399 : vector<16xi1>, vector<16xi32>
      %broadcast_in_dim3A_414 = arith.constant 28 : i32
      %broadcast_in_dim3A_415 = vector.broadcast %broadcast_in_dim3A_414 : i32 to vector<16xi32>
      %add3A_416 = arith.constant 28 : i32
      %add3A_417 = vector.broadcast %add3A_416 : i32 to vector<16xi32>
      %add3A_418 = arith.addi %mul3A_24, %add3A_417 : vector<16xi32>
      %gather3A_419 = tpu.vector_load_idx %arg5[%add3A_418] : memref<32768xf32, #tpu.memory_space<vmem>>[vector<16xi32>], vector<16xf32>,
      %gt3A_420 = arith.cmpf ogt, %gather3A_419, %select_n3A_412 : vector<16xf32>
      %gt3A_421 = arith.cmpf ogt, %gather3A_419, %select_n3A_409 : vector<16xf32>
      %select_n3A_422 = arith.select %gt3A_421, %gather3A_419, %select_n3A_409 : vector<16xi1>, vector<16xf32>
      %select_n3A_423 = arith.select %gt3A_420, %select_n3A_412, %select_n3A_422 : vector<16xi1>, vector<16xf32>
      %select_n3A_424 = arith.select %gt3A_421, %broadcast_in_dim3A_415, %select_n3A_411 : vector<16xi1>, vector<16xi32>
      %select_n3A_425 = arith.select %gt3A_420, %select_n3A_413, %select_n3A_424 : vector<16xi1>, vector<16xi32>
      %select_n3A_426 = arith.select %gt3A_420, %gather3A_419, %select_n3A_412 : vector<16xi1>, vector<16xf32>
      %select_n3A_427 = arith.select %gt3A_420, %broadcast_in_dim3A_415, %select_n3A_413 : vector<16xi1>, vector<16xi32>
      %broadcast_in_dim3A_428 = arith.constant 29 : i32
      %broadcast_in_dim3A_429 = vector.broadcast %broadcast_in_dim3A_428 : i32 to vector<16xi32>
      %add3A_430 = arith.constant 29 : i32
      %add3A_431 = vector.broadcast %add3A_430 : i32 to vector<16xi32>
      %add3A_432 = arith.addi %mul3A_24, %add3A_431 : vector<16xi32>
      %gather3A_433 = tpu.vector_load_idx %arg5[%add3A_432] : memref<32768xf32, #tpu.memory_space<vmem>>[vector<16xi32>], vector<16xf32>,
      %gt3A_434 = arith.cmpf ogt, %gather3A_433, %select_n3A_426 : vector<16xf32>
      %gt3A_435 = arith.cmpf ogt, %gather3A_433, %select_n3A_423 : vector<16xf32>
      %select_n3A_436 = arith.select %gt3A_435, %gather3A_433, %select_n3A_423 : vector<16xi1>, vector<16xf32>
      %select_n3A_437 = arith.select %gt3A_434, %select_n3A_426, %select_n3A_436 : vector<16xi1>, vector<16xf32>
      %select_n3A_438 = arith.select %gt3A_435, %broadcast_in_dim3A_429, %select_n3A_425 : vector<16xi1>, vector<16xi32>
      %select_n3A_439 = arith.select %gt3A_434, %select_n3A_427, %select_n3A_438 : vector<16xi1>, vector<16xi32>
      %select_n3A_440 = arith.select %gt3A_434, %gather3A_433, %select_n3A_426 : vector<16xi1>, vector<16xf32>
      %select_n3A_441 = arith.select %gt3A_434, %broadcast_in_dim3A_429, %select_n3A_427 : vector<16xi1>, vector<16xi32>
      %broadcast_in_dim3A_442 = arith.constant 30 : i32
      %broadcast_in_dim3A_443 = vector.broadcast %broadcast_in_dim3A_442 : i32 to vector<16xi32>
      %add3A_444 = arith.constant 30 : i32
      %add3A_445 = vector.broadcast %add3A_444 : i32 to vector<16xi32>
      %add3A_446 = arith.addi %mul3A_24, %add3A_445 : vector<16xi32>
      %gather3A_447 = tpu.vector_load_idx %arg5[%add3A_446] : memref<32768xf32, #tpu.memory_space<vmem>>[vector<16xi32>], vector<16xf32>,
      %gt3A_448 = arith.cmpf ogt, %gather3A_447, %select_n3A_440 : vector<16xf32>
      %gt3A_449 = arith.cmpf ogt, %gather3A_447, %select_n3A_437 : vector<16xf32>
      %select_n3A_450 = arith.select %gt3A_449, %gather3A_447, %select_n3A_437 : vector<16xi1>, vector<16xf32>
      %select_n3A_451 = arith.select %gt3A_448, %select_n3A_440, %select_n3A_450 : vector<16xi1>, vector<16xf32>
      %select_n3A_452 = arith.select %gt3A_449, %broadcast_in_dim3A_443, %select_n3A_439 : vector<16xi1>, vector<16xi32>
      %select_n3A_453 = arith.select %gt3A_448, %select_n3A_441, %select_n3A_452 : vector<16xi1>, vector<16xi32>
      %select_n3A_454 = arith.select %gt3A_448, %gather3A_447, %select_n3A_440 : vector<16xi1>, vector<16xf32>
      %select_n3A_455 = arith.select %gt3A_448, %broadcast_in_dim3A_443, %select_n3A_441 : vector<16xi1>, vector<16xi32>
      %broadcast_in_dim3A_456 = arith.constant 31 : i32
      %broadcast_in_dim3A_457 = vector.broadcast %broadcast_in_dim3A_456 : i32 to vector<16xi32>
      %add3A_458 = arith.constant 31 : i32
      %add3A_459 = vector.broadcast %add3A_458 : i32 to vector<16xi32>
      %add3A_460 = arith.addi %mul3A_24, %add3A_459 : vector<16xi32>
      %gather3A_461 = tpu.vector_load_idx %arg5[%add3A_460] : memref<32768xf32, #tpu.memory_space<vmem>>[vector<16xi32>], vector<16xf32>,
      %gt3A_462 = arith.cmpf ogt, %gather3A_461, %select_n3A_454 : vector<16xf32>
      %gt3A_463 = arith.cmpf ogt, %gather3A_461, %select_n3A_451 : vector<16xf32>
      %select_n3A_464 = arith.select %gt3A_463, %gather3A_461, %select_n3A_451 : vector<16xi1>, vector<16xf32>
      %select_n3A_465 = arith.select %gt3A_462, %select_n3A_454, %select_n3A_464 : vector<16xi1>, vector<16xf32>
      %select_n3A_466 = arith.select %gt3A_463, %broadcast_in_dim3A_457, %select_n3A_453 : vector<16xi1>, vector<16xi32>
      %select_n3A_467 = arith.select %gt3A_462, %select_n3A_455, %select_n3A_466 : vector<16xi1>, vector<16xi32>
      %select_n3A_468 = arith.select %gt3A_462, %gather3A_461, %select_n3A_454 : vector<16xi1>, vector<16xf32>
      %select_n3A_469 = arith.select %gt3A_462, %broadcast_in_dim3A_457, %select_n3A_455 : vector<16xi1>, vector<16xi32>
      %broadcast_in_dim3A_470 = arith.constant 32 : i32
      %broadcast_in_dim3A_471 = vector.broadcast %broadcast_in_dim3A_470 : i32 to vector<16xi32>
      %add3A_472 = arith.constant 32 : i32
      %add3A_473 = vector.broadcast %add3A_472 : i32 to vector<16xi32>
      %add3A_474 = arith.addi %mul3A_24, %add3A_473 : vector<16xi32>
      %gather3A_475 = tpu.vector_load_idx %arg5[%add3A_474] : memref<32768xf32, #tpu.memory_space<vmem>>[vector<16xi32>], vector<16xf32>,
      %gt3A_476 = arith.cmpf ogt, %gather3A_475, %select_n3A_468 : vector<16xf32>
      %gt3A_477 = arith.cmpf ogt, %gather3A_475, %select_n3A_465 : vector<16xf32>
      %select_n3A_478 = arith.select %gt3A_477, %gather3A_475, %select_n3A_465 : vector<16xi1>, vector<16xf32>
      %select_n3A_479 = arith.select %gt3A_476, %select_n3A_468, %select_n3A_478 : vector<16xi1>, vector<16xf32>
      %select_n3A_480 = arith.select %gt3A_477, %broadcast_in_dim3A_471, %select_n3A_467 : vector<16xi1>, vector<16xi32>
      %select_n3A_481 = arith.select %gt3A_476, %select_n3A_469, %select_n3A_480 : vector<16xi1>, vector<16xi32>
      %select_n3A_482 = arith.select %gt3A_476, %gather3A_475, %select_n3A_468 : vector<16xi1>, vector<16xf32>
      %select_n3A_483 = arith.select %gt3A_476, %broadcast_in_dim3A_471, %select_n3A_469 : vector<16xi1>, vector<16xi32>
      %broadcast_in_dim3A_484 = arith.constant 33 : i32
      %broadcast_in_dim3A_485 = vector.broadcast %broadcast_in_dim3A_484 : i32 to vector<16xi32>
      %add3A_486 = arith.constant 33 : i32
      %add3A_487 = vector.broadcast %add3A_486 : i32 to vector<16xi32>
      %add3A_488 = arith.addi %mul3A_24, %add3A_487 : vector<16xi32>
      %gather3A_489 = tpu.vector_load_idx %arg5[%add3A_488] : memref<32768xf32, #tpu.memory_space<vmem>>[vector<16xi32>], vector<16xf32>,
      %gt3A_490 = arith.cmpf ogt, %gather3A_489, %select_n3A_482 : vector<16xf32>
      %gt3A_491 = arith.cmpf ogt, %gather3A_489, %select_n3A_479 : vector<16xf32>
      %select_n3A_492 = arith.select %gt3A_491, %gather3A_489, %select_n3A_479 : vector<16xi1>, vector<16xf32>
      %select_n3A_493 = arith.select %gt3A_490, %select_n3A_482, %select_n3A_492 : vector<16xi1>, vector<16xf32>
      %select_n3A_494 = arith.select %gt3A_491, %broadcast_in_dim3A_485, %select_n3A_481 : vector<16xi1>, vector<16xi32>
      %select_n3A_495 = arith.select %gt3A_490, %select_n3A_483, %select_n3A_494 : vector<16xi1>, vector<16xi32>
      %select_n3A_496 = arith.select %gt3A_490, %gather3A_489, %select_n3A_482 : vector<16xi1>, vector<16xf32>
      %select_n3A_497 = arith.select %gt3A_490, %broadcast_in_dim3A_485, %select_n3A_483 : vector<16xi1>, vector<16xi32>
      %broadcast_in_dim3A_498 = arith.constant 34 : i32
      %broadcast_in_dim3A_499 = vector.broadcast %broadcast_in_dim3A_498 : i32 to vector<16xi32>
      %add3A_500 = arith.constant 34 : i32
      %add3A_501 = vector.broadcast %add3A_500 : i32 to vector<16xi32>
      %add3A_502 = arith.addi %mul3A_24, %add3A_501 : vector<16xi32>
      %gather3A_503 = tpu.vector_load_idx %arg5[%add3A_502] : memref<32768xf32, #tpu.memory_space<vmem>>[vector<16xi32>], vector<16xf32>,
      %gt3A_504 = arith.cmpf ogt, %gather3A_503, %select_n3A_496 : vector<16xf32>
      %gt3A_505 = arith.cmpf ogt, %gather3A_503, %select_n3A_493 : vector<16xf32>
      %select_n3A_506 = arith.select %gt3A_505, %gather3A_503, %select_n3A_493 : vector<16xi1>, vector<16xf32>
      %select_n3A_507 = arith.select %gt3A_504, %select_n3A_496, %select_n3A_506 : vector<16xi1>, vector<16xf32>
      %select_n3A_508 = arith.select %gt3A_505, %broadcast_in_dim3A_499, %select_n3A_495 : vector<16xi1>, vector<16xi32>
      %select_n3A_509 = arith.select %gt3A_504, %select_n3A_497, %select_n3A_508 : vector<16xi1>, vector<16xi32>
      %select_n3A_510 = arith.select %gt3A_504, %gather3A_503, %select_n3A_496 : vector<16xi1>, vector<16xf32>
      %select_n3A_511 = arith.select %gt3A_504, %broadcast_in_dim3A_499, %select_n3A_497 : vector<16xi1>, vector<16xi32>
      %broadcast_in_dim3A_512 = arith.constant 35 : i32
      %broadcast_in_dim3A_513 = vector.broadcast %broadcast_in_dim3A_512 : i32 to vector<16xi32>
      %add3A_514 = arith.constant 35 : i32
      %add3A_515 = vector.broadcast %add3A_514 : i32 to vector<16xi32>
      %add3A_516 = arith.addi %mul3A_24, %add3A_515 : vector<16xi32>
      %gather3A_517 = tpu.vector_load_idx %arg5[%add3A_516] : memref<32768xf32, #tpu.memory_space<vmem>>[vector<16xi32>], vector<16xf32>,
      %gt3A_518 = arith.cmpf ogt, %gather3A_517, %select_n3A_510 : vector<16xf32>
      %gt3A_519 = arith.cmpf ogt, %gather3A_517, %select_n3A_507 : vector<16xf32>
      %select_n3A_520 = arith.select %gt3A_519, %gather3A_517, %select_n3A_507 : vector<16xi1>, vector<16xf32>
      %select_n3A_521 = arith.select %gt3A_518, %select_n3A_510, %select_n3A_520 : vector<16xi1>, vector<16xf32>
      %select_n3A_522 = arith.select %gt3A_519, %broadcast_in_dim3A_513, %select_n3A_509 : vector<16xi1>, vector<16xi32>
      %select_n3A_523 = arith.select %gt3A_518, %select_n3A_511, %select_n3A_522 : vector<16xi1>, vector<16xi32>
      %select_n3A_524 = arith.select %gt3A_518, %gather3A_517, %select_n3A_510 : vector<16xi1>, vector<16xf32>
      %select_n3A_525 = arith.select %gt3A_518, %broadcast_in_dim3A_513, %select_n3A_511 : vector<16xi1>, vector<16xi32>
      %broadcast_in_dim3A_526 = arith.constant 36 : i32
      %broadcast_in_dim3A_527 = vector.broadcast %broadcast_in_dim3A_526 : i32 to vector<16xi32>
      %add3A_528 = arith.constant 36 : i32
      %add3A_529 = vector.broadcast %add3A_528 : i32 to vector<16xi32>
      %add3A_530 = arith.addi %mul3A_24, %add3A_529 : vector<16xi32>
      %gather3A_531 = tpu.vector_load_idx %arg5[%add3A_530] : memref<32768xf32, #tpu.memory_space<vmem>>[vector<16xi32>], vector<16xf32>,
      %gt3A_532 = arith.cmpf ogt, %gather3A_531, %select_n3A_524 : vector<16xf32>
      %gt3A_533 = arith.cmpf ogt, %gather3A_531, %select_n3A_521 : vector<16xf32>
      %select_n3A_534 = arith.select %gt3A_533, %gather3A_531, %select_n3A_521 : vector<16xi1>, vector<16xf32>
      %select_n3A_535 = arith.select %gt3A_532, %select_n3A_524, %select_n3A_534 : vector<16xi1>, vector<16xf32>
      %select_n3A_536 = arith.select %gt3A_533, %broadcast_in_dim3A_527, %select_n3A_523 : vector<16xi1>, vector<16xi32>
      %select_n3A_537 = arith.select %gt3A_532, %select_n3A_525, %select_n3A_536 : vector<16xi1>, vector<16xi32>
      %select_n3A_538 = arith.select %gt3A_532, %gather3A_531, %select_n3A_524 : vector<16xi1>, vector<16xf32>
      %select_n3A_539 = arith.select %gt3A_532, %broadcast_in_dim3A_527, %select_n3A_525 : vector<16xi1>, vector<16xi32>
      %broadcast_in_dim3A_540 = arith.constant 37 : i32
      %broadcast_in_dim3A_541 = vector.broadcast %broadcast_in_dim3A_540 : i32 to vector<16xi32>
      %add3A_542 = arith.constant 37 : i32
      %add3A_543 = vector.broadcast %add3A_542 : i32 to vector<16xi32>
      %add3A_544 = arith.addi %mul3A_24, %add3A_543 : vector<16xi32>
      %gather3A_545 = tpu.vector_load_idx %arg5[%add3A_544] : memref<32768xf32, #tpu.memory_space<vmem>>[vector<16xi32>], vector<16xf32>,
      %gt3A_546 = arith.cmpf ogt, %gather3A_545, %select_n3A_538 : vector<16xf32>
      %gt3A_547 = arith.cmpf ogt, %gather3A_545, %select_n3A_535 : vector<16xf32>
      %select_n3A_548 = arith.select %gt3A_547, %gather3A_545, %select_n3A_535 : vector<16xi1>, vector<16xf32>
      %select_n3A_549 = arith.select %gt3A_546, %select_n3A_538, %select_n3A_548 : vector<16xi1>, vector<16xf32>
      %select_n3A_550 = arith.select %gt3A_547, %broadcast_in_dim3A_541, %select_n3A_537 : vector<16xi1>, vector<16xi32>
      %select_n3A_551 = arith.select %gt3A_546, %select_n3A_539, %select_n3A_550 : vector<16xi1>, vector<16xi32>
      %select_n3A_552 = arith.select %gt3A_546, %gather3A_545, %select_n3A_538 : vector<16xi1>, vector<16xf32>
      %select_n3A_553 = arith.select %gt3A_546, %broadcast_in_dim3A_541, %select_n3A_539 : vector<16xi1>, vector<16xi32>
      %broadcast_in_dim3A_554 = arith.constant 38 : i32
      %broadcast_in_dim3A_555 = vector.broadcast %broadcast_in_dim3A_554 : i32 to vector<16xi32>
      %add3A_556 = arith.constant 38 : i32
      %add3A_557 = vector.broadcast %add3A_556 : i32 to vector<16xi32>
      %add3A_558 = arith.addi %mul3A_24, %add3A_557 : vector<16xi32>
      %gather3A_559 = tpu.vector_load_idx %arg5[%add3A_558] : memref<32768xf32, #tpu.memory_space<vmem>>[vector<16xi32>], vector<16xf32>,
      %gt3A_560 = arith.cmpf ogt, %gather3A_559, %select_n3A_552 : vector<16xf32>
      %gt3A_561 = arith.cmpf ogt, %gather3A_559, %select_n3A_549 : vector<16xf32>
      %select_n3A_562 = arith.select %gt3A_561, %gather3A_559, %select_n3A_549 : vector<16xi1>, vector<16xf32>
      %select_n3A_563 = arith.select %gt3A_560, %select_n3A_552, %select_n3A_562 : vector<16xi1>, vector<16xf32>
      %select_n3A_564 = arith.select %gt3A_561, %broadcast_in_dim3A_555, %select_n3A_551 : vector<16xi1>, vector<16xi32>
      %select_n3A_565 = arith.select %gt3A_560, %select_n3A_553, %select_n3A_564 : vector<16xi1>, vector<16xi32>
      %select_n3A_566 = arith.select %gt3A_560, %gather3A_559, %select_n3A_552 : vector<16xi1>, vector<16xf32>
      %select_n3A_567 = arith.select %gt3A_560, %broadcast_in_dim3A_555, %select_n3A_553 : vector<16xi1>, vector<16xi32>
      %broadcast_in_dim3A_568 = arith.constant 39 : i32
      %broadcast_in_dim3A_569 = vector.broadcast %broadcast_in_dim3A_568 : i32 to vector<16xi32>
      %add3A_570 = arith.constant 39 : i32
      %add3A_571 = vector.broadcast %add3A_570 : i32 to vector<16xi32>
      %add3A_572 = arith.addi %mul3A_24, %add3A_571 : vector<16xi32>
      %gather3A_573 = tpu.vector_load_idx %arg5[%add3A_572] : memref<32768xf32, #tpu.memory_space<vmem>>[vector<16xi32>], vector<16xf32>,
      %gt3A_574 = arith.cmpf ogt, %gather3A_573, %select_n3A_566 : vector<16xf32>
      %gt3A_575 = arith.cmpf ogt, %gather3A_573, %select_n3A_563 : vector<16xf32>
      %select_n3A_576 = arith.select %gt3A_575, %gather3A_573, %select_n3A_563 : vector<16xi1>, vector<16xf32>
      %select_n3A_577 = arith.select %gt3A_574, %select_n3A_566, %select_n3A_576 : vector<16xi1>, vector<16xf32>
      %select_n3A_578 = arith.select %gt3A_575, %broadcast_in_dim3A_569, %select_n3A_565 : vector<16xi1>, vector<16xi32>
      %select_n3A_579 = arith.select %gt3A_574, %select_n3A_567, %select_n3A_578 : vector<16xi1>, vector<16xi32>
      %select_n3A_580 = arith.select %gt3A_574, %gather3A_573, %select_n3A_566 : vector<16xi1>, vector<16xf32>
      %select_n3A_581 = arith.select %gt3A_574, %broadcast_in_dim3A_569, %select_n3A_567 : vector<16xi1>, vector<16xi32>
      %broadcast_in_dim3A_582 = arith.constant 40 : i32
      %broadcast_in_dim3A_583 = vector.broadcast %broadcast_in_dim3A_582 : i32 to vector<16xi32>
      %add3A_584 = arith.constant 40 : i32
      %add3A_585 = vector.broadcast %add3A_584 : i32 to vector<16xi32>
      %add3A_586 = arith.addi %mul3A_24, %add3A_585 : vector<16xi32>
      %gather3A_587 = tpu.vector_load_idx %arg5[%add3A_586] : memref<32768xf32, #tpu.memory_space<vmem>>[vector<16xi32>], vector<16xf32>,
      %gt3A_588 = arith.cmpf ogt, %gather3A_587, %select_n3A_580 : vector<16xf32>
      %gt3A_589 = arith.cmpf ogt, %gather3A_587, %select_n3A_577 : vector<16xf32>
      %select_n3A_590 = arith.select %gt3A_589, %gather3A_587, %select_n3A_577 : vector<16xi1>, vector<16xf32>
      %select_n3A_591 = arith.select %gt3A_588, %select_n3A_580, %select_n3A_590 : vector<16xi1>, vector<16xf32>
      %select_n3A_592 = arith.select %gt3A_589, %broadcast_in_dim3A_583, %select_n3A_579 : vector<16xi1>, vector<16xi32>
      %select_n3A_593 = arith.select %gt3A_588, %select_n3A_581, %select_n3A_592 : vector<16xi1>, vector<16xi32>
      %select_n3A_594 = arith.select %gt3A_588, %gather3A_587, %select_n3A_580 : vector<16xi1>, vector<16xf32>
      %select_n3A_595 = arith.select %gt3A_588, %broadcast_in_dim3A_583, %select_n3A_581 : vector<16xi1>, vector<16xi32>
      %broadcast_in_dim3A_596 = arith.constant 41 : i32
      %broadcast_in_dim3A_597 = vector.broadcast %broadcast_in_dim3A_596 : i32 to vector<16xi32>
      %add3A_598 = arith.constant 41 : i32
      %add3A_599 = vector.broadcast %add3A_598 : i32 to vector<16xi32>
      %add3A_600 = arith.addi %mul3A_24, %add3A_599 : vector<16xi32>
      %gather3A_601 = tpu.vector_load_idx %arg5[%add3A_600] : memref<32768xf32, #tpu.memory_space<vmem>>[vector<16xi32>], vector<16xf32>,
      %gt3A_602 = arith.cmpf ogt, %gather3A_601, %select_n3A_594 : vector<16xf32>
      %gt3A_603 = arith.cmpf ogt, %gather3A_601, %select_n3A_591 : vector<16xf32>
      %select_n3A_604 = arith.select %gt3A_603, %gather3A_601, %select_n3A_591 : vector<16xi1>, vector<16xf32>
      %select_n3A_605 = arith.select %gt3A_602, %select_n3A_594, %select_n3A_604 : vector<16xi1>, vector<16xf32>
      %select_n3A_606 = arith.select %gt3A_603, %broadcast_in_dim3A_597, %select_n3A_593 : vector<16xi1>, vector<16xi32>
      %select_n3A_607 = arith.select %gt3A_602, %select_n3A_595, %select_n3A_606 : vector<16xi1>, vector<16xi32>
      %select_n3A_608 = arith.select %gt3A_602, %gather3A_601, %select_n3A_594 : vector<16xi1>, vector<16xf32>
      %select_n3A_609 = arith.select %gt3A_602, %broadcast_in_dim3A_597, %select_n3A_595 : vector<16xi1>, vector<16xi32>
      %broadcast_in_dim3A_610 = arith.constant 42 : i32
      %broadcast_in_dim3A_611 = vector.broadcast %broadcast_in_dim3A_610 : i32 to vector<16xi32>
      %add3A_612 = arith.constant 42 : i32
      %add3A_613 = vector.broadcast %add3A_612 : i32 to vector<16xi32>
      %add3A_614 = arith.addi %mul3A_24, %add3A_613 : vector<16xi32>
      %gather3A_615 = tpu.vector_load_idx %arg5[%add3A_614] : memref<32768xf32, #tpu.memory_space<vmem>>[vector<16xi32>], vector<16xf32>,
      %gt3A_616 = arith.cmpf ogt, %gather3A_615, %select_n3A_608 : vector<16xf32>
      %gt3A_617 = arith.cmpf ogt, %gather3A_615, %select_n3A_605 : vector<16xf32>
      %select_n3A_618 = arith.select %gt3A_617, %gather3A_615, %select_n3A_605 : vector<16xi1>, vector<16xf32>
      %select_n3A_619 = arith.select %gt3A_616, %select_n3A_608, %select_n3A_618 : vector<16xi1>, vector<16xf32>
      %select_n3A_620 = arith.select %gt3A_617, %broadcast_in_dim3A_611, %select_n3A_607 : vector<16xi1>, vector<16xi32>
      %select_n3A_621 = arith.select %gt3A_616, %select_n3A_609, %select_n3A_620 : vector<16xi1>, vector<16xi32>
      %select_n3A_622 = arith.select %gt3A_616, %gather3A_615, %select_n3A_608 : vector<16xi1>, vector<16xf32>
      %select_n3A_623 = arith.select %gt3A_616, %broadcast_in_dim3A_611, %select_n3A_609 : vector<16xi1>, vector<16xi32>
      %broadcast_in_dim3A_624 = arith.constant 43 : i32
      %broadcast_in_dim3A_625 = vector.broadcast %broadcast_in_dim3A_624 : i32 to vector<16xi32>
      %add3A_626 = arith.constant 43 : i32
      %add3A_627 = vector.broadcast %add3A_626 : i32 to vector<16xi32>
      %add3A_628 = arith.addi %mul3A_24, %add3A_627 : vector<16xi32>
      %gather3A_629 = tpu.vector_load_idx %arg5[%add3A_628] : memref<32768xf32, #tpu.memory_space<vmem>>[vector<16xi32>], vector<16xf32>,
      %gt3A_630 = arith.cmpf ogt, %gather3A_629, %select_n3A_622 : vector<16xf32>
      %gt3A_631 = arith.cmpf ogt, %gather3A_629, %select_n3A_619 : vector<16xf32>
      %select_n3A_632 = arith.select %gt3A_631, %gather3A_629, %select_n3A_619 : vector<16xi1>, vector<16xf32>
      %select_n3A_633 = arith.select %gt3A_630, %select_n3A_622, %select_n3A_632 : vector<16xi1>, vector<16xf32>
      %select_n3A_634 = arith.select %gt3A_631, %broadcast_in_dim3A_625, %select_n3A_621 : vector<16xi1>, vector<16xi32>
      %select_n3A_635 = arith.select %gt3A_630, %select_n3A_623, %select_n3A_634 : vector<16xi1>, vector<16xi32>
      %select_n3A_636 = arith.select %gt3A_630, %gather3A_629, %select_n3A_622 : vector<16xi1>, vector<16xf32>
      %select_n3A_637 = arith.select %gt3A_630, %broadcast_in_dim3A_625, %select_n3A_623 : vector<16xi1>, vector<16xi32>
      %broadcast_in_dim3A_638 = arith.constant 44 : i32
      %broadcast_in_dim3A_639 = vector.broadcast %broadcast_in_dim3A_638 : i32 to vector<16xi32>
      %add3A_640 = arith.constant 44 : i32
      %add3A_641 = vector.broadcast %add3A_640 : i32 to vector<16xi32>
      %add3A_642 = arith.addi %mul3A_24, %add3A_641 : vector<16xi32>
      %gather3A_643 = tpu.vector_load_idx %arg5[%add3A_642] : memref<32768xf32, #tpu.memory_space<vmem>>[vector<16xi32>], vector<16xf32>,
      %gt3A_644 = arith.cmpf ogt, %gather3A_643, %select_n3A_636 : vector<16xf32>
      %gt3A_645 = arith.cmpf ogt, %gather3A_643, %select_n3A_633 : vector<16xf32>
      %select_n3A_646 = arith.select %gt3A_645, %gather3A_643, %select_n3A_633 : vector<16xi1>, vector<16xf32>
      %select_n3A_647 = arith.select %gt3A_644, %select_n3A_636, %select_n3A_646 : vector<16xi1>, vector<16xf32>
      %select_n3A_648 = arith.select %gt3A_645, %broadcast_in_dim3A_639, %select_n3A_635 : vector<16xi1>, vector<16xi32>
      %select_n3A_649 = arith.select %gt3A_644, %select_n3A_637, %select_n3A_648 : vector<16xi1>, vector<16xi32>
      %select_n3A_650 = arith.select %gt3A_644, %gather3A_643, %select_n3A_636 : vector<16xi1>, vector<16xf32>
      %select_n3A_651 = arith.select %gt3A_644, %broadcast_in_dim3A_639, %select_n3A_637 : vector<16xi1>, vector<16xi32>
      %broadcast_in_dim3A_652 = arith.constant 45 : i32
      %broadcast_in_dim3A_653 = vector.broadcast %broadcast_in_dim3A_652 : i32 to vector<16xi32>
      %add3A_654 = arith.constant 45 : i32
      %add3A_655 = vector.broadcast %add3A_654 : i32 to vector<16xi32>
      %add3A_656 = arith.addi %mul3A_24, %add3A_655 : vector<16xi32>
      %gather3A_657 = tpu.vector_load_idx %arg5[%add3A_656] : memref<32768xf32, #tpu.memory_space<vmem>>[vector<16xi32>], vector<16xf32>,
      %gt3A_658 = arith.cmpf ogt, %gather3A_657, %select_n3A_650 : vector<16xf32>
      %gt3A_659 = arith.cmpf ogt, %gather3A_657, %select_n3A_647 : vector<16xf32>
      %select_n3A_660 = arith.select %gt3A_659, %gather3A_657, %select_n3A_647 : vector<16xi1>, vector<16xf32>
      %select_n3A_661 = arith.select %gt3A_658, %select_n3A_650, %select_n3A_660 : vector<16xi1>, vector<16xf32>
      %select_n3A_662 = arith.select %gt3A_659, %broadcast_in_dim3A_653, %select_n3A_649 : vector<16xi1>, vector<16xi32>
      %select_n3A_663 = arith.select %gt3A_658, %select_n3A_651, %select_n3A_662 : vector<16xi1>, vector<16xi32>
      %select_n3A_664 = arith.select %gt3A_658, %gather3A_657, %select_n3A_650 : vector<16xi1>, vector<16xf32>
      %select_n3A_665 = arith.select %gt3A_658, %broadcast_in_dim3A_653, %select_n3A_651 : vector<16xi1>, vector<16xi32>
      %broadcast_in_dim3A_666 = arith.constant 46 : i32
      %broadcast_in_dim3A_667 = vector.broadcast %broadcast_in_dim3A_666 : i32 to vector<16xi32>
      %add3A_668 = arith.constant 46 : i32
      %add3A_669 = vector.broadcast %add3A_668 : i32 to vector<16xi32>
      %add3A_670 = arith.addi %mul3A_24, %add3A_669 : vector<16xi32>
      %gather3A_671 = tpu.vector_load_idx %arg5[%add3A_670] : memref<32768xf32, #tpu.memory_space<vmem>>[vector<16xi32>], vector<16xf32>,
      %gt3A_672 = arith.cmpf ogt, %gather3A_671, %select_n3A_664 : vector<16xf32>
      %gt3A_673 = arith.cmpf ogt, %gather3A_671, %select_n3A_661 : vector<16xf32>
      %select_n3A_674 = arith.select %gt3A_673, %gather3A_671, %select_n3A_661 : vector<16xi1>, vector<16xf32>
      %select_n3A_675 = arith.select %gt3A_672, %select_n3A_664, %select_n3A_674 : vector<16xi1>, vector<16xf32>
      %select_n3A_676 = arith.select %gt3A_673, %broadcast_in_dim3A_667, %select_n3A_663 : vector<16xi1>, vector<16xi32>
      %select_n3A_677 = arith.select %gt3A_672, %select_n3A_665, %select_n3A_676 : vector<16xi1>, vector<16xi32>
      %select_n3A_678 = arith.select %gt3A_672, %gather3A_671, %select_n3A_664 : vector<16xi1>, vector<16xf32>
      %select_n3A_679 = arith.select %gt3A_672, %broadcast_in_dim3A_667, %select_n3A_665 : vector<16xi1>, vector<16xi32>
      %broadcast_in_dim3A_680 = arith.constant 47 : i32
      %broadcast_in_dim3A_681 = vector.broadcast %broadcast_in_dim3A_680 : i32 to vector<16xi32>
      %add3A_682 = arith.constant 47 : i32
      %add3A_683 = vector.broadcast %add3A_682 : i32 to vector<16xi32>
      %add3A_684 = arith.addi %mul3A_24, %add3A_683 : vector<16xi32>
      %gather3A_685 = tpu.vector_load_idx %arg5[%add3A_684] : memref<32768xf32, #tpu.memory_space<vmem>>[vector<16xi32>], vector<16xf32>,
      %gt3A_686 = arith.cmpf ogt, %gather3A_685, %select_n3A_678 : vector<16xf32>
      %gt3A_687 = arith.cmpf ogt, %gather3A_685, %select_n3A_675 : vector<16xf32>
      %select_n3A_688 = arith.select %gt3A_687, %gather3A_685, %select_n3A_675 : vector<16xi1>, vector<16xf32>
      %select_n3A_689 = arith.select %gt3A_686, %select_n3A_678, %select_n3A_688 : vector<16xi1>, vector<16xf32>
      %select_n3A_690 = arith.select %gt3A_687, %broadcast_in_dim3A_681, %select_n3A_677 : vector<16xi1>, vector<16xi32>
      %select_n3A_691 = arith.select %gt3A_686, %select_n3A_679, %select_n3A_690 : vector<16xi1>, vector<16xi32>
      %select_n3A_692 = arith.select %gt3A_686, %gather3A_685, %select_n3A_678 : vector<16xi1>, vector<16xf32>
      %select_n3A_693 = arith.select %gt3A_686, %broadcast_in_dim3A_681, %select_n3A_679 : vector<16xi1>, vector<16xi32>
      %broadcast_in_dim3A_694 = arith.constant 48 : i32
      %broadcast_in_dim3A_695 = vector.broadcast %broadcast_in_dim3A_694 : i32 to vector<16xi32>
      %add3A_696 = arith.constant 48 : i32
      %add3A_697 = vector.broadcast %add3A_696 : i32 to vector<16xi32>
      %add3A_698 = arith.addi %mul3A_24, %add3A_697 : vector<16xi32>
      %gather3A_699 = tpu.vector_load_idx %arg5[%add3A_698] : memref<32768xf32, #tpu.memory_space<vmem>>[vector<16xi32>], vector<16xf32>,
      %gt3A_700 = arith.cmpf ogt, %gather3A_699, %select_n3A_692 : vector<16xf32>
      %gt3A_701 = arith.cmpf ogt, %gather3A_699, %select_n3A_689 : vector<16xf32>
      %select_n3A_702 = arith.select %gt3A_701, %gather3A_699, %select_n3A_689 : vector<16xi1>, vector<16xf32>
      %select_n3A_703 = arith.select %gt3A_700, %select_n3A_692, %select_n3A_702 : vector<16xi1>, vector<16xf32>
      %select_n3A_704 = arith.select %gt3A_701, %broadcast_in_dim3A_695, %select_n3A_691 : vector<16xi1>, vector<16xi32>
      %select_n3A_705 = arith.select %gt3A_700, %select_n3A_693, %select_n3A_704 : vector<16xi1>, vector<16xi32>
      %select_n3A_706 = arith.select %gt3A_700, %gather3A_699, %select_n3A_692 : vector<16xi1>, vector<16xf32>
      %select_n3A_707 = arith.select %gt3A_700, %broadcast_in_dim3A_695, %select_n3A_693 : vector<16xi1>, vector<16xi32>
      %broadcast_in_dim3A_708 = arith.constant 49 : i32
      %broadcast_in_dim3A_709 = vector.broadcast %broadcast_in_dim3A_708 : i32 to vector<16xi32>
      %add3A_710 = arith.constant 49 : i32
      %add3A_711 = vector.broadcast %add3A_710 : i32 to vector<16xi32>
      %add3A_712 = arith.addi %mul3A_24, %add3A_711 : vector<16xi32>
      %gather3A_713 = tpu.vector_load_idx %arg5[%add3A_712] : memref<32768xf32, #tpu.memory_space<vmem>>[vector<16xi32>], vector<16xf32>,
      %gt3A_714 = arith.cmpf ogt, %gather3A_713, %select_n3A_706 : vector<16xf32>
      %gt3A_715 = arith.cmpf ogt, %gather3A_713, %select_n3A_703 : vector<16xf32>
      %select_n3A_716 = arith.select %gt3A_715, %gather3A_713, %select_n3A_703 : vector<16xi1>, vector<16xf32>
      %select_n3A_717 = arith.select %gt3A_714, %select_n3A_706, %select_n3A_716 : vector<16xi1>, vector<16xf32>
      %select_n3A_718 = arith.select %gt3A_715, %broadcast_in_dim3A_709, %select_n3A_705 : vector<16xi1>, vector<16xi32>
      %select_n3A_719 = arith.select %gt3A_714, %select_n3A_707, %select_n3A_718 : vector<16xi1>, vector<16xi32>
      %select_n3A_720 = arith.select %gt3A_714, %gather3A_713, %select_n3A_706 : vector<16xi1>, vector<16xf32>
      %select_n3A_721 = arith.select %gt3A_714, %broadcast_in_dim3A_709, %select_n3A_707 : vector<16xi1>, vector<16xi32>
      %broadcast_in_dim3A_722 = arith.constant 50 : i32
      %broadcast_in_dim3A_723 = vector.broadcast %broadcast_in_dim3A_722 : i32 to vector<16xi32>
      %add3A_724 = arith.constant 50 : i32
      %add3A_725 = vector.broadcast %add3A_724 : i32 to vector<16xi32>
      %add3A_726 = arith.addi %mul3A_24, %add3A_725 : vector<16xi32>
      %gather3A_727 = tpu.vector_load_idx %arg5[%add3A_726] : memref<32768xf32, #tpu.memory_space<vmem>>[vector<16xi32>], vector<16xf32>,
      %gt3A_728 = arith.cmpf ogt, %gather3A_727, %select_n3A_720 : vector<16xf32>
      %gt3A_729 = arith.cmpf ogt, %gather3A_727, %select_n3A_717 : vector<16xf32>
      %select_n3A_730 = arith.select %gt3A_729, %gather3A_727, %select_n3A_717 : vector<16xi1>, vector<16xf32>
      %select_n3A_731 = arith.select %gt3A_728, %select_n3A_720, %select_n3A_730 : vector<16xi1>, vector<16xf32>
      %select_n3A_732 = arith.select %gt3A_729, %broadcast_in_dim3A_723, %select_n3A_719 : vector<16xi1>, vector<16xi32>
      %select_n3A_733 = arith.select %gt3A_728, %select_n3A_721, %select_n3A_732 : vector<16xi1>, vector<16xi32>
      %select_n3A_734 = arith.select %gt3A_728, %gather3A_727, %select_n3A_720 : vector<16xi1>, vector<16xf32>
      %select_n3A_735 = arith.select %gt3A_728, %broadcast_in_dim3A_723, %select_n3A_721 : vector<16xi1>, vector<16xi32>
      %broadcast_in_dim3A_736 = arith.constant 51 : i32
      %broadcast_in_dim3A_737 = vector.broadcast %broadcast_in_dim3A_736 : i32 to vector<16xi32>
      %add3A_738 = arith.constant 51 : i32
      %add3A_739 = vector.broadcast %add3A_738 : i32 to vector<16xi32>
      %add3A_740 = arith.addi %mul3A_24, %add3A_739 : vector<16xi32>
      %gather3A_741 = tpu.vector_load_idx %arg5[%add3A_740] : memref<32768xf32, #tpu.memory_space<vmem>>[vector<16xi32>], vector<16xf32>,
      %gt3A_742 = arith.cmpf ogt, %gather3A_741, %select_n3A_734 : vector<16xf32>
      %gt3A_743 = arith.cmpf ogt, %gather3A_741, %select_n3A_731 : vector<16xf32>
      %select_n3A_744 = arith.select %gt3A_743, %gather3A_741, %select_n3A_731 : vector<16xi1>, vector<16xf32>
      %select_n3A_745 = arith.select %gt3A_742, %select_n3A_734, %select_n3A_744 : vector<16xi1>, vector<16xf32>
      %select_n3A_746 = arith.select %gt3A_743, %broadcast_in_dim3A_737, %select_n3A_733 : vector<16xi1>, vector<16xi32>
      %select_n3A_747 = arith.select %gt3A_742, %select_n3A_735, %select_n3A_746 : vector<16xi1>, vector<16xi32>
      %select_n3A_748 = arith.select %gt3A_742, %gather3A_741, %select_n3A_734 : vector<16xi1>, vector<16xf32>
      %select_n3A_749 = arith.select %gt3A_742, %broadcast_in_dim3A_737, %select_n3A_735 : vector<16xi1>, vector<16xi32>
      %broadcast_in_dim3A_750 = arith.constant 52 : i32
      %broadcast_in_dim3A_751 = vector.broadcast %broadcast_in_dim3A_750 : i32 to vector<16xi32>
      %add3A_752 = arith.constant 52 : i32
      %add3A_753 = vector.broadcast %add3A_752 : i32 to vector<16xi32>
      %add3A_754 = arith.addi %mul3A_24, %add3A_753 : vector<16xi32>
      %gather3A_755 = tpu.vector_load_idx %arg5[%add3A_754] : memref<32768xf32, #tpu.memory_space<vmem>>[vector<16xi32>], vector<16xf32>,
      %gt3A_756 = arith.cmpf ogt, %gather3A_755, %select_n3A_748 : vector<16xf32>
      %gt3A_757 = arith.cmpf ogt, %gather3A_755, %select_n3A_745 : vector<16xf32>
      %select_n3A_758 = arith.select %gt3A_757, %gather3A_755, %select_n3A_745 : vector<16xi1>, vector<16xf32>
      %select_n3A_759 = arith.select %gt3A_756, %select_n3A_748, %select_n3A_758 : vector<16xi1>, vector<16xf32>
      %select_n3A_760 = arith.select %gt3A_757, %broadcast_in_dim3A_751, %select_n3A_747 : vector<16xi1>, vector<16xi32>
      %select_n3A_761 = arith.select %gt3A_756, %select_n3A_749, %select_n3A_760 : vector<16xi1>, vector<16xi32>
      %select_n3A_762 = arith.select %gt3A_756, %gather3A_755, %select_n3A_748 : vector<16xi1>, vector<16xf32>
      %select_n3A_763 = arith.select %gt3A_756, %broadcast_in_dim3A_751, %select_n3A_749 : vector<16xi1>, vector<16xi32>
      %broadcast_in_dim3A_764 = arith.constant 53 : i32
      %broadcast_in_dim3A_765 = vector.broadcast %broadcast_in_dim3A_764 : i32 to vector<16xi32>
      %add3A_766 = arith.constant 53 : i32
      %add3A_767 = vector.broadcast %add3A_766 : i32 to vector<16xi32>
      %add3A_768 = arith.addi %mul3A_24, %add3A_767 : vector<16xi32>
      %gather3A_769 = tpu.vector_load_idx %arg5[%add3A_768] : memref<32768xf32, #tpu.memory_space<vmem>>[vector<16xi32>], vector<16xf32>,
      %gt3A_770 = arith.cmpf ogt, %gather3A_769, %select_n3A_762 : vector<16xf32>
      %gt3A_771 = arith.cmpf ogt, %gather3A_769, %select_n3A_759 : vector<16xf32>
      %select_n3A_772 = arith.select %gt3A_771, %gather3A_769, %select_n3A_759 : vector<16xi1>, vector<16xf32>
      %select_n3A_773 = arith.select %gt3A_770, %select_n3A_762, %select_n3A_772 : vector<16xi1>, vector<16xf32>
      %select_n3A_774 = arith.select %gt3A_771, %broadcast_in_dim3A_765, %select_n3A_761 : vector<16xi1>, vector<16xi32>
      %select_n3A_775 = arith.select %gt3A_770, %select_n3A_763, %select_n3A_774 : vector<16xi1>, vector<16xi32>
      %select_n3A_776 = arith.select %gt3A_770, %gather3A_769, %select_n3A_762 : vector<16xi1>, vector<16xf32>
      %select_n3A_777 = arith.select %gt3A_770, %broadcast_in_dim3A_765, %select_n3A_763 : vector<16xi1>, vector<16xi32>
      %broadcast_in_dim3A_778 = arith.constant 54 : i32
      %broadcast_in_dim3A_779 = vector.broadcast %broadcast_in_dim3A_778 : i32 to vector<16xi32>
      %add3A_780 = arith.constant 54 : i32
      %add3A_781 = vector.broadcast %add3A_780 : i32 to vector<16xi32>
      %add3A_782 = arith.addi %mul3A_24, %add3A_781 : vector<16xi32>
      %gather3A_783 = tpu.vector_load_idx %arg5[%add3A_782] : memref<32768xf32, #tpu.memory_space<vmem>>[vector<16xi32>], vector<16xf32>,
      %gt3A_784 = arith.cmpf ogt, %gather3A_783, %select_n3A_776 : vector<16xf32>
      %gt3A_785 = arith.cmpf ogt, %gather3A_783, %select_n3A_773 : vector<16xf32>
      %select_n3A_786 = arith.select %gt3A_785, %gather3A_783, %select_n3A_773 : vector<16xi1>, vector<16xf32>
      %select_n3A_787 = arith.select %gt3A_784, %select_n3A_776, %select_n3A_786 : vector<16xi1>, vector<16xf32>
      %select_n3A_788 = arith.select %gt3A_785, %broadcast_in_dim3A_779, %select_n3A_775 : vector<16xi1>, vector<16xi32>
      %select_n3A_789 = arith.select %gt3A_784, %select_n3A_777, %select_n3A_788 : vector<16xi1>, vector<16xi32>
      %select_n3A_790 = arith.select %gt3A_784, %gather3A_783, %select_n3A_776 : vector<16xi1>, vector<16xf32>
      %select_n3A_791 = arith.select %gt3A_784, %broadcast_in_dim3A_779, %select_n3A_777 : vector<16xi1>, vector<16xi32>
      %broadcast_in_dim3A_792 = arith.constant 55 : i32
      %broadcast_in_dim3A_793 = vector.broadcast %broadcast_in_dim3A_792 : i32 to vector<16xi32>
      %add3A_794 = arith.constant 55 : i32
      %add3A_795 = vector.broadcast %add3A_794 : i32 to vector<16xi32>
      %add3A_796 = arith.addi %mul3A_24, %add3A_795 : vector<16xi32>
      %gather3A_797 = tpu.vector_load_idx %arg5[%add3A_796] : memref<32768xf32, #tpu.memory_space<vmem>>[vector<16xi32>], vector<16xf32>,
      %gt3A_798 = arith.cmpf ogt, %gather3A_797, %select_n3A_790 : vector<16xf32>
      %gt3A_799 = arith.cmpf ogt, %gather3A_797, %select_n3A_787 : vector<16xf32>
      %select_n3A_800 = arith.select %gt3A_799, %gather3A_797, %select_n3A_787 : vector<16xi1>, vector<16xf32>
      %select_n3A_801 = arith.select %gt3A_798, %select_n3A_790, %select_n3A_800 : vector<16xi1>, vector<16xf32>
      %select_n3A_802 = arith.select %gt3A_799, %broadcast_in_dim3A_793, %select_n3A_789 : vector<16xi1>, vector<16xi32>
      %select_n3A_803 = arith.select %gt3A_798, %select_n3A_791, %select_n3A_802 : vector<16xi1>, vector<16xi32>
      %select_n3A_804 = arith.select %gt3A_798, %gather3A_797, %select_n3A_790 : vector<16xi1>, vector<16xf32>
      %select_n3A_805 = arith.select %gt3A_798, %broadcast_in_dim3A_793, %select_n3A_791 : vector<16xi1>, vector<16xi32>
      %broadcast_in_dim3A_806 = arith.constant 56 : i32
      %broadcast_in_dim3A_807 = vector.broadcast %broadcast_in_dim3A_806 : i32 to vector<16xi32>
      %add3A_808 = arith.constant 56 : i32
      %add3A_809 = vector.broadcast %add3A_808 : i32 to vector<16xi32>
      %add3A_810 = arith.addi %mul3A_24, %add3A_809 : vector<16xi32>
      %gather3A_811 = tpu.vector_load_idx %arg5[%add3A_810] : memref<32768xf32, #tpu.memory_space<vmem>>[vector<16xi32>], vector<16xf32>,
      %gt3A_812 = arith.cmpf ogt, %gather3A_811, %select_n3A_804 : vector<16xf32>
      %gt3A_813 = arith.cmpf ogt, %gather3A_811, %select_n3A_801 : vector<16xf32>
      %select_n3A_814 = arith.select %gt3A_813, %gather3A_811, %select_n3A_801 : vector<16xi1>, vector<16xf32>
      %select_n3A_815 = arith.select %gt3A_812, %select_n3A_804, %select_n3A_814 : vector<16xi1>, vector<16xf32>
      %select_n3A_816 = arith.select %gt3A_813, %broadcast_in_dim3A_807, %select_n3A_803 : vector<16xi1>, vector<16xi32>
      %select_n3A_817 = arith.select %gt3A_812, %select_n3A_805, %select_n3A_816 : vector<16xi1>, vector<16xi32>
      %select_n3A_818 = arith.select %gt3A_812, %gather3A_811, %select_n3A_804 : vector<16xi1>, vector<16xf32>
      %select_n3A_819 = arith.select %gt3A_812, %broadcast_in_dim3A_807, %select_n3A_805 : vector<16xi1>, vector<16xi32>
      %broadcast_in_dim3A_820 = arith.constant 57 : i32
      %broadcast_in_dim3A_821 = vector.broadcast %broadcast_in_dim3A_820 : i32 to vector<16xi32>
      %add3A_822 = arith.constant 57 : i32
      %add3A_823 = vector.broadcast %add3A_822 : i32 to vector<16xi32>
      %add3A_824 = arith.addi %mul3A_24, %add3A_823 : vector<16xi32>
      %gather3A_825 = tpu.vector_load_idx %arg5[%add3A_824] : memref<32768xf32, #tpu.memory_space<vmem>>[vector<16xi32>], vector<16xf32>,
      %gt3A_826 = arith.cmpf ogt, %gather3A_825, %select_n3A_818 : vector<16xf32>
      %gt3A_827 = arith.cmpf ogt, %gather3A_825, %select_n3A_815 : vector<16xf32>
      %select_n3A_828 = arith.select %gt3A_827, %gather3A_825, %select_n3A_815 : vector<16xi1>, vector<16xf32>
      %select_n3A_829 = arith.select %gt3A_826, %select_n3A_818, %select_n3A_828 : vector<16xi1>, vector<16xf32>
      %select_n3A_830 = arith.select %gt3A_827, %broadcast_in_dim3A_821, %select_n3A_817 : vector<16xi1>, vector<16xi32>
      %select_n3A_831 = arith.select %gt3A_826, %select_n3A_819, %select_n3A_830 : vector<16xi1>, vector<16xi32>
      %select_n3A_832 = arith.select %gt3A_826, %gather3A_825, %select_n3A_818 : vector<16xi1>, vector<16xf32>
      %select_n3A_833 = arith.select %gt3A_826, %broadcast_in_dim3A_821, %select_n3A_819 : vector<16xi1>, vector<16xi32>
      %broadcast_in_dim3A_834 = arith.constant 58 : i32
      %broadcast_in_dim3A_835 = vector.broadcast %broadcast_in_dim3A_834 : i32 to vector<16xi32>
      %add3A_836 = arith.constant 58 : i32
      %add3A_837 = vector.broadcast %add3A_836 : i32 to vector<16xi32>
      %add3A_838 = arith.addi %mul3A_24, %add3A_837 : vector<16xi32>
      %gather3A_839 = tpu.vector_load_idx %arg5[%add3A_838] : memref<32768xf32, #tpu.memory_space<vmem>>[vector<16xi32>], vector<16xf32>,
      %gt3A_840 = arith.cmpf ogt, %gather3A_839, %select_n3A_832 : vector<16xf32>
      %gt3A_841 = arith.cmpf ogt, %gather3A_839, %select_n3A_829 : vector<16xf32>
      %select_n3A_842 = arith.select %gt3A_841, %gather3A_839, %select_n3A_829 : vector<16xi1>, vector<16xf32>
      %select_n3A_843 = arith.select %gt3A_840, %select_n3A_832, %select_n3A_842 : vector<16xi1>, vector<16xf32>
      %select_n3A_844 = arith.select %gt3A_841, %broadcast_in_dim3A_835, %select_n3A_831 : vector<16xi1>, vector<16xi32>
      %select_n3A_845 = arith.select %gt3A_840, %select_n3A_833, %select_n3A_844 : vector<16xi1>, vector<16xi32>
      %select_n3A_846 = arith.select %gt3A_840, %gather3A_839, %select_n3A_832 : vector<16xi1>, vector<16xf32>
      %select_n3A_847 = arith.select %gt3A_840, %broadcast_in_dim3A_835, %select_n3A_833 : vector<16xi1>, vector<16xi32>
      %broadcast_in_dim3A_848 = arith.constant 59 : i32
      %broadcast_in_dim3A_849 = vector.broadcast %broadcast_in_dim3A_848 : i32 to vector<16xi32>
      %add3A_850 = arith.constant 59 : i32
      %add3A_851 = vector.broadcast %add3A_850 : i32 to vector<16xi32>
      %add3A_852 = arith.addi %mul3A_24, %add3A_851 : vector<16xi32>
      %gather3A_853 = tpu.vector_load_idx %arg5[%add3A_852] : memref<32768xf32, #tpu.memory_space<vmem>>[vector<16xi32>], vector<16xf32>,
      %gt3A_854 = arith.cmpf ogt, %gather3A_853, %select_n3A_846 : vector<16xf32>
      %gt3A_855 = arith.cmpf ogt, %gather3A_853, %select_n3A_843 : vector<16xf32>
      %select_n3A_856 = arith.select %gt3A_855, %gather3A_853, %select_n3A_843 : vector<16xi1>, vector<16xf32>
      %select_n3A_857 = arith.select %gt3A_854, %select_n3A_846, %select_n3A_856 : vector<16xi1>, vector<16xf32>
      %select_n3A_858 = arith.select %gt3A_855, %broadcast_in_dim3A_849, %select_n3A_845 : vector<16xi1>, vector<16xi32>
      %select_n3A_859 = arith.select %gt3A_854, %select_n3A_847, %select_n3A_858 : vector<16xi1>, vector<16xi32>
      %select_n3A_860 = arith.select %gt3A_854, %gather3A_853, %select_n3A_846 : vector<16xi1>, vector<16xf32>
      %select_n3A_861 = arith.select %gt3A_854, %broadcast_in_dim3A_849, %select_n3A_847 : vector<16xi1>, vector<16xi32>
      %broadcast_in_dim3A_862 = arith.constant 60 : i32
      %broadcast_in_dim3A_863 = vector.broadcast %broadcast_in_dim3A_862 : i32 to vector<16xi32>
      %add3A_864 = arith.constant 60 : i32
      %add3A_865 = vector.broadcast %add3A_864 : i32 to vector<16xi32>
      %add3A_866 = arith.addi %mul3A_24, %add3A_865 : vector<16xi32>
      %gather3A_867 = tpu.vector_load_idx %arg5[%add3A_866] : memref<32768xf32, #tpu.memory_space<vmem>>[vector<16xi32>], vector<16xf32>,
      %gt3A_868 = arith.cmpf ogt, %gather3A_867, %select_n3A_860 : vector<16xf32>
      %gt3A_869 = arith.cmpf ogt, %gather3A_867, %select_n3A_857 : vector<16xf32>
      %select_n3A_870 = arith.select %gt3A_869, %gather3A_867, %select_n3A_857 : vector<16xi1>, vector<16xf32>
      %select_n3A_871 = arith.select %gt3A_868, %select_n3A_860, %select_n3A_870 : vector<16xi1>, vector<16xf32>
      %select_n3A_872 = arith.select %gt3A_869, %broadcast_in_dim3A_863, %select_n3A_859 : vector<16xi1>, vector<16xi32>
      %select_n3A_873 = arith.select %gt3A_868, %select_n3A_861, %select_n3A_872 : vector<16xi1>, vector<16xi32>
      %select_n3A_874 = arith.select %gt3A_868, %gather3A_867, %select_n3A_860 : vector<16xi1>, vector<16xf32>
      %select_n3A_875 = arith.select %gt3A_868, %broadcast_in_dim3A_863, %select_n3A_861 : vector<16xi1>, vector<16xi32>
      %broadcast_in_dim3A_876 = arith.constant 61 : i32
      %broadcast_in_dim3A_877 = vector.broadcast %broadcast_in_dim3A_876 : i32 to vector<16xi32>
      %add3A_878 = arith.constant 61 : i32
      %add3A_879 = vector.broadcast %add3A_878 : i32 to vector<16xi32>
      %add3A_880 = arith.addi %mul3A_24, %add3A_879 : vector<16xi32>
      %gather3A_881 = tpu.vector_load_idx %arg5[%add3A_880] : memref<32768xf32, #tpu.memory_space<vmem>>[vector<16xi32>], vector<16xf32>,
      %gt3A_882 = arith.cmpf ogt, %gather3A_881, %select_n3A_874 : vector<16xf32>
      %gt3A_883 = arith.cmpf ogt, %gather3A_881, %select_n3A_871 : vector<16xf32>
      %select_n3A_884 = arith.select %gt3A_883, %gather3A_881, %select_n3A_871 : vector<16xi1>, vector<16xf32>
      %select_n3A_885 = arith.select %gt3A_882, %select_n3A_874, %select_n3A_884 : vector<16xi1>, vector<16xf32>
      %select_n3A_886 = arith.select %gt3A_883, %broadcast_in_dim3A_877, %select_n3A_873 : vector<16xi1>, vector<16xi32>
      %select_n3A_887 = arith.select %gt3A_882, %select_n3A_875, %select_n3A_886 : vector<16xi1>, vector<16xi32>
      %select_n3A_888 = arith.select %gt3A_882, %gather3A_881, %select_n3A_874 : vector<16xi1>, vector<16xf32>
      %select_n3A_889 = arith.select %gt3A_882, %broadcast_in_dim3A_877, %select_n3A_875 : vector<16xi1>, vector<16xi32>
      %broadcast_in_dim3A_890 = arith.constant 62 : i32
      %broadcast_in_dim3A_891 = vector.broadcast %broadcast_in_dim3A_890 : i32 to vector<16xi32>
      %add3A_892 = arith.constant 62 : i32
      %add3A_893 = vector.broadcast %add3A_892 : i32 to vector<16xi32>
      %add3A_894 = arith.addi %mul3A_24, %add3A_893 : vector<16xi32>
      %gather3A_895 = tpu.vector_load_idx %arg5[%add3A_894] : memref<32768xf32, #tpu.memory_space<vmem>>[vector<16xi32>], vector<16xf32>,
      %gt3A_896 = arith.cmpf ogt, %gather3A_895, %select_n3A_888 : vector<16xf32>
      %gt3A_897 = arith.cmpf ogt, %gather3A_895, %select_n3A_885 : vector<16xf32>
      %select_n3A_898 = arith.select %gt3A_897, %gather3A_895, %select_n3A_885 : vector<16xi1>, vector<16xf32>
      %select_n3A_899 = arith.select %gt3A_896, %select_n3A_888, %select_n3A_898 : vector<16xi1>, vector<16xf32>
      %select_n3A_900 = arith.select %gt3A_897, %broadcast_in_dim3A_891, %select_n3A_887 : vector<16xi1>, vector<16xi32>
      %select_n3A_901 = arith.select %gt3A_896, %select_n3A_889, %select_n3A_900 : vector<16xi1>, vector<16xi32>
      %select_n3A_902 = arith.select %gt3A_896, %gather3A_895, %select_n3A_888 : vector<16xi1>, vector<16xf32>
      %select_n3A_903 = arith.select %gt3A_896, %broadcast_in_dim3A_891, %select_n3A_889 : vector<16xi1>, vector<16xi32>
      %broadcast_in_dim3A_904 = arith.constant 63 : i32
      %broadcast_in_dim3A_905 = vector.broadcast %broadcast_in_dim3A_904 : i32 to vector<16xi32>
      %add3A_906 = arith.constant 63 : i32
      %add3A_907 = vector.broadcast %add3A_906 : i32 to vector<16xi32>
      %add3A_908 = arith.addi %mul3A_24, %add3A_907 : vector<16xi32>
      %gather3A_909 = tpu.vector_load_idx %arg5[%add3A_908] : memref<32768xf32, #tpu.memory_space<vmem>>[vector<16xi32>], vector<16xf32>,
      %gt3A_910 = arith.cmpf ogt, %gather3A_909, %select_n3A_902 : vector<16xf32>
      %gt3A_911 = arith.cmpf ogt, %gather3A_909, %select_n3A_899 : vector<16xf32>
      %select_n3A_912 = arith.select %gt3A_911, %gather3A_909, %select_n3A_899 : vector<16xi1>, vector<16xf32>
      %select_n3A_913 = arith.select %gt3A_910, %select_n3A_902, %select_n3A_912 : vector<16xi1>, vector<16xf32>
      %select_n3A_914 = arith.select %gt3A_911, %broadcast_in_dim3A_905, %select_n3A_901 : vector<16xi1>, vector<16xi32>
      %select_n3A_915 = arith.select %gt3A_910, %select_n3A_903, %select_n3A_914 : vector<16xi1>, vector<16xi32>
      %select_n3A_916 = arith.select %gt3A_910, %gather3A_909, %select_n3A_902 : vector<16xi1>, vector<16xf32>
      %select_n3A_917 = arith.select %gt3A_910, %broadcast_in_dim3A_905, %select_n3A_903 : vector<16xi1>, vector<16xi32>
      %sub3A = arith.subf %select_n3A_913, %select_n3A_916 : vector<16xf32>
      %exp3A = math.exp %sub3A : vector<16xf32>
      %add3A_918 = arith.constant 1.000000e+00 : f32
      %add3A_919 = vector.broadcast %add3A_918 : f32 to vector<16xf32>
      %add3A_920 = arith.addf %add3A_919, %exp3A : vector<16xf32>
      %div3A = arith.constant 1.000000e+00 : f32
      %div3A_921 = vector.broadcast %div3A : f32 to vector<16xf32>
      %div3A_922 = arith.divf %div3A_921, %add3A_920 : vector<16xf32>
      %mul3A_923 = arith.constant 2 : i32
      %mul3A_924 = vector.broadcast %mul3A_923 : i32 to vector<16xi32>
      %mul3A_925 = arith.muli %add3A_18, %mul3A_924 : vector<16xi32>
      tpu.vector_store_idx %arg6[%mul3A_925], %select_n3A_917 : memref<1024xi32, #tpu.memory_space<vmem>>[vector<16xi32>], vector<16xi32>,
      %add3A_926 = arith.constant 1 : i32
      %add3A_927 = vector.broadcast %add3A_926 : i32 to vector<16xi32>
      %add3A_928 = arith.addi %mul3A_925, %add3A_927 : vector<16xi32>
      tpu.vector_store_idx %arg6[%add3A_928], %select_n3A_915 : memref<1024xi32, #tpu.memory_space<vmem>>[vector<16xi32>], vector<16xi32>,
      tpu.vector_store_idx %arg7[%mul3A_925], %div3A_922 : memref<1024xf32, #tpu.memory_space<vmem>>[vector<16xi32>], vector<16xf32>,
      %add3A_929 = arith.constant 1 : i32
      %add3A_930 = vector.broadcast %add3A_929 : i32 to vector<16xi32>
      %add3A_931 = arith.addi %mul3A_925, %add3A_930 : vector<16xi32>
      %mul3A_932 = arith.mulf %exp3A, %div3A_922 : vector<16xf32>
      tpu.vector_store_idx %arg7[%add3A_931], %mul3A_932 : memref<1024xf32, #tpu.memory_space<vmem>>[vector<16xi32>], vector<16xf32>,
    }
    %scan3A_9 = arith.constant 32 : i32
    %mul3A_10 = arith.constant 2 : i32
    %mul3A_11 = arith.muli %mul3A_2, %mul3A_10 : i32
    "tpu.region"() ({
      %run_scoped3A = tpu.sem_alloc : memref<!tpu.dma_semaphore, #tpu.memory_space<semaphore_mem>>
      %dma_start3A = tpu.memref_slice %arg3[%mul3A_11] : memref<32768xi32, #tpu.memory_space<hbm>> -> memref<1024xi32, #tpu.memory_space<hbm>>
      %dma_start3A_14 = tpu.memref_slice %arg3[%mul3A_11] : memref<32768xi32, #tpu.memory_space<hbm>> -> memref<1024xi32, #tpu.memory_space<hbm>>
      tpu.enqueue_dma source(%arg6 : memref<1024xi32, #tpu.memory_space<vmem>>) target(%dma_start3A_14 : memref<1024xi32, #tpu.memory_space<hbm>>) target_semaphore(%run_scoped3A : memref<!tpu.dma_semaphore, #tpu.memory_space<semaphore_mem>>)
      %dma_wait3A = tpu.memref_slice %arg3[%mul3A_11] : memref<32768xi32, #tpu.memory_space<hbm>> -> memref<1024xi32, #tpu.memory_space<hbm>>
      %dma_wait3A_15 = tpu.memref_slice %arg3[%mul3A_11] : memref<32768xi32, #tpu.memory_space<hbm>> -> memref<1024xi32, #tpu.memory_space<hbm>>
      tpu.wait_dma2 semaphore(%run_scoped3A : memref<!tpu.dma_semaphore, #tpu.memory_space<semaphore_mem>>) src(%arg6 : memref<1024xi32, #tpu.memory_space<vmem>>) dst(%dma_wait3A_15 : memref<1024xi32, #tpu.memory_space<hbm>>)
      tpu.yield
    }) : () -> ()
    %mul3A_12 = arith.constant 2 : i32
    %mul3A_13 = arith.muli %mul3A_2, %mul3A_12 : i32
    "tpu.region"() ({
      %run_scoped3A = tpu.sem_alloc : memref<!tpu.dma_semaphore, #tpu.memory_space<semaphore_mem>>
      %dma_start3A = tpu.memref_slice %arg4[%mul3A_13] : memref<32768xf32, #tpu.memory_space<hbm>> -> memref<1024xf32, #tpu.memory_space<hbm>>
      %dma_start3A_14 = tpu.memref_slice %arg4[%mul3A_13] : memref<32768xf32, #tpu.memory_space<hbm>> -> memref<1024xf32, #tpu.memory_space<hbm>>
      tpu.enqueue_dma source(%arg7 : memref<1024xf32, #tpu.memory_space<vmem>>) target(%dma_start3A_14 : memref<1024xf32, #tpu.memory_space<hbm>>) target_semaphore(%run_scoped3A : memref<!tpu.dma_semaphore, #tpu.memory_space<semaphore_mem>>)
      %dma_wait3A = tpu.memref_slice %arg4[%mul3A_13] : memref<32768xf32, #tpu.memory_space<hbm>> -> memref<1024xf32, #tpu.memory_space<hbm>>
      %dma_wait3A_15 = tpu.memref_slice %arg4[%mul3A_13] : memref<32768xf32, #tpu.memory_space<hbm>> -> memref<1024xf32, #tpu.memory_space<hbm>>
      tpu.wait_dma2 semaphore(%run_scoped3A : memref<!tpu.dma_semaphore, #tpu.memory_space<semaphore_mem>>) src(%arg7 : memref<1024xf32, #tpu.memory_space<vmem>>) dst(%dma_wait3A_15 : memref<1024xf32, #tpu.memory_space<hbm>>)
      tpu.yield
    }) : () -> ()
    return
  }
}

module attributes {stable_mosaic.version = 14 : i64} {
  func.func @_matmul_block(%arg0: i32, %arg1: memref<1024x4096xf32, #tpu.memory_space<vmem>>, %arg2: memref<4096x64xf32, #tpu.memory_space<vmem>>, %arg3: memref<1024x64xf32, #tpu.memory_space<vmem>>) attributes {dimension_semantics = [#tpu.dimension_semantics<arbitrary>], iteration_bounds = array<i64: 16>, scalar_prefetch = 0 : i64, scratch_operands = 0 : i64, tpu.core_type = #tpu.core_type<tc>, window_params = [{transform_indices = @transform_0, window_bounds = array<i64: 1024, 4096>}, {pipeline_mode = #tpu.pipeline_mode<synchronous>, transform_indices = @transform_1, window_bounds = array<i64: 4096, 64>}, {transform_indices = @transform_2, window_bounds = array<i64: 1024, 64>}]} {
    %get3A = arith.constant 0 : index
    %get3A_0 = arith.constant 0 : index
    %get3A_1 = vector.load %arg1[%get3A, %get3A_0] : memref<1024x4096xf32, #tpu.memory_space<vmem>>, vector<1024x4096xf32>
    %get3A_2 = arith.constant 0 : index
    %get3A_3 = arith.constant 0 : index
    %get3A_4 = vector.load %arg2[%get3A_2, %get3A_3] : memref<4096x64xf32, #tpu.memory_space<vmem>>, vector<4096x64xf32>
    %dot_general3A = arith.constant dense<0.000000e+00> : vector<1024x64xf32>
    %dot_general3A_5 = tpu.matmul %get3A_1, %get3A_4, %dot_general3A {dimension_numbers = #tpu.dot_dimension_numbers<[1], [0], [0], [1], [0, 0, 1, 1], [], []>, transpose_lhs_hint = false} : vector<1024x4096xf32>, vector<4096x64xf32>, vector<1024x64xf32> -> vector<1024x64xf32>
    %swap3A = arith.constant 0 : index
    %swap3A_6 = arith.constant 0 : index
    %swap3A_7 = vector.load %arg3[%swap3A, %swap3A_6] : memref<1024x64xf32, #tpu.memory_space<vmem>>, vector<1024x64xf32>
    tpu.vector_store %arg3[%swap3A, %swap3A_6], %dot_general3A_5 {strides = array<i32>} : memref<1024x64xf32, #tpu.memory_space<vmem>>, vector<1024x64xf32>,
    return
  }
  func.func @transform_0(%arg0: i32) -> (i32, i32) {
    %c0_i32 = arith.constant 0 : i32
    %c0_i32_0 = arith.constant 0 : i32
    return %arg0, %c0_i32 : i32, i32
  }
  func.func @transform_1(%arg0: i32) -> (i32, i32) {
    %c0_i32 = arith.constant 0 : i32
    %c0_i32_0 = arith.constant 0 : i32
    %c0_i32_1 = arith.constant 0 : i32
    return %c0_i32, %c0_i32_0 : i32, i32
  }
  func.func @transform_2(%arg0: i32) -> (i32, i32) {
    %c0_i32 = arith.constant 0 : i32
    %c0_i32_0 = arith.constant 0 : i32
    return %arg0, %c0_i32 : i32, i32
  }
}

</mosaic_0001>

<sc_bundles>
// kernel: kernel.4.cloned.1.call-start
scs
__scs_entry_jumppad:
0x0: {  	(pc) =	sbr.rel $0x88, $3  }
0x1: {  	(tag) =	ssettag $0x0;
	lr =	simm.s32 $0x1  }
0x2: {  	[smem:$0x3F9F] =	sst lr;
	_ =	strace $0xD0000000  }
0x3: {  	_ = 	snop  }
0x4: {  	_ = 	snop  }
0x5: {  	_ = 	snop  }
0x6: {  	_ = 	snop  }
0x7: {  	_ = 	snop  }
__scs_overlays_trampoline_lowered:
0x8: {  	[smem:$0x3FAE] =	sst s0  }
0x9: {  	[smem:$0x3FAF] =	sst s1  }
0xa: {  	[smem:$0x3FB0] =	sst s2  }
0xb: {  	[smem:$0x3FB1] =	sst s3  }
0xc: {  	[smem:$0x3FB2] =	sst s4  }
0xd: {  	[smem:$0x3FB3] =	sst s5  }
0xe: {  	[smem:$0x3FB4] =	sst s6  }
0xf: {  	[smem:$0x3FB5] =	sst s7  }
0x10: {  	[smem:$0x3FB6] =	sst s8  }
0x11: {  	[smem:$0x3FB7] =	sst s9;
	s0 =	simm.s32 @!p0 $0x0  }
0x12: {  	s1 =	sld [smem:$0x3F9D];
	s0 =	simm.s32 @p0 $0x1  }
0x13: {  	[smem:$0x3FB8] =	sst s0;
	s0 =	simm.s32 @!p1 $0x0  }
0x14: {  	s2 =	sld [smem:$0x3F9C];
	s0 =	simm.s32 @p1 $0x1  }
0x15: {  	[smem:$0x3FB9] =	sst s0;
	s0 =	simm.s32 @!p2 $0x0  }
0x16: {  	s3 =	sld [smem:$0x3FDB];
	s0 =	simm.s32 @p2 $0x1  }
0x17: {  	s4 =	simm.s32 $0x1BF5;
	[smem:$0x3FBB] =	sst s0  }
0x18: {  	s0 =	sld [smem:$0x3F9E];
	_ =	swait.ge [sflag:s4], $0x0  }
0x19: {  	s7 =	sld [smem:$0x3F9F]  }
0x1a: {  	s8 =	sadd.s32 $0xFFFFE003, lr  }
0x1b: {  	s9 =	sadd.s32 $0xFFFFFEF7, lr;
	s5 =	simm.s32 $0xFFFFFFFF;
	p2 =	slt.u32 s8, $0xFFFFF086  }
0x1c: {  	p1 =	slt.u32 s9, $0xF7A;
	s5 =	simm.s32 @!p2 $0x0  }
0x1d: {  	s5 =	simm.s32 @p1 $0x1;
	p0 =	seq.s32 s7, s2  }
0x1e: {  	s7 =	smul.u32 @!p0 $0xF7A, s2;
	p2 =	seq.s32 @!p0 s5, $0x0  }
0x1f: {  	s9 =	smul.u32 $0xF7A, s1;
	s8 =	simm.s32 @!p0 $0x1BF5;
	p2 =	por !p2, p0  }
0x20: {  	[sflag:s8] =	ssyncset.s32 @!p0 $0xFFFFF086;
	s6 =	sadd.s32 @!p0 s3, s7;
	s7 =	simm.s32 @!p0 $0x108  }
0x21: {  	s3 =	sadd.s32 s3, s9;
	s6 =	sadd.s32 @!p0 $0x88, s6;
	s7 =	simm.s32 @p2 $0x1082  }
0x22: {  	[simem:s7], [sflag:s8] =	dma.local @!p0 [hbm:s6], $0xF7A  }
0x23: {  	s9 =	sor.u32 $0xD0000000, s2;
	s6 =	simm.s32 $0x108;
	_ =	swait.ge @!p0 [sflag:s8], $0x0  }
0x24: {  	s3 =	sadd.s32 $0x88, s3;
	s6 =	simm.s32 @!p1 $0x1082;
	[sflag:s4] =	ssyncset.s32 $0xFFFFF086  }
0x25: {  	[simem:s6], [sflag:s4] =	dma.local [hbm:s3], $0xF7A  }
0x26: {  	[smem:$0x3F9F] =	sst s1;
	(tag) =	ssettag s2;
	_ =	strace s9  }
0x27: {  	s1 =	sld [smem:$0x3FAF]  }
0x28: {  	s2 =	sld [smem:$0x3FB0]  }
0x29: {  	s4 =	sld [smem:$0x3FB2]  }
0x2a: {  	p0 =	seq.s32 s5, $0x0;
	s5 =	sld [smem:$0x3FB3]  }
0x2b: {  	s6 =	sld [smem:$0x3FB4]  }
0x2c: {  	s7 =	sld [smem:$0x3FB5]  }
0x2d: {  	s3 =	simm.s32 $0x108;
	s8 =	sld [smem:$0x3FB6]  }
0x2e: {  	s3 =	simm.s32 @!p0 $0x1082;
	s9 =	sld [smem:$0x3FB7]  }
0x2f: {  	lr =	sadd.s32 s0, s3;
	s0 =	sld [smem:$0x3FAE]  }
0x30: {  	s3 =	sld [smem:$0x3FB1]  }
0x31: {  	[smem:$0x3FBA] =	sst s10  }
0x32: {  	s10 =	sld [smem:$0x3FB8];
	_ =	sdelay $0x3  }
0x33: {  	p0 =	seq.s32 s10, $0x1;
	s10 =	sld [smem:$0x3FBA];
	_ =	sdelay $0x3  }
0x34: {  	[smem:$0x3FBA] =	sst s10  }
0x35: {  	s10 =	sld [smem:$0x3FB9];
	_ =	sdelay $0x3  }
0x36: {  	p1 =	seq.s32 s10, $0x1;
	s10 =	sld [smem:$0x3FBA];
	_ =	sdelay $0x3  }
0x37: {  	[smem:$0x3FBA] =	sst s10  }
0x38: {  	s10 =	sld [smem:$0x3FBB]  }
0x39: {  	_ = 	snop;
	(pc) =	sbr.ind lr, $3  }
0x3a: {  	_ = 	snop  }
0x3b: {  	_ = 	snop  }
0x3c: {  	p2 =	seq.s32 s10, $0x1;
	s10 =	sld [smem:$0x3FBA]  }
0x3d: {  	_ =	shalt  }
0x3e: {  	_ =	shalt  }
0x3f: {  	_ =	shalt  }
0x40: {  	_ =	shalt  }
0x41: {  	_ =	shalt  }
0x42: {  	_ =	shalt  }
0x43: {  	_ =	shalt  }
0x44: {  	_ =	shalt  }
0x45: {  	_ =	shalt  }
0x46: {  	_ =	shalt  }
0x47: {  	_ =	shalt  }
0x48: {  	_ =	shalt  }
0x49: {  	_ =	shalt  }
0x4a: {  	_ =	shalt  }
0x4b: {  	_ =	shalt  }
0x4c: {  	_ =	shalt  }
0x4d: {  	_ =	shalt  }
0x4e: {  	_ =	shalt  }
0x4f: {  	_ =	shalt  }
0x50: {  	_ =	shalt  }
0x51: {  	_ =	shalt  }
0x52: {  	_ =	shalt  }
0x53: {  	_ =	shalt  }
0x54: {  	_ =	shalt  }
0x55: {  	_ =	shalt  }
0x56: {  	_ =	shalt  }
0x57: {  	_ =	shalt  }
0x58: {  	_ =	shalt  }
0x59: {  	_ =	shalt  }
0x5a: {  	_ =	shalt  }
0x5b: {  	_ =	shalt  }
0x5c: {  	_ =	shalt  }
0x5d: {  	_ =	shalt  }
0x5e: {  	_ =	shalt  }
0x5f: {  	_ =	shalt  }
0x60: {  	_ =	shalt  }
0x61: {  	_ =	shalt  }
0x62: {  	_ =	shalt  }
0x63: {  	_ =	shalt  }
0x64: {  	_ =	shalt  }
0x65: {  	_ =	shalt  }
0x66: {  	_ =	shalt  }
0x67: {  	_ =	shalt  }
0x68: {  	_ =	shalt  }
0x69: {  	_ =	shalt  }
0x6a: {  	_ =	shalt  }
0x6b: {  	_ =	shalt  }
0x6c: {  	_ =	shalt  }
0x6d: {  	_ =	shalt  }
0x6e: {  	_ =	shalt  }
0x6f: {  	_ =	shalt  }
0x70: {  	_ =	shalt  }
0x71: {  	_ =	shalt  }
0x72: {  	_ =	shalt  }
0x73: {  	_ =	shalt  }
0x74: {  	_ =	shalt  }
0x75: {  	_ =	shalt  }
0x76: {  	_ =	shalt  }
0x77: {  	_ =	shalt  }
0x78: {  	_ =	shalt  }
0x79: {  	_ =	shalt  }
0x7a: {  	_ =	shalt  }
0x7b: {  	_ =	shalt  }
0x7c: {  	_ =	shalt  }
0x7d: {  	_ =	shalt  }
0x7e: {  	_ =	shalt  }
0x7f: {  	_ =	shalt  }
0x80: {  	_ =	shalt  }
0x81: {  	_ =	shalt  }
0x82: {  	_ =	shalt  }
0x83: {  	_ =	shalt  }
0x84: {  	_ =	shalt  }
0x85: {  	_ =	shalt  }
0x86: {  	_ =	shalt  }
0x87: {  	_ =	shalt  }
.Lfunc_end0:
.L_simem_size_0:
called_computation_lowered:
.L_overlay_start_0:
0x88: {  	s2 =	sld [smem:$0x3FD9]  }
0x89: {  	s3 =	sld [smem:$0x3FFE];
	_ =	sdelay $0x1  }
0x8a: {  	s1 =	srdreg.scid  }
0x8b: {  	s0 =	sand.u32 $0x1, s1  }
0x8c: {  	s14 =	sshll.u32 s0, $0xA;
	s2 =	sadd.s32 s3, s2  }
0x8d: {  	s2 =	sadd.s32 s2, s14  }
0x8e: {  	[smem:$0x3FC6] =	sst s2  }
0x8f: {  	_ = 	snop  }
0x90: {  	s2 =	sld [smem:$0x3FD0];
	_ =	sdelay $0x2  }
0x91: {  	s15 =	simm.s32 $0xA;
	s4 =	simm.s32 $0x10  }
0x92: {  	[smem:s4], [sflag:s15] =	dma.local [hbm:s2], $0x1  }
0x93: {  	_ =	swait.eq [sflag:s15], $0x1  }
0x94: {  	[sflag:s15] =	ssyncset.done $0x0  }
0x95: {  	[sflag:s15] =	ssyncadd.s32 $0xFFFFFFFF  }
0x96: {  	s16 =	sld [smem:$0x11];
	(tm) =	ssettm $0x1  }
0x97: {  	s17 =	sld [smem:$0x3FFB];
	_ =	sdelay $0x3  }
0x98: {  	_ =	strace s17  }
0x99: {  	s3 =	sld [smem:$0x3FFC];
	_ =	sdelay $0x3  }
0x9a: {  	_ =	strace s3  }
0x9b: {  	s3 =	sld [smem:$0x3FFD];
	_ =	sdelay $0x3  }
0x9c: {  	_ =	strace s3  }
0x9d: {  	_ =	strace $0x8FFFFFFF  }
0x9e: {  	s18 =	sld [smem:$0x3FDB];
	_ =	sdelay $0x1  }
0x9f: {  	s19 =	simm.s32 $_scs_section_size  }
0xa0: {  	s5 =	simm.s32 $_size__tile_overlayer_lowered;
	s6 =	simm.s32 $_tile_overlayer_lowered  }
0xa1: {  	s22 =	simm.s32 $0x1BFF;
	s21 =	sshll.u32 s6, $0x1;
	s3 =	sadd.s32 s19, s18  }
0xa2: {  	s7 =	simm.s32 $0x0;
	s20 =	sshll.u32 s5, $0x1;
	s5 =	sadd.s32 s21, s3  }
0xa3: {  	[timem:s7], [sflag:s22] =	dma.local [hbm:s5], s20  }
0xa4: {  	_ =	swait.ge [sflag:s22], s20  }
0xa5: {  	s4 =	ssub.s32 $0x0, s20;
	[sflag:s22] =	ssyncset.done $0x0  }
0xa6: {  	[sflag:s22] =	ssyncadd.s32 s4;
	_ =	sdelay $0x1  }
0xa7: {  	s23 =	simm.s32 $0x1B8B  }
0xa8: {  	_ =	swait.ge [sflag:s23], $0x1  }
0xa9: {  	[sflag:s23] =	ssyncset.done $0x0  }
0xaa: {  	s25 =	simm.s32 $0x1B8E;
	s24 =	sld [smem:$0x3FFE];
	[sflag:s23] =	ssyncadd.s32 $0xFFFFFFFF  }
0xab: {  	s26 =	simm.s32 $execute0_lowered;
	[smem:$0x3FD2] =	sst s25  }
0xac: {  	s5 =	sshll.u32 s26, $0x1;
	_ =	strace $0x80000046;
	[dreg:$0x1] =	wrdreg $0xFFFFFFFF  }
0xad: {  	s28 =	simm.s32 $_size_execute0_lowered;
	s3 =	sadd.s32 s3, s5;
	[dreg:$0x0] =	wrdreg $0x0  }
0xae: {  	s5 =	sshll.u32 s28, $0x1;
	[dreg:$0x2] =	wrdreg s3  }
0xaf: {  	[dreg:$0x3] =	wrdreg s5  }
0xb0: {  	[dreg:$0x4] =	wrdreg $0xC0  }
0xb1: {  	_ =	task [dreg:s7], $0x5FFFF  }
0xb2: {  	[dreg:$0x1] =	wrdreg $0xFFFFFFFF  }
0xb3: {  	[dreg:$0x0] =	wrdreg $0x60  }
0xb4: {  	[dreg:$0x2] =	wrdreg s24  }
0xb5: {  	[dreg:$0x3] =	wrdreg s16  }
0xb6: {  	[dreg:$0x4] =	wrdreg $0x9  }
0xb7: {  	_ =	task.clear_ibuf [dreg:s7], $0x5FFFF;
	_ =	strace $0x90000046  }
0xb8: {  	s29 =	simm.s32 $0x9;
	_ =	strace $0x80000048  }
0xb9: {  	_ =	swait.ge [sflag:s29], $0x1  }
0xba: {  	[sflag:s29] =	ssyncadd.s32 $0xFFFFFFFF  }
0xbb: {  	_ =	strace $0x90000048  }
0xbc: {  	_ =	sfence  }
0xbd: {  	s30 =	sld [smem:$0x0];
	_ =	sdelay $0x2  }
0xbe: {  	s31 =	sshll.u32 s1, $0xD;
	s1 =	sshrl.u32 s1, $0x2  }
0xbf: {  	s3 =	sand.u32 $0x4000, s31;
	s1 =	sadd.s32 s1, s30  }
0xc0: {  	s0 =	sor.u32 s3, s0;
	s1 =	sshll.u32 s1, $0x11  }
0xc1: {  	s0 =	sor.u32 s1, s0  }
0xc2: {  	s0 =	sadd.s32 $0x8F2B, s0  }
0xc3: {  	[sflag:s0] =	ssyncadd.remote.s32 $0x1  }
0xc4: {  	_ =	sfence.sel $0xFFFF  }
0xc5: {  	[dreg:$0x0] =	wrdreg $0xFFFFFFFF;
	(pc) =	sbr.abs _section_cstart, $3  }
0xc6: {  	[dreg:$0x1] =	wrdreg $0xFFFFFFFF  }
0xc7: {  	_ =	task.clear_ibuf [dreg:s7], $0x2FFFF;
	_ =	strace $0x9FFFFFFF  }
0xc8: {  	(tm) =	ssettm $0x7FFFFFFF  }
0xc9: {  	_ =	shalt  }
tec
execute0_lowered:
.L_overlay_start_1:
0x0: {  	(tag) =	ssettag $0x1  }
0x1: {  	s3 =	rddreg [dreg:$0x0]  }
0x2: {  	s4 =	rddreg [dreg:$0x1]  }
0x3: {  	s0 =	rddreg [dreg:$0x2]  }
0x4: {  	s5 =	srdreg.scid;
	s1 =	stileid.u32  }
0x5: {  	s2 =	simm.s32 $0x0;
	s5 =	sand.u32 $0x1, s5;
	s6 =	sshll.u32 s1, $0x1  }
0x6: {  	s10 =	simm.s32 $0x0;
	[smem:$0x7FF] =	sst s2;
	s6 =	sor.u32 s5, s6  }
0x7: {  	_ =	strace $0x80000047;
	s5 =	ssub.s32 $0x2, s5;
	s7 =	sshll.u32 s6, $0xC  }
0x8: {  	s6 =	sshll.u32 s6, $0x7;
	s31 =	sshrl.u32 s5, $0x1;
	s7 =	sadd.s32 s7, s3  }
0x9: {  	s8 =	sadd.s32 s6, s3;
	s9 =	ssub.s32 s5, s31;
	s4 =	sadd.s32 s4, s6  }
0xa: {  	s3 =	sadd.s32 $0xA00, s7;
	s5 =	sadd.s32 $0x20A00, s8;
	s6 =	smax.u32 s9, $0x1  }
0xb: {  	v0 =	vlaneseq.u32;
	v1 =	vimm.s32 $0x0;
	s7 =	simm.s32 $0x1;
	s8 =	simm.s32 $0x8000;
	s9 =	simm.s32 $0x8400  }
.LBB2_1:
0xc: {  	v2 =	vor.u32 s2, v0  }
0xd: {  	v3 =	vshll.u32 v2, $0x6  }
0xe: {  	[tilespmem:s2], [sflag:$0x1] =	stream.linear.gather [hbm4b:s3+s2], $0x8000, $0x38;
	[tilespmem:$0x8800] =	vst v63  }
0xf: {  	_ =	swait.ge [sflag:s7], $0x8000;
	v4 =	vor.u32 $0x1, v3  }
0x10: {  	[sflag:s7] =	ssyncset.done $0x0  }
0x11: {  	[sflag:s7] =	ssyncadd.s32 $0xFFFF8000  }
0x12: {  	v6 =	vld.idx.msk [tilespmem:v3+s2+$0x0], $0xffff  }
0x13: {  	v5 =	vor.u32 $0x2, v3  }
0x14: {  	v4 =	vld.idx.msk [tilespmem:v4+s2+$0x0], $0xffff;
	_ =	sdelay $0x1  }
0x15: {  	v7 =	vor.u32 $0x3, v3  }
0x16: {  	vm0 =	vgt.f32 v6, $-Inf  }
0x17: {  	v9 =	vimm.s32 $0x0;
	v8 =	vor.u32 $0x4, v3;
	v5 =	vld.idx.msk [tilespmem:v5+s2+$0x0], $0xffff;
	v6 =	vnsel vm0, $0xFF800000, v6  }
0x18: {  	vm8 =	vlt.f32 v4, $-Inf;
	vm1 =	vgt.f32 v4, $-Inf;
	vm2 =	vgt.f32 v4, v6  }
0x19: {  	vm14 =	vmor vm1, vm8;
	v9 =	vsel vm2, $0xFFFFFFFF, v9  }
0x1a: {  	v7 =	vld.idx.msk [tilespmem:v7+s2+$0x0], $0xffff;
	vm1 =	vmneg vm2;
	[tilespmem:$0x1FC10] =	vst v9;
	v9 =	vnsel vm14, $0xFF800000, v4  }
0x1b: {  	v9 =	vsel vm1, v9, v6  }
0x1c: {  	v10 =	vor.u32 $0x5, v3;
	v4 =	vsel vm1, v6, v4;
	vm15 =	vgt.f32 v5, v9  }
0x1d: {  	v6 =	vld.idx.msk [tilespmem:v8+s2+$0x0], $0xffff;
	vm2 =	vgt.f32 v5, v4;
	v8 =	vsel vm15, v5, v9  }
0x1e: {  	v9 =	vor.u32 $0x6, v3;
	v8 =	vsel vm2, v4, v8  }
0x1f: {  	v4 =	vsel vm2, v5, v4;
	v5 =	vimm.s32 $0x0;
	vm9 =	vgt.f32 v7, v8  }
0x20: {  	vm3 =	vgt.f32 v7, v4;
	v5 =	vsel vm9, $0xFFFFFFFF, v5;
	v8 =	vsel vm9, v7, v8  }
0x21: {  	[tilespmem:$0x1FC20] =	vst v5;
	v5 =	vld.idx.msk [tilespmem:v10+s2+$0x0], $0xffff;
	v8 =	vsel vm3, v4, v8  }
0x22: {  	v4 =	vsel vm3, v7, v4;
	v7 =	vimm.s32 $0x0;
	vm10 =	vgt.f32 v6, v8  }
0x23: {  	v10 =	vor.u32 $0x7, v3;
	v7 =	vsel vm10, $0xFFFFFFFF, v7  }
0x24: {  	vm4 =	vgt.f32 v6, v4;
	v8 =	vsel vm10, v6, v8;
	[tilespmem:$0x1FC30] =	vst v7;
	v7 =	vld.idx.msk [tilespmem:v9+s2+$0x0], $0xffff  }
0x25: {  	v9 =	vor.u32 $0x8, v3;
	v8 =	vsel vm4, v4, v8  }
0x26: {  	v4 =	vsel vm4, v6, v4;
	v6 =	vimm.s32 $0x0;
	vm11 =	vgt.f32 v5, v8  }
0x27: {  	vm5 =	vgt.f32 v5, v4;
	v6 =	vsel vm11, $0xFFFFFFFF, v6;
	v8 =	vsel vm11, v5, v8  }
0x28: {  	[tilespmem:$0x1FC40] =	vst v6;
	v6 =	vld.idx.msk [tilespmem:v10+s2+$0x0], $0xffff;
	v8 =	vsel vm5, v4, v8  }
0x29: {  	v4 =	vsel vm5, v5, v4;
	v5 =	vimm.s32 $0x0;
	vm12 =	vgt.f32 v7, v8  }
0x2a: {  	v10 =	vor.u32 $0x9, v3;
	v5 =	vsel vm12, $0xFFFFFFFF, v5  }
0x2b: {  	vm6 =	vgt.f32 v7, v4;
	v8 =	vsel vm12, v7, v8;
	[tilespmem:$0x1FC50] =	vst v5;
	v5 =	vld.idx.msk [tilespmem:v9+s2+$0x0], $0xffff  }
0x2c: {  	v9 =	vor.u32 $0xA, v3;
	v8 =	vsel vm6, v4, v8  }
0x2d: {  	v4 =	vsel vm6, v7, v4;
	v7 =	vimm.s32 $0x0;
	vm13 =	vgt.f32 v6, v8  }
0x2e: {  	vm7 =	vgt.f32 v6, v4;
	v7 =	vsel vm13, $0xFFFFFFFF, v7;
	v8 =	vsel vm13, v6, v8  }
0x2f: {  	[tilespmem:$0x1FC60] =	vst v7;
	v7 =	vld.idx.msk [tilespmem:v10+s2+$0x0], $0xffff;
	v8 =	vsel vm7, v4, v8  }
0x30: {  	v4 =	vsel vm7, v6, v4;
	v6 =	vimm.s32 $0x0;
	vm8 =	vgt.f32 v5, v8  }
0x31: {  	v10 =	vor.u32 $0xB, v3;
	v6 =	vsel vm8, $0xFFFFFFFF, v6  }
0x32: {  	v8 =	vsel vm8, v5, v8;
	vm8 =	vgt.f32 v5, v4;
	[tilespmem:$0x1FC70] =	vst v6;
	v6 =	vld.idx.msk [tilespmem:v9+s2+$0x0], $0xffff  }
0x33: {  	v9 =	vor.u32 $0xC, v3;
	v8 =	vsel vm8, v4, v8  }
0x34: {  	v4 =	vsel vm8, v5, v4;
	v5 =	vimm.s32 $0x0;
	vm9 =	vgt.f32 v7, v8  }
0x35: {  	v5 =	vsel vm9, $0xFFFFFFFF, v5;
	v8 =	vsel vm9, v7, v8;
	vm9 =	vgt.f32 v7, v4  }
0x36: {  	[tilespmem:$0x1FC80] =	vst v5;
	v5 =	vld.idx.msk [tilespmem:v10+s2+$0x0], $0xffff;
	v8 =	vsel vm9, v4, v8  }
0x37: {  	v4 =	vsel vm9, v7, v4;
	v7 =	vimm.s32 $0x0;
	vm10 =	vgt.f32 v6, v8  }
0x38: {  	v10 =	vor.u32 $0xD, v3;
	v7 =	vsel vm10, $0xFFFFFFFF, v7  }
0x39: {  	v8 =	vsel vm10, v6, v8;
	vm10 =	vgt.f32 v6, v4;
	[tilespmem:$0x1FC90] =	vst v7;
	v7 =	vld.idx.msk [tilespmem:v9+s2+$0x0], $0xffff  }
0x3a: {  	v9 =	vor.u32 $0xE, v3;
	v8 =	vsel vm10, v4, v8  }
0x3b: {  	v4 =	vsel vm10, v6, v4;
	v6 =	vimm.s32 $0x0;
	vm11 =	vgt.f32 v5, v8  }
0x3c: {  	v6 =	vsel vm11, $0xFFFFFFFF, v6;
	v8 =	vsel vm11, v5, v8;
	vm11 =	vgt.f32 v5, v4  }
0x3d: {  	[tilespmem:$0x1FCA0] =	vst v6;
	v6 =	vld.idx.msk [tilespmem:v10+s2+$0x0], $0xffff;
	v8 =	vsel vm11, v4, v8  }
0x3e: {  	v4 =	vsel vm11, v5, v4;
	v5 =	vimm.s32 $0x0;
	vm12 =	vgt.f32 v7, v8  }
0x3f: {  	v10 =	vor.u32 $0xF, v3;
	v5 =	vsel vm12, $0xFFFFFFFF, v5  }
0x40: {  	v8 =	vsel vm12, v7, v8;
	vm12 =	vgt.f32 v7, v4;
	[tilespmem:$0x1FCB0] =	vst v5;
	v5 =	vld.idx.msk [tilespmem:v9+s2+$0x0], $0xffff  }
0x41: {  	v9 =	vor.u32 $0x10, v3;
	v8 =	vsel vm12, v4, v8  }
0x42: {  	v12 =	vld [tilespmem:$0x1FC10];
	v4 =	vsel vm12, v7, v4;
	v7 =	vimm.s32 $0x0;
	vm13 =	vgt.f32 v6, v8  }
0x43: {  	v7 =	vsel vm13, $0xFFFFFFFF, v7;
	v8 =	vsel vm13, v6, v8;
	vm13 =	vgt.f32 v6, v4  }
0x44: {  	[tilespmem:$0x1FCC0] =	vst v7;
	v7 =	vld.idx.msk [tilespmem:v10+s2+$0x0], $0xffff;
	v8 =	vsel vm13, v4, v8  }
0x45: {  	v4 =	vsel vm13, v6, v4;
	v6 =	vimm.s32 $0x0;
	vm0 =	vgt.f32 v5, v8  }
0x46: {  	vm1 =	vmand vm14, vm1;
	v6 =	vsel vm0, $0xFFFFFFFF, v6  }
0x47: {  	vm14 =	vnez.u8 v12;
	v8 =	vsel vm0, v5, v8;
	vm0 =	vgt.f32 v5, v4;
	[tilespmem:$0x1FCD0] =	vst v6;
	v6 =	vld.idx.msk [tilespmem:v9+s2+$0x0], $0xffff  }
0x48: {  	v12 =	vsel vm14, $0x1, v1;
	v10 =	vor.u32 $0x11, v3;
	v8 =	vsel vm0, v4, v8  }
0x49: {  	v9 =	vsel vm1, $0x1, v1;
	v4 =	vsel vm0, v5, v4;
	vm14 =	vgt.f32 v7, v8  }
0x4a: {  	v5 =	vsel vm15, $0x2, v9;
	vm1 =	vgt.f32 v7, v4;
	v8 =	vsel vm14, v7, v8  }
0x4b: {  	v5 =	vsel vm2, v12, v5;
	v12 =	vsel vm2, $0x2, v12;
	v8 =	vsel vm1, v4, v8  }
0x4c: {  	v4 =	vsel vm1, v7, v4;
	v7 =	vimm.s32 $0x0;
	vm2 =	vgt.f32 v6, v8  }
0x4d: {  	v7 =	vsel vm2, $0xFFFFFFFF, v7  }
0x4e: {  	[tilespmem:$0x1FCE0] =	vst v7;
	v7 =	vld [tilespmem:$0x1FC20];
	_ =	sdelay $0x1  }
0x4f: {  	v11 =	vor.u32 $0x12, v3;
	v13 =	vld [tilespmem:$0x1FC30]  }
0x50: {  	v9 =	vld.idx.msk [tilespmem:v10+s2+$0x0], $0xffff  }
0x51: {  	vm15 =	vmmov vm14  }
0x52: {  	v8 =	vsel vm2, v6, v8;
	vm2 =	vgt.f32 v6, v4;
	vm14 =	vnez.u8 v7  }
0x53: {  	v8 =	vsel vm2, v4, v8;
	v5 =	vsel vm14, $0x3, v5  }
0x54: {  	v4 =	vsel vm2, v6, v4;
	v7 =	vld.idx.msk [tilespmem:v11+s2+$0x0], $0xffff;
	vm14 =	vnez.u8 v13;
	v5 =	vsel vm3, v12, v5  }
0x55: {  	v6 =	vimm.s32 $0x0;
	v5 =	vsel vm14, $0x4, v5;
	vm14 =	vgt.f32 v9, v8  }
0x56: {  	v10 =	vor.u32 $0x13, v3;
	v6 =	vsel vm14, $0xFFFFFFFF, v6  }
0x57: {  	v8 =	vsel vm14, v9, v8;
	[tilespmem:$0x1FCF0] =	vst v6;
	v6 =	vsel vm3, $0x3, v12;
	vm3 =	vgt.f32 v9, v4  }
0x58: {  	v5 =	vsel vm4, v6, v5;
	v8 =	vsel vm3, v4, v8;
	v6 =	vsel vm4, $0x4, v6  }
0x59: {  	v4 =	vsel vm3, v9, v4;
	v9 =	vimm.s32 $0x0;
	vm4 =	vgt.f32 v7, v8  }
0x5a: {  	v9 =	vsel vm4, $0xFFFFFFFF, v9  }
0x5b: {  	[tilespmem:$0x1FD00] =	vst v9;
	v9 =	vld [tilespmem:$0x1FC40];
	_ =	sdelay $0x1  }
0x5c: {  	v10 =	vld.idx.msk [tilespmem:v10+s2+$0x0], $0xffff;
	_ =	sdelay $0x1  }
0x5d: {  	v8 =	vsel vm4, v7, v8;
	vm4 =	vgt.f32 v7, v4  }
0x5e: {  	v11 =	vor.u32 $0x14, v3;
	v8 =	vsel vm4, v4, v8;
	vm14 =	vnez.u8 v9  }
0x5f: {  	v4 =	vsel vm4, v7, v4;
	v7 =	vimm.s32 $0x0;
	v5 =	vsel vm14, $0x5, v5  }
0x60: {  	v5 =	vsel vm5, v6, v5;
	v6 =	vsel vm5, $0x5, v6;
	vm5 =	vgt.f32 v10, v8  }
0x61: {  	v7 =	vsel vm5, $0xFFFFFFFF, v7  }
0x62: {  	[tilespmem:$0x1FD10] =	vst v7;
	v7 =	vld [tilespmem:$0x1FC50];
	_ =	sdelay $0x1  }
0x63: {  	v9 =	vld.idx.msk [tilespmem:v11+s2+$0x0], $0xffff;
	_ =	sdelay $0x1  }
0x64: {  	v8 =	vsel vm5, v10, v8;
	vm5 =	vgt.f32 v10, v4  }
0x65: {  	v12 =	vor.u32 $0x15, v3;
	v8 =	vsel vm5, v4, v8;
	vm14 =	vnez.u8 v7  }
0x66: {  	v4 =	vsel vm5, v10, v4;
	v10 =	vimm.s32 $0x0;
	v5 =	vsel vm14, $0x6, v5  }
0x67: {  	v5 =	vsel vm6, v6, v5;
	v6 =	vsel vm6, $0x6, v6;
	vm6 =	vgt.f32 v9, v8  }
0x68: {  	v10 =	vsel vm6, $0xFFFFFFFF, v10  }
0x69: {  	[tilespmem:$0x1FD20] =	vst v10;
	v10 =	vld [tilespmem:$0x1FC60];
	_ =	sdelay $0x1  }
0x6a: {  	v7 =	vld.idx.msk [tilespmem:v12+s2+$0x0], $0xffff;
	_ =	sdelay $0x1  }
0x6b: {  	v8 =	vsel vm6, v9, v8;
	vm6 =	vgt.f32 v9, v4  }
0x6c: {  	v11 =	vor.u32 $0x16, v3;
	v8 =	vsel vm6, v4, v8;
	vm14 =	vnez.u8 v10  }
0x6d: {  	v4 =	vsel vm6, v9, v4;
	v9 =	vimm.s32 $0x0;
	v5 =	vsel vm14, $0x7, v5  }
0x6e: {  	v5 =	vsel vm7, v6, v5;
	v6 =	vsel vm7, $0x7, v6;
	vm7 =	vgt.f32 v7, v8  }
0x6f: {  	v9 =	vsel vm7, $0xFFFFFFFF, v9  }
0x70: {  	[tilespmem:$0x1FD30] =	vst v9;
	v9 =	vld [tilespmem:$0x1FC70];
	_ =	sdelay $0x1  }
0x71: {  	v10 =	vld.idx.msk [tilespmem:v11+s2+$0x0], $0xffff;
	_ =	sdelay $0x1  }
0x72: {  	v8 =	vsel vm7, v7, v8;
	vm7 =	vgt.f32 v7, v4  }
0x73: {  	v12 =	vor.u32 $0x17, v3;
	v8 =	vsel vm7, v4, v8;
	vm14 =	vnez.u8 v9  }
0x74: {  	v4 =	vsel vm7, v7, v4;
	v7 =	vimm.s32 $0x0;
	v5 =	vsel vm14, $0x8, v5  }
0x75: {  	v5 =	vsel vm8, v6, v5;
	v6 =	vsel vm8, $0x8, v6;
	vm8 =	vgt.f32 v10, v8  }
0x76: {  	v7 =	vsel vm8, $0xFFFFFFFF, v7  }
0x77: {  	[tilespmem:$0x1FD40] =	vst v7;
	v7 =	vld [tilespmem:$0x1FC80];
	_ =	sdelay $0x1  }
0x78: {  	v9 =	vld.idx.msk [tilespmem:v12+s2+$0x0], $0xffff;
	_ =	sdelay $0x1  }
0x79: {  	v8 =	vsel vm8, v10, v8;
	vm8 =	vgt.f32 v10, v4  }
0x7a: {  	v11 =	vor.u32 $0x18, v3;
	v8 =	vsel vm8, v4, v8;
	vm14 =	vnez.u8 v7  }
0x7b: {  	v4 =	vsel vm8, v10, v4;
	v10 =	vimm.s32 $0x0;
	v5 =	vsel vm14, $0x9, v5  }
0x7c: {  	v5 =	vsel vm9, v6, v5;
	v6 =	vsel vm9, $0x9, v6;
	vm9 =	vgt.f32 v9, v8  }
0x7d: {  	v10 =	vsel vm9, $0xFFFFFFFF, v10  }
0x7e: {  	[tilespmem:$0x1FD50] =	vst v10;
	v10 =	vld [tilespmem:$0x1FC90];
	_ =	sdelay $0x1  }
0x7f: {  	v7 =	vld.idx.msk [tilespmem:v11+s2+$0x0], $0xffff;
	_ =	sdelay $0x1  }
0x80: {  	v8 =	vsel vm9, v9, v8;
	vm9 =	vgt.f32 v9, v4  }
0x81: {  	v12 =	vor.u32 $0x19, v3;
	v8 =	vsel vm9, v4, v8;
	vm14 =	vnez.u8 v10  }
0x82: {  	v4 =	vsel vm9, v9, v4;
	v9 =	vimm.s32 $0x0;
	v5 =	vsel vm14, $0xA, v5  }
0x83: {  	v5 =	vsel vm10, v6, v5;
	v6 =	vsel vm10, $0xA, v6;
	vm10 =	vgt.f32 v7, v8  }
0x84: {  	v9 =	vsel vm10, $0xFFFFFFFF, v9  }
0x85: {  	[tilespmem:$0x1FD60] =	vst v9;
	v9 =	vld [tilespmem:$0x1FCA0];
	_ =	sdelay $0x1  }
0x86: {  	v10 =	vld.idx.msk [tilespmem:v12+s2+$0x0], $0xffff;
	_ =	sdelay $0x1  }
0x87: {  	v11 =	vor.u32 $0x1A, v3  }
0x88: {  	v8 =	vsel vm10, v7, v8;
	vm10 =	vgt.f32 v7, v4;
	vm14 =	vnez.u8 v9  }
0x89: {  	v13 =	vsel vm11, $0xB, v6;
	v8 =	vsel vm10, v4, v8;
	v5 =	vsel vm14, $0xB, v5  }
0x8a: {  	v5 =	vsel vm11, v6, v5;
	vm11 =	vgt.f32 v10, v8;
	v6 =	vimm.s32 $0x0  }
0x8b: {  	v6 =	vsel vm11, $0xFFFFFFFF, v6  }
0x8c: {  	[tilespmem:$0x1FD70] =	vst v6;
	v6 =	vld [tilespmem:$0x1FCB0];
	_ =	sdelay $0x1  }
0x8d: {  	v12 =	vor.u32 $0x1B, v3;
	v9 =	vld.idx.msk [tilespmem:v11+s2+$0x0], $0xffff  }
0x8e: {  	v4 =	vsel vm10, v7, v4  }
0x8f: {  	v7 =	vsel vm11, v10, v8;
	vm11 =	vgt.f32 v10, v4  }
0x90: {  	v7 =	vsel vm11, v4, v7;
	vm14 =	vnez.u8 v6  }
0x91: {  	v4 =	vsel vm11, v10, v4;
	v10 =	vimm.s32 $0x0;
	v5 =	vsel vm14, $0xC, v5  }
0x92: {  	v6 =	vld.idx.msk [tilespmem:v12+s2+$0x0], $0xffff;
	v12 =	vsel vm12, $0xC, v13;
	v5 =	vsel vm12, v13, v5;
	vm12 =	vgt.f32 v9, v7  }
0x93: {  	v10 =	vsel vm12, $0xFFFFFFFF, v10  }
0x94: {  	[tilespmem:$0x1FD80] =	vst v10;
	v10 =	vld [tilespmem:$0x1FCC0];
	_ =	sdelay $0x3  }
0x95: {  	v7 =	vsel vm12, v9, v7;
	vm12 =	vgt.f32 v9, v4  }
0x96: {  	v11 =	vor.u32 $0x1C, v3;
	v7 =	vsel vm12, v4, v7;
	vm14 =	vnez.u8 v10  }
0x97: {  	v4 =	vsel vm12, v9, v4;
	v9 =	vimm.s32 $0x0;
	v5 =	vsel vm14, $0xD, v5  }
0x98: {  	v5 =	vsel vm13, v12, v5;
	v12 =	vsel vm13, $0xD, v12;
	vm13 =	vgt.f32 v6, v7  }
0x99: {  	v9 =	vsel vm13, $0xFFFFFFFF, v9  }
0x9a: {  	[tilespmem:$0x1FD90] =	vst v9;
	v9 =	vld [tilespmem:$0x1FCD0];
	_ =	sdelay $0x1  }
0x9b: {  	v8 =	vor.u32 $0x1D, v3;
	v10 =	vld.idx.msk [tilespmem:v11+s2+$0x0], $0xffff;
	_ =	sdelay $0x2  }
0x9c: {  	v7 =	vsel vm13, v6, v7;
	vm13 =	vgt.f32 v6, v4;
	vm14 =	vnez.u8 v9  }
0x9d: {  	v11 =	vor.u32 $0x1E, v3;
	v7 =	vsel vm13, v4, v7;
	v5 =	vsel vm14, $0xE, v5  }
0x9e: {  	v8 =	vld.idx.msk [tilespmem:v8+s2+$0x0], $0xffff;
	v4 =	vsel vm13, v6, v4;
	vm14 =	vgt.f32 v10, v7;
	v5 =	vsel vm0, v12, v5  }
0x9f: {  	v12 =	vsel vm0, $0xE, v12;
	v7 =	vsel vm14, v10, v7;
	vm0 =	vgt.f32 v10, v4  }
0xa0: {  	v6 =	vimm.s32 $0x0;
	v7 =	vsel vm0, v4, v7;
	v4 =	vsel vm0, v10, v4;
	v10 =	vld [tilespmem:$0x1FCE0]  }
0xa1: {  	v6 =	vsel vm14, $0xFFFFFFFF, v6  }
0xa2: {  	[tilespmem:$0x1FDA0] =	vst v6;
	v5 =	vsel vm15, $0xF, v5;
	v6 =	vld.idx.msk [tilespmem:v11+s2+$0x0], $0xffff  }
0xa3: {  	v5 =	vsel vm1, v12, v5;
	vm15 =	vgt.f32 v8, v7  }
0xa4: {  	v12 =	vsel vm1, $0xF, v12;
	vm1 =	vgt.f32 v8, v4;
	v7 =	vsel vm15, v8, v7  }
0xa5: {  	v9 =	vor.u32 $0x1F, v3;
	v7 =	vsel vm1, v4, v7;
	vm14 =	vnez.u8 v10  }
0xa6: {  	v4 =	vsel vm1, v8, v4;
	v8 =	vimm.s32 $0x0;
	v5 =	vsel vm14, $0x10, v5  }
0xa7: {  	v5 =	vsel vm2, v12, v5;
	v12 =	vsel vm2, $0x10, v12;
	vm2 =	vgt.f32 v6, v7  }
0xa8: {  	v8 =	vsel vm2, $0xFFFFFFFF, v8  }
0xa9: {  	[tilespmem:$0x1FDB0] =	vst v8;
	v8 =	vld [tilespmem:$0x1FCF0];
	_ =	sdelay $0x1  }
0xaa: {  	v9 =	vld.idx.msk [tilespmem:v9+s2+$0x0], $0xffff;
	_ =	sdelay $0x1  }
0xab: {  	v7 =	vsel vm2, v6, v7;
	vm2 =	vgt.f32 v6, v4  }
0xac: {  	v11 =	vor.u32 $0x20, v3;
	v7 =	vsel vm2, v4, v7;
	vm14 =	vnez.u8 v8  }
0xad: {  	v4 =	vsel vm2, v6, v4;
	v6 =	vimm.s32 $0x0;
	v5 =	vsel vm14, $0x11, v5  }
0xae: {  	v5 =	vsel vm3, v12, v5;
	v12 =	vsel vm3, $0x11, v12;
	vm3 =	vgt.f32 v9, v7  }
0xaf: {  	v6 =	vsel vm3, $0xFFFFFFFF, v6  }
0xb0: {  	[tilespmem:$0x1FDC0] =	vst v6;
	v6 =	vld [tilespmem:$0x1FD00];
	_ =	sdelay $0x1  }
0xb1: {  	v8 =	vld.idx.msk [tilespmem:v11+s2+$0x0], $0xffff;
	_ =	sdelay $0x1  }
0xb2: {  	v7 =	vsel vm3, v9, v7;
	vm3 =	vgt.f32 v9, v4  }
0xb3: {  	v10 =	vor.u32 $0x21, v3;
	v7 =	vsel vm3, v4, v7;
	vm14 =	vnez.u8 v6  }
0xb4: {  	v4 =	vsel vm3, v9, v4;
	v9 =	vimm.s32 $0x0;
	v5 =	vsel vm14, $0x12, v5  }
0xb5: {  	v5 =	vsel vm4, v12, v5;
	v12 =	vsel vm4, $0x12, v12;
	vm4 =	vgt.f32 v8, v7  }
0xb6: {  	v9 =	vsel vm4, $0xFFFFFFFF, v9  }
0xb7: {  	[tilespmem:$0x1FDD0] =	vst v9;
	v9 =	vld [tilespmem:$0x1FD10];
	_ =	sdelay $0x1  }
0xb8: {  	v6 =	vld.idx.msk [tilespmem:v10+s2+$0x0], $0xffff;
	_ =	sdelay $0x1  }
0xb9: {  	v11 =	vor.u32 $0x22, v3;
	v7 =	vsel vm4, v8, v7  }
0xba: {  	vm4 =	vgt.f32 v8, v4;
	v13 =	vsel vm5, $0x13, v12;
	vm14 =	vnez.u8 v9  }
0xbb: {  	v7 =	vsel vm4, v4, v7;
	v4 =	vsel vm4, v8, v4;
	v5 =	vsel vm14, $0x13, v5  }
0xbc: {  	v8 =	vimm.s32 $0x0;
	v5 =	vsel vm5, v12, v5;
	vm5 =	vgt.f32 v6, v7  }
0xbd: {  	v8 =	vsel vm5, $0xFFFFFFFF, v8  }
0xbe: {  	[tilespmem:$0x1FDE0] =	vst v8;
	v8 =	vld [tilespmem:$0x1FD20];
	_ =	sdelay $0x1  }
0xbf: {  	v9 =	vld.idx.msk [tilespmem:v11+s2+$0x0], $0xffff;
	_ =	sdelay $0x1  }
0xc0: {  	v10 =	vor.u32 $0x23, v3;
	v12 =	vsel vm6, $0x14, v13  }
0xc1: {  	v7 =	vsel vm5, v6, v7;
	vm5 =	vgt.f32 v6, v4;
	vm14 =	vnez.u8 v8  }
0xc2: {  	v7 =	vsel vm5, v4, v7;
	v4 =	vsel vm5, v6, v4;
	v5 =	vsel vm14, $0x14, v5  }
0xc3: {  	v6 =	vimm.s32 $0x0;
	v5 =	vsel vm6, v13, v5;
	vm6 =	vgt.f32 v9, v7  }
0xc4: {  	v6 =	vsel vm6, $0xFFFFFFFF, v6  }
0xc5: {  	[tilespmem:$0x1FDF0] =	vst v6;
	v6 =	vld [tilespmem:$0x1FD30];
	_ =	sdelay $0x1  }
0xc6: {  	v8 =	vld.idx.msk [tilespmem:v10+s2+$0x0], $0xffff;
	_ =	sdelay $0x1  }
0xc7: {  	v7 =	vsel vm6, v9, v7;
	vm6 =	vgt.f32 v9, v4  }
0xc8: {  	v11 =	vor.u32 $0x24, v3;
	v7 =	vsel vm6, v4, v7;
	vm14 =	vnez.u8 v6  }
0xc9: {  	v4 =	vsel vm6, v9, v4;
	v9 =	vimm.s32 $0x0;
	v5 =	vsel vm14, $0x15, v5  }
0xca: {  	v5 =	vsel vm7, v12, v5;
	v12 =	vsel vm7, $0x15, v12;
	vm7 =	vgt.f32 v8, v7  }
0xcb: {  	v9 =	vsel vm7, $0xFFFFFFFF, v9  }
0xcc: {  	[tilespmem:$0x1FE00] =	vst v9;
	v9 =	vld [tilespmem:$0x1FD40];
	_ =	sdelay $0x1  }
0xcd: {  	v6 =	vld.idx.msk [tilespmem:v11+s2+$0x0], $0xffff;
	_ =	sdelay $0x1  }
0xce: {  	v10 =	vor.u32 $0x25, v3;
	v7 =	vsel vm7, v8, v7  }
0xcf: {  	vm7 =	vgt.f32 v8, v4;
	v13 =	vsel vm8, $0x16, v12;
	vm14 =	vnez.u8 v9  }
0xd0: {  	v7 =	vsel vm7, v4, v7;
	v4 =	vsel vm7, v8, v4;
	v5 =	vsel vm14, $0x16, v5  }
0xd1: {  	v8 =	vimm.s32 $0x0;
	v5 =	vsel vm8, v12, v5;
	vm8 =	vgt.f32 v6, v7  }
0xd2: {  	v8 =	vsel vm8, $0xFFFFFFFF, v8  }
0xd3: {  	[tilespmem:$0x1FE10] =	vst v8;
	v8 =	vld [tilespmem:$0x1FD50];
	_ =	sdelay $0x1  }
0xd4: {  	v9 =	vld.idx.msk [tilespmem:v10+s2+$0x0], $0xffff;
	_ =	sdelay $0x1  }
0xd5: {  	v11 =	vor.u32 $0x26, v3;
	v12 =	vsel vm9, $0x17, v13  }
0xd6: {  	v7 =	vsel vm8, v6, v7;
	vm8 =	vgt.f32 v6, v4;
	vm14 =	vnez.u8 v8  }
0xd7: {  	v7 =	vsel vm8, v4, v7;
	v4 =	vsel vm8, v6, v4;
	v5 =	vsel vm14, $0x17, v5  }
0xd8: {  	v6 =	vimm.s32 $0x0;
	v5 =	vsel vm9, v13, v5;
	vm9 =	vgt.f32 v9, v7  }
0xd9: {  	v6 =	vsel vm9, $0xFFFFFFFF, v6  }
0xda: {  	[tilespmem:$0x1FE20] =	vst v6;
	v6 =	vld [tilespmem:$0x1FD60];
	_ =	sdelay $0x1  }
0xdb: {  	v8 =	vld.idx.msk [tilespmem:v11+s2+$0x0], $0xffff;
	_ =	sdelay $0x1  }
0xdc: {  	v7 =	vsel vm9, v9, v7;
	vm9 =	vgt.f32 v9, v4  }
0xdd: {  	v10 =	vor.u32 $0x27, v3;
	v7 =	vsel vm9, v4, v7;
	vm14 =	vnez.u8 v6  }
0xde: {  	v4 =	vsel vm9, v9, v4;
	v9 =	vimm.s32 $0x0;
	v5 =	vsel vm14, $0x18, v5  }
0xdf: {  	v5 =	vsel vm10, v12, v5;
	v12 =	vsel vm10, $0x18, v12;
	vm10 =	vgt.f32 v8, v7  }
0xe0: {  	v9 =	vsel vm10, $0xFFFFFFFF, v9  }
0xe1: {  	[tilespmem:$0x1FE30] =	vst v9;
	v9 =	vld [tilespmem:$0x1FD70];
	_ =	sdelay $0x1  }
0xe2: {  	v6 =	vld.idx.msk [tilespmem:v10+s2+$0x0], $0xffff;
	_ =	sdelay $0x1  }
0xe3: {  	v7 =	vsel vm10, v8, v7;
	vm10 =	vgt.f32 v8, v4  }
0xe4: {  	v11 =	vor.u32 $0x28, v3;
	v7 =	vsel vm10, v4, v7;
	vm14 =	vnez.u8 v9  }
0xe5: {  	v4 =	vsel vm10, v8, v4;
	v8 =	vimm.s32 $0x0;
	v5 =	vsel vm14, $0x19, v5  }
0xe6: {  	v5 =	vsel vm11, v12, v5;
	v12 =	vsel vm11, $0x19, v12;
	vm11 =	vgt.f32 v6, v7  }
0xe7: {  	v8 =	vsel vm11, $0xFFFFFFFF, v8  }
0xe8: {  	[tilespmem:$0x1FE40] =	vst v8;
	v8 =	vld [tilespmem:$0x1FD80];
	_ =	sdelay $0x2  }
0xe9: {  	v9 =	vld.idx.msk [tilespmem:v11+s2+$0x0], $0xffff;
	_ =	sdelay $0x1  }
0xea: {  	vm14 =	vnez.u8 v8  }
0xeb: {  	v7 =	vsel vm11, v6, v7;
	v5 =	vsel vm14, $0x1A, v5;
	vm14 =	vgt.f32 v6, v4  }
0xec: {  	v10 =	vor.u32 $0x29, v3;
	v7 =	vsel vm14, v4, v7  }
0xed: {  	v4 =	vsel vm14, v6, v4;
	v6 =	vimm.s32 $0x0;
	vm11 =	vgt.f32 v9, v7  }
0xee: {  	v6 =	vsel vm11, $0xFFFFFFFF, v6  }
0xef: {  	[tilespmem:$0x1FE60] =	vst v6;
	v6 =	vld [tilespmem:$0x1FD90];
	_ =	sdelay $0x2  }
0xf0: {  	v8 =	vld.idx.msk [tilespmem:v10+s2+$0x0], $0xffff  }
0xf1: {  	v10 =	vimm.s32 $0x0  }
0xf2: {  	v5 =	vsel vm12, v12, v5;
	v12 =	vsel vm12, $0x1A, v12;
	vm12 =	vnez.u8 v6  }
0xf3: {  	v7 =	vsel vm11, v9, v7;
	v5 =	vsel vm12, $0x1B, v5;
	vm12 =	vgt.f32 v9, v4  }
0xf4: {  	v11 =	vor.u32 $0x2A, v3;
	v10 =	vsel vm14, $0xFFFFFFFF, v10;
	v7 =	vsel vm12, v4, v7  }
0xf5: {  	v4 =	vsel vm12, v9, v4;
	v9 =	vimm.s32 $0x0;
	vm11 =	vgt.f32 v8, v7  }
0xf6: {  	[tilespmem:$0x1FE50] =	vst v10;
	v9 =	vsel vm11, $0xFFFFFFFF, v9  }
0xf7: {  	v10 =	vor.u32 $0x2B, v3;
	[tilespmem:$0x1FE80] =	vst v9;
	v9 =	vld [tilespmem:$0x1FDA0];
	_ =	sdelay $0x1  }
0xf8: {  	v6 =	vld.idx.msk [tilespmem:v11+s2+$0x0], $0xffff;
	v11 =	vimm.s32 $0x0  }
0xf9: {  	v11 =	vsel vm12, $0xFFFFFFFF, v11  }
0xfa: {  	v5 =	vsel vm13, v12, v5;
	v12 =	vsel vm13, $0x1B, v12;
	[tilespmem:$0x1FE70] =	vst v11;
	v11 =	vor.u32 $0x2C, v3  }
0xfb: {  	vm14 =	vgt.f32 v8, v4;
	v7 =	vsel vm11, v8, v7;
	vm12 =	vnez.u8 v9;
	v9 =	vld.idx.msk [tilespmem:v10+s2+$0x0], $0xffff  }
0xfc: {  	v7 =	vsel vm14, v4, v7;
	v4 =	vsel vm14, v8, v4;
	v5 =	vsel vm12, $0x1C, v5  }
0xfd: {  	v10 =	vimm.s32 $0x0;
	vm12 =	vgt.f32 v6, v7;
	v5 =	vsel vm0, v12, v5  }
0xfe: {  	v12 =	vsel vm0, $0x1C, v12;
	v7 =	vsel vm12, v6, v7;
	vm0 =	vgt.f32 v6, v4  }
0xff: {  	v10 =	vsel vm14, $0xFFFFFFFF, v10;
	v7 =	vsel vm0, v4, v7  }
0x100: {  	v4 =	vsel vm0, v6, v4;
	v6 =	vimm.s32 $0x0;
	vm13 =	vgt.f32 v9, v7  }
0x101: {  	v8 =	vimm.s32 $0x0;
	[tilespmem:$0x1FE90] =	vst v10;
	v6 =	vsel vm13, $0xFFFFFFFF, v6  }
0x102: {  	v10 =	vor.u32 $0x2D, v3;
	v8 =	vsel vm12, $0xFFFFFFFF, v8;
	[tilespmem:$0x1FEB0] =	vst v6;
	v6 =	vld [tilespmem:$0x1FDB0]  }
0x103: {  	[tilespmem:$0x1FEA0] =	vst v8;
	v8 =	vld.idx.msk [tilespmem:v11+s2+$0x0], $0xffff  }
0x104: {  	v5 =	vsel vm15, $0x1D, v5  }
0x105: {  	v5 =	vsel vm1, v12, v5  }
0x106: {  	v12 =	vsel vm1, $0x1D, v12;
	vm1 =	vgt.f32 v9, v4;
	v7 =	vsel vm13, v9, v7  }
0x107: {  	v11 =	vor.u32 $0x2E, v3;
	v7 =	vsel vm1, v4, v7;
	vm14 =	vnez.u8 v6;
	v6 =	vld.idx.msk [tilespmem:v10+s2+$0x0], $0xffff  }
0x108: {  	v4 =	vsel vm1, v9, v4;
	v9 =	vimm.s32 $0x0;
	vm15 =	vgt.f32 v8, v7  }
0x109: {  	v9 =	vsel vm15, $0xFFFFFFFF, v9;
	v7 =	vsel vm15, v8, v7;
	v5 =	vsel vm14, $0x1E, v5  }
0x10a: {  	[tilespmem:$0x1FEC0] =	vst v9;
	v9 =	vld [tilespmem:$0x1FDC0];
	v5 =	vsel vm2, v12, v5;
	v12 =	vsel vm2, $0x1E, v12;
	vm2 =	vgt.f32 v8, v4  }
0x10b: {  	v7 =	vsel vm2, v4, v7  }
0x10c: {  	v4 =	vsel vm2, v8, v4;
	v8 =	vimm.s32 $0x0;
	vm13 =	vgt.f32 v6, v7  }
0x10d: {  	v8 =	vsel vm13, $0xFFFFFFFF, v8  }
0x10e: {  	v10 =	vor.u32 $0x2F, v3;
	[tilespmem:$0x1FED0] =	vst v8;
	v8 =	vld [tilespmem:$0x1FDD0]  }
0x10f: {  	vm12 =	vnez.u8 v9;
	v9 =	vld.idx.msk [tilespmem:v11+s2+$0x0], $0xffff;
	_ =	sdelay $0x2  }
0x110: {  	vm15 =	vgt.f32 v6, v4;
	v7 =	vsel vm13, v6, v7  }
0x111: {  	v11 =	vor.u32 $0x30, v3;
	v7 =	vsel vm15, v4, v7;
	vm14 =	vnez.u8 v8;
	v8 =	vld.idx.msk [tilespmem:v10+s2+$0x0], $0xffff  }
0x112: {  	v5 =	vsel vm12, $0x1F, v5;
	v4 =	vsel vm15, v6, v4;
	vm11 =	vgt.f32 v9, v7  }
0x113: {  	v6 =	vimm.s32 $0x0;
	vm13 =	vgt.f32 v9, v4;
	v7 =	vsel vm11, v9, v7  }
0x114: {  	v5 =	vsel vm3, v12, v5;
	v6 =	vsel vm11, $0xFFFFFFFF, v6;
	v7 =	vsel vm13, v4, v7  }
0x115: {  	[tilespmem:$0x1FEF0] =	vst v6;
	v6 =	vld [tilespmem:$0x1FDE0];
	v4 =	vsel vm13, v9, v4;
	v9 =	vimm.s32 $0x0;
	v10 =	vimm.s32 $0x0  }
0x116: {  	v5 =	vsel vm14, $0x20, v5;
	v10 =	vsel vm15, $0xFFFFFFFF, v10;
	vm14 =	vgt.f32 v8, v7  }
0x117: {  	[tilespmem:$0x1FEE0] =	vst v10;
	v9 =	vsel vm14, $0xFFFFFFFF, v9  }
0x118: {  	v10 =	vor.u32 $0x31, v3;
	[tilespmem:$0x1FF10] =	vst v9;
	v9 =	vld [tilespmem:$0x1FDF0];
	_ =	sdelay $0x1  }
0x119: {  	v12 =	vsel vm3, $0x1F, v12;
	vm12 =	vnez.u8 v6;
	v6 =	vld.idx.msk [tilespmem:v11+s2+$0x0], $0xffff  }
0x11a: {  	v5 =	vsel vm4, v12, v5  }
0x11b: {  	v12 =	vsel vm4, $0x20, v12;
	v11 =	vimm.s32 $0x0;
	v5 =	vsel vm12, $0x21, v5  }
0x11c: {  	v7 =	vsel vm14, v8, v7;
	vm14 =	vgt.f32 v8, v4;
	vm15 =	vnez.u8 v9;
	v9 =	vld.idx.msk [tilespmem:v10+s2+$0x0], $0xffff  }
0x11d: {  	v11 =	vsel vm13, $0xFFFFFFFF, v11;
	v5 =	vsel vm5, v12, v5;
	v7 =	vsel vm14, v4, v7  }
0x11e: {  	v4 =	vsel vm14, v8, v4;
	v8 =	vimm.s32 $0x0;
	vm11 =	vgt.f32 v6, v7  }
0x11f: {  	v7 =	vsel vm11, v6, v7;
	v5 =	vsel vm15, $0x22, v5;
	vm15 =	vgt.f32 v6, v4  }
0x120: {  	[tilespmem:$0x1FF00] =	vst v11;
	v11 =	vor.u32 $0x32, v3;
	v8 =	vsel vm11, $0xFFFFFFFF, v8;
	v7 =	vsel vm15, v4, v7  }
0x121: {  	[tilespmem:$0x1FF20] =	vst v8;
	v8 =	vld [tilespmem:$0x1FE00];
	v4 =	vsel vm15, v6, v4;
	v6 =	vimm.s32 $0x0;
	vm13 =	vgt.f32 v9, v7  }
0x122: {  	v6 =	vsel vm13, $0xFFFFFFFF, v6  }
0x123: {  	[tilespmem:$0x1FF30] =	vst v6;
	v6 =	vld [tilespmem:$0x1FE10]  }
0x124: {  	v10 =	vor.u32 $0x33, v3  }
0x125: {  	v12 =	vsel vm5, $0x21, v12  }
0x126: {  	v5 =	vsel vm6, v12, v5;
	vm12 =	vnez.u8 v8;
	v8 =	vld.idx.msk [tilespmem:v11+s2+$0x0], $0xffff  }
0x127: {  	v12 =	vsel vm6, $0x22, v12;
	v5 =	vsel vm12, $0x23, v5  }
0x128: {  	v5 =	vsel vm7, v12, v5;
	v12 =	vsel vm7, $0x23, v12;
	vm7 =	vnez.u8 v6  }
0x129: {  	v7 =	vsel vm13, v9, v7;
	v6 =	vld.idx.msk [tilespmem:v10+s2+$0x0], $0xffff;
	v5 =	vsel vm7, $0x24, v5;
	vm7 =	vgt.f32 v9, v4  }
0x12a: {  	v5 =	vsel vm8, v12, v5;
	v7 =	vsel vm7, v4, v7;
	v12 =	vsel vm8, $0x24, v12  }
0x12b: {  	v4 =	vsel vm7, v9, v4;
	v9 =	vimm.s32 $0x0;
	vm8 =	vgt.f32 v8, v7  }
0x12c: {  	vm13 =	vgt.f32 v8, v4;
	v9 =	vsel vm8, $0xFFFFFFFF, v9;
	v7 =	vsel vm8, v8, v7  }
0x12d: {  	v11 =	vor.u32 $0x34, v3;
	[tilespmem:$0x1FF40] =	vst v9;
	v9 =	vld [tilespmem:$0x1FE20];
	v7 =	vsel vm13, v4, v7  }
0x12e: {  	v4 =	vsel vm13, v8, v4;
	v8 =	vimm.s32 $0x0;
	vm12 =	vgt.f32 v6, v7  }
0x12f: {  	v8 =	vsel vm12, $0xFFFFFFFF, v8  }
0x130: {  	v10 =	vor.u32 $0x35, v3;
	[tilespmem:$0x1FF50] =	vst v8;
	v8 =	vld [tilespmem:$0x1FE30];
	_ =	sdelay $0x1  }
0x131: {  	vm11 =	vnez.u8 v9;
	v9 =	vld.idx.msk [tilespmem:v11+s2+$0x0], $0xffff  }
0x132: {  	v5 =	vsel vm11, $0x25, v5  }
0x133: {  	v7 =	vsel vm12, v6, v7;
	v5 =	vsel vm9, v12, v5  }
0x134: {  	v12 =	vsel vm9, $0x25, v12;
	vm9 =	vgt.f32 v6, v4;
	vm8 =	vnez.u8 v8;
	v8 =	vld.idx.msk [tilespmem:v10+s2+$0x0], $0xffff  }
0x135: {  	v7 =	vsel vm9, v4, v7  }
0x136: {  	v4 =	vsel vm9, v6, v4;
	v6 =	vimm.s32 $0x0;
	vm11 =	vgt.f32 v9, v7  }
0x137: {  	v6 =	vsel vm11, $0xFFFFFFFF, v6;
	v7 =	vsel vm11, v9, v7;
	vm11 =	vgt.f32 v9, v4  }
0x138: {  	v13 =	vld [tilespmem:$0x1FE50];
	v11 =	vor.u32 $0x36, v3;
	v5 =	vsel vm8, $0x26, v5;
	v7 =	vsel vm11, v4, v7  }
0x139: {  	[tilespmem:$0x1FF70] =	vst v6;
	v6 =	vld [tilespmem:$0x1FE40];
	v4 =	vsel vm11, v9, v4;
	v9 =	vimm.s32 $0x0;
	vm8 =	vgt.f32 v8, v7  }
0x13a: {  	v9 =	vsel vm8, $0xFFFFFFFF, v9  }
0x13b: {  	[tilespmem:$0x1FF80] =	vst v9;
	v9 =	vld [tilespmem:$0x1FE60];
	_ =	sdelay $0x2  }
0x13c: {  	vm6 =	vnez.u8 v13;
	v5 =	vsel vm10, v12, v5;
	vm12 =	vnez.u8 v6;
	v6 =	vld.idx.msk [tilespmem:v11+s2+$0x0], $0xffff  }
0x13d: {  	v10 =	vimm.s32 $0x0;
	v12 =	vsel vm10, $0x26, v12;
	v5 =	vsel vm12, $0x27, v5  }
0x13e: {  	v10 =	vsel vm9, $0xFFFFFFFF, v10;
	v5 =	vsel vm6, v12, v5;
	vm9 =	vnez.u8 v9  }
0x13f: {  	v7 =	vsel vm8, v8, v7;
	v5 =	vsel vm9, $0x28, v5;
	vm9 =	vgt.f32 v8, v4  }
0x140: {  	[tilespmem:$0x1FF60] =	vst v10;
	v10 =	vor.u32 $0x37, v3;
	v7 =	vsel vm9, v4, v7  }
0x141: {  	v4 =	vsel vm9, v8, v4;
	v8 =	vimm.s32 $0x0;
	vm12 =	vgt.f32 v6, v7  }
0x142: {  	v13 =	vsel vm6, $0x27, v12;
	v12 =	vld [tilespmem:$0x1FE70];
	v8 =	vsel vm12, $0xFFFFFFFF, v8  }
0x143: {  	[tilespmem:$0x1FF90] =	vst v8;
	v8 =	vld [tilespmem:$0x1FE80];
	_ =	sdelay $0x2  }
0x144: {  	v9 =	vld.idx.msk [tilespmem:v10+s2+$0x0], $0xffff  }
0x145: {  	vm10 =	vnez.u8 v12  }
0x146: {  	v5 =	vsel vm10, v13, v5;
	vm8 =	vnez.u8 v8  }
0x147: {  	v7 =	vsel vm12, v6, v7;
	v5 =	vsel vm8, $0x29, v5;
	vm8 =	vgt.f32 v6, v4  }
0x148: {  	v11 =	vor.u32 $0x38, v3;
	v12 =	vsel vm10, $0x28, v13;
	v7 =	vsel vm8, v4, v7  }
0x149: {  	v13 =	vld [tilespmem:$0x1FE90];
	v4 =	vsel vm8, v6, v4;
	v6 =	vimm.s32 $0x0;
	vm12 =	vgt.f32 v9, v7  }
0x14a: {  	v6 =	vsel vm12, $0xFFFFFFFF, v6  }
0x14b: {  	v10 =	vor.u32 $0x39, v3;
	[tilespmem:$0x1FFA0] =	vst v6;
	v6 =	vld [tilespmem:$0x1FEA0];
	_ =	sdelay $0x1  }
0x14c: {  	v8 =	vld.idx.msk [tilespmem:v11+s2+$0x0], $0xffff  }
0x14d: {  	vm10 =	vnez.u8 v13  }
0x14e: {  	v13 =	vsel vm10, $0x29, v12;
	v5 =	vsel vm10, v12, v5  }
0x14f: {  	vm6 =	vgt.f32 v9, v4;
	v7 =	vsel vm12, v9, v7;
	vm10 =	vnez.u8 v6;
	v6 =	vld.idx.msk [tilespmem:v10+s2+$0x0], $0xffff  }
0x150: {  	v7 =	vsel vm6, v4, v7  }
0x151: {  	v4 =	vsel vm6, v9, v4;
	vm12 =	vgt.f32 v8, v7  }
0x152: {  	v9 =	vimm.s32 $0x0;
	vm5 =	vgt.f32 v8, v4;
	v7 =	vsel vm12, v8, v7  }
0x153: {  	v11 =	vor.u32 $0x3A, v3;
	v9 =	vsel vm12, $0xFFFFFFFF, v9;
	v7 =	vsel vm5, v4, v7  }
0x154: {  	[tilespmem:$0x1FFB0] =	vst v9;
	v9 =	vld [tilespmem:$0x1FEB0];
	v4 =	vsel vm5, v8, v4;
	v8 =	vimm.s32 $0x0;
	vm12 =	vgt.f32 v6, v7  }
0x155: {  	v8 =	vsel vm12, $0xFFFFFFFF, v8  }
0x156: {  	[tilespmem:$0x1FFC0] =	vst v8;
	v8 =	vld [tilespmem:$0x1FEC0];
	_ =	sdelay $0x1  }
0x157: {  	v5 =	vsel vm10, $0x2A, v5  }
0x158: {  	v5 =	vsel vm0, v13, v5;
	vm10 =	vnez.u8 v9;
	v9 =	vld.idx.msk [tilespmem:v11+s2+$0x0], $0xffff  }
0x159: {  	v12 =	vsel vm0, $0x2A, v13;
	v5 =	vsel vm10, $0x2B, v5  }
0x15a: {  	v10 =	vor.u32 $0x3B, v3;
	v5 =	vsel vm1, v12, v5;
	vm4 =	vnez.u8 v8  }
0x15b: {  	v7 =	vsel vm12, v6, v7;
	v5 =	vsel vm4, $0x2C, v5;
	vm4 =	vgt.f32 v6, v4  }
0x15c: {  	v7 =	vsel vm4, v4, v7  }
0x15d: {  	v4 =	vsel vm4, v6, v4;
	v6 =	vimm.s32 $0x0;
	vm10 =	vgt.f32 v9, v7  }
0x15e: {  	v6 =	vsel vm10, $0xFFFFFFFF, v6  }
0x15f: {  	[tilespmem:$0x1FFD0] =	vst v6;
	v6 =	vld [tilespmem:$0x1FED0]  }
0x160: {  	v8 =	vld.idx.msk [tilespmem:v10+s2+$0x0], $0xffff;
	_ =	sdelay $0x1  }
0x161: {  	v11 =	vor.u32 $0x3C, v3;
	v12 =	vsel vm1, $0x2B, v12  }
0x162: {  	v5 =	vsel vm2, v12, v5;
	vm3 =	vgt.f32 v9, v4;
	v7 =	vsel vm10, v9, v7  }
0x163: {  	v7 =	vsel vm3, v4, v7;
	v4 =	vsel vm3, v9, v4;
	vm12 =	vnez.u8 v6  }
0x164: {  	v13 =	vld [tilespmem:$0x1FEE0];
	v9 =	vimm.s32 $0x0;
	v5 =	vsel vm12, $0x2D, v5;
	vm12 =	vgt.f32 v8, v7  }
0x165: {  	v9 =	vsel vm12, $0xFFFFFFFF, v9  }
0x166: {  	[tilespmem:$0x1FFE0] =	vst v9;
	v9 =	vld [tilespmem:$0x1FEF0]  }
0x167: {  	v10 =	vor.u32 $0x3D, v3;
	v6 =	vld.idx.msk [tilespmem:v11+s2+$0x0], $0xffff;
	_ =	sdelay $0x1  }
0x168: {  	v12 =	vsel vm2, $0x2C, v12;
	vm10 =	vnez.u8 v13;
	vm2 =	vgt.f32 v8, v4  }
0x169: {  	v5 =	vsel vm10, v12, v5;
	v12 =	vsel vm10, $0x2D, v12;
	v7 =	vsel vm12, v8, v7  }
0x16a: {  	v7 =	vsel vm2, v4, v7;
	v4 =	vsel vm2, v8, v4;
	vm10 =	vnez.u8 v9  }
0x16b: {  	v8 =	vimm.s32 $0x0;
	v9 =	vld.idx.msk [tilespmem:v10+s2+$0x0], $0xffff;
	v5 =	vsel vm10, $0x2E, v5;
	vm10 =	vgt.f32 v6, v7  }
0x16c: {  	v10 =	vld [tilespmem:$0x1FF00];
	v8 =	vsel vm10, $0xFFFFFFFF, v8  }
0x16d: {  	v11 =	vor.u32 $0x3E, v3;
	[tilespmem:$0x1FFF0] =	vst v8;
	v8 =	vld [tilespmem:$0x1FF10];
	_ =	sdelay $0x3  }
0x16e: {  	vm12 =	vnez.u8 v10  }
0x16f: {  	v5 =	vsel vm12, v12, v5;
	v10 =	vsel vm12, $0x2E, v12;
	vm12 =	vnez.u8 v8;
	v8 =	vld.idx.msk [tilespmem:v11+s2+$0x0], $0xffff  }
0x170: {  	v11 =	vld [tilespmem:$0x1FF20];
	_ =	sdelay $0x3  }
0x171: {  	vm1 =	vgt.f32 v6, v4;
	v7 =	vsel vm10, v6, v7;
	v5 =	vsel vm12, $0x2F, v5  }
0x172: {  	v7 =	vsel vm1, v4, v7;
	v5 =	vsel vm14, v10, v5;
	vm10 =	vnez.u8 v11  }
0x173: {  	v3 =	vor.u32 $0x3F, v3;
	v5 =	vsel vm10, $0x30, v5;
	vm10 =	vgt.f32 v9, v7  }
0x174: {  	v4 =	vsel vm1, v6, v4;
	v6 =	vsel vm10, v9, v7;
	v7 =	vld [tilespmem:$0x1FF30]  }
0x175: {  	v10 =	vsel vm14, $0x2F, v10;
	vm14 =	vgt.f32 v9, v4  }
0x176: {  	v6 =	vsel vm14, v4, v6;
	v4 =	vsel vm14, v9, v4;
	v9 =	vld [tilespmem:$0x1FF40];
	_ =	sdelay $0x1  }
0x177: {  	v3 =	vld.idx.msk [tilespmem:v3+s2+$0x0], $0xffff  }
0x178: {  	v5 =	vsel vm15, v10, v5;
	vm0 =	vgt.f32 v8, v4;
	vm12 =	vnez.u8 v7  }
0x179: {  	v7 =	vsel vm15, $0x30, v10;
	vm15 =	vgt.f32 v8, v6;
	v5 =	vsel vm12, $0x31, v5  }
0x17a: {  	v6 =	vsel vm15, v8, v6;
	vm12 =	vnez.u8 v9;
	v5 =	vsel vm7, v7, v5  }
0x17b: {  	v7 =	vsel vm7, $0x31, v7;
	v6 =	vsel vm0, v4, v6;
	v4 =	vsel vm0, v8, v4  }
0x17c: {  	v5 =	vsel vm12, $0x32, v5;
	v9 =	vsel vm13, $0x32, v7;
	vm7 =	vgt.f32 v3, v6  }
0x17d: {  	v5 =	vsel vm13, v7, v5;
	v6 =	vsel vm7, v3, v6;
	vm13 =	vgt.f32 v3, v4;
	v7 =	vld [tilespmem:$0x1FF50]  }
0x17e: {  	v6 =	vsel vm13, v4, v6;
	v3 =	vsel vm13, v3, v4;
	v4 =	vld [tilespmem:$0x1FF60]  }
0x17f: {  	v3 =	vsub.f32 v6, v3;
	v6 =	vld [tilespmem:$0x1FF70];
	_ =	sdelay $0x2  }
0x180: {  	vm12 =	vnez.u8 v7  }
0x181: {  	v5 =	vsel vm12, $0x33, v5;
	vm12 =	vnez.u8 v4  }
0x182: {  	v4 =	vsel vm12, v9, v5;
	v5 =	vsel vm12, $0x33, v9;
	vm12 =	vnez.u8 v6;
	v6 =	vld [tilespmem:$0x1FF80];
	_ =	sdelay $0x3  }
0x183: {  	v4 =	vsel vm12, $0x34, v4  }
0x184: {  	v3 =	vmul.f32 $1.442695020e+00, v3;
	v4 =	vsel vm11, v5, v4;
	vm12 =	vnez.u8 v6  }
0x185: {  	v5 =	vsel vm11, $0x34, v5;
	v4 =	vsel vm12, $0x35, v4  }
0x186: {  	(erf) = vpow2.f32 v3;
	v3 =	vsel vm9, $0x35, v5;
	v4 =	vsel vm9, v5, v4;
	v5 =	vld [tilespmem:$0x1FF90];
	_ =	sdelay $0x4  }
0x187: {  	vm12 =	vnez.u8 v5;
	v5 =	vld [tilespmem:$0x1FFA0];
	_ =	sdelay $0x4  }
0x188: {  	v4 =	vsel vm12, $0x36, v4;
	vm12 =	vnez.u8 v5;
	v5 =	vld [tilespmem:$0x1FFB0];
	_ =	sdelay $0x3  }
0x189: {  	v4 =	vsel vm8, v3, v4  }
0x18a: {  	v4 =	vsel vm12, $0x37, v4;
	vm12 =	vnez.u8 v5;
	v5 =	vld [tilespmem:$0x1FFC0];
	_ =	sdelay $0x4  }
0x18b: {  	v3 =	vsel vm8, $0x36, v3;
	vm8 =	vnez.u8 v5;
	v5 =	vld [tilespmem:$0x1FFD0];
	_ =	sdelay $0x3  }
0x18c: {  	v9 =	vpop (erf);
	v4 =	vsel vm6, v3, v4;
	v3 =	vsel vm6, $0x37, v3  }
0x18d: {  	v6 =	vld [tilespmem:$0x1FFE0];
	v4 =	vsel vm12, $0x38, v4;
	vm9 =	vnez.u8 v5;
	v5 =	vadd.f32 $1.000000000e+00, v9  }
0x18e: {  	v4 =	vsel vm5, v3, v4  }
0x18f: {  	v3 =	vsel vm5, $0x38, v3;
	v4 =	vsel vm8, $0x39, v4;
	(erf) = vrcp.f32 v5;
	v5 =	vld [tilespmem:$0x1FFF0]  }
0x190: {  	v4 =	vsel vm4, v3, v4  }
0x191: {  	v3 =	vsel vm4, $0x39, v3;
	v4 =	vsel vm9, $0x3A, v4  }
0x192: {  	vm11 =	vnez.u8 v6;
	v4 =	vsel vm3, v3, v4  }
0x193: {  	v3 =	vsel vm3, $0x3A, v3;
	v4 =	vsel vm11, $0x3B, v4  }
0x194: {  	v4 =	vsel vm2, v3, v4;
	vm12 =	vnez.u8 v5  }
0x195: {  	v3 =	vsel vm2, $0x3B, v3;
	v4 =	vsel vm12, $0x3C, v4  }
0x196: {  	v4 =	vsel vm1, v3, v4  }
0x197: {  	v3 =	vsel vm1, $0x3C, v3;
	v4 =	vsel vm10, $0x3D, v4  }
0x198: {  	v10 =	vshll.u32 v2, $0x1;
	v2 =	vsel vm14, v3, v4  }
0x199: {  	v5 =	vor.u32 $0x1, v10;
	v3 =	vsel vm14, $0x3D, v3;
	v2 =	vsel vm15, $0x3E, v2  }
0x19a: {  	s11 =	simm.s32 $0x10;
	v2 =	vsel vm0, v3, v2  }
0x19b: {  	v3 =	vsel vm0, $0x3E, v3;
	v4 =	vsel vm7, $0x3F, v2;
	v2 =	vor.u32 s11, v0  }
0x19c: {  	v12 =	vpop (erf);
	v6 =	vsel vm13, $0x3F, v3;
	v4 =	vsel vm13, v3, v4;
	v3 =	vshll.u32 v2, $0x6  }
0x19d: {  	v13 =	vmul.f32 v12, v9;
	[tilespmem:v10+s8+$0x0] =	vst.idx.msk $0xffff, v6;
	v17 =	vor.u32 $0x1, v3;
	v11 =	vor.u32 $0x2, v3  }
0x19e: {  	v7 =	vor.u32 $0x3, v3;
	[tilespmem:v5+s8+$0x0] =	vst.idx.msk $0xffff, v4;
	v8 =	vor.u32 $0x4, v3;
	v6 =	vor.u32 $0x5, v3  }
0x19f: {  	s11 =	simm.s32 $0x20;
	v4 =	vor.u32 $0x6, v3;
	v9 =	vor.u32 $0x8, v3;
	[tilespmem:v10+s9+$0x0] =	vst.idx.msk $0xffff, v12;
	v10 =	vor.u32 $0x7, v3  }
.LBB2_2:
0x1a0: {  	p0 =	sne.s32 s11, $0x1F0;
	v18 =	vor.u32 $0x9, v3;
	v12 =	vor.u32 $0xA, v3;
	v14 =	vor.u32 $0xB, v3;
	[tilespmem:v5+s9+$0x0] =	vst.idx.msk $0xffff, v13;
	s12 =	smov.u32 s11;
	s11 =	sadd.s32 $0x10, s11  }
0x1a1: {  	v15 =	vor.u32 $0xC, v3;
	v16 =	vor.u32 $0xD, v3;
	v13 =	vor.u32 $0xE, v3;
	v5 =	vld.idx.msk [tilespmem:v3+s2+$0x0], $0xffff  }
0x1a2: {  	v20 =	vor.u32 $0xF, v3;
	v19 =	vor.u32 $0x10, v3;
	v34 =	vld.idx.msk [tilespmem:v17+s2+$0x0], $0xffff;
	v17 =	vor.u32 $0x11, v3  }
0x1a3: {  	v28 =	vor.u32 $0x12, v3;
	v21 =	vor.u32 $0x13, v3;
	v22 =	vor.u32 $0x14, v3  }
0x1a4: {  	v24 =	vor.u32 $0x15, v3;
	v26 =	vor.u32 $0x16, v3;
	v25 =	vor.u32 $0x17, v3  }
0x1a5: {  	v33 =	vor.u32 $0x18, v3;
	v29 =	vor.u32 $0x19, v3;
	v30 =	vor.u32 $0x1A, v3  }
0x1a6: {  	v31 =	vor.u32 $0x1B, v3;
	v32 =	vor.u32 $0x1C, v3;
	v27 =	vor.u32 $0x1D, v3;
	v35 =	vld.idx.msk [tilespmem:v11+s2+$0x0], $0xffff  }
0x1a7: {  	v23 =	vor.u32 $0x1E, v3;
	vm0 =	vgt.f32 v5, $-Inf;
	v11 =	vor.u32 $0x1F, v3  }
0x1a8: {  	v36 =	vnsel vm0, $0xFF800000, v5;
	vm0 =	vlt.f32 v34, $-Inf;
	vm1 =	vgt.f32 v34, $-Inf  }
0x1a9: {  	vm2 =	vgt.f32 v34, v36;
	vm0 =	vmor vm1, vm0;
	v37 =	vld.idx.msk [tilespmem:v7+s2+$0x0], $0xffff;
	v7 =	vor.u32 $0x20, v3  }
0x1aa: {  	v5 =	vor.u32 $0x21, v3;
	vm1 =	vmneg vm2;
	v38 =	vnsel vm0, $0xFF800000, v34  }
0x1ab: {  	v38 =	vsel vm1, v38, v36;
	vm0 =	vmand vm0, vm1;
	v34 =	vsel vm1, v36, v34  }
0x1ac: {  	v39 =	vsel vm2, $0x1, v1;
	v36 =	vsel vm0, $0x1, v1;
	vm0 =	vgt.f32 v35, v38;
	v40 =	vld.idx.msk [tilespmem:v8+s2+$0x0], $0xffff  }
0x1ad: {  	vm1 =	vgt.f32 v35, v34;
	v8 =	vsel vm0, v35, v38;
	v36 =	vsel vm0, $0x2, v36  }
0x1ae: {  	v38 =	vsel vm1, v34, v8;
	v36 =	vsel vm1, v39, v36;
	v34 =	vsel vm1, v35, v34  }
0x1af: {  	v35 =	vsel vm1, $0x2, v39;
	v8 =	vor.u32 $0x22, v3;
	vm0 =	vgt.f32 v37, v38;
	v39 =	vld.idx.msk [tilespmem:v6+s2+$0x0], $0xffff  }
0x1b0: {  	vm1 =	vgt.f32 v37, v34;
	v6 =	vsel vm0, v37, v38;
	v36 =	vsel vm0, $0x3, v36  }
0x1b1: {  	v38 =	vsel vm1, v34, v6;
	v36 =	vsel vm1, v35, v36;
	v34 =	vsel vm1, v37, v34  }
0x1b2: {  	v6 =	vor.u32 $0x23, v3;
	vm0 =	vgt.f32 v40, v38;
	v37 =	vld.idx.msk [tilespmem:v4+s2+$0x0], $0xffff;
	v4 =	vor.u32 $0x24, v3  }
0x1b3: {  	vm2 =	vgt.f32 v40, v34;
	v38 =	vsel vm0, v40, v38;
	v36 =	vsel vm0, $0x4, v36  }
0x1b4: {  	v35 =	vsel vm1, $0x3, v35;
	v38 =	vsel vm2, v34, v38;
	v34 =	vsel vm2, v40, v34  }
0x1b5: {  	v36 =	vsel vm2, v35, v36;
	v35 =	vsel vm2, $0x4, v35;
	vm0 =	vgt.f32 v39, v38;
	v40 =	vld.idx.msk [tilespmem:v10+s2+$0x0], $0xffff  }
0x1b6: {  	vm1 =	vgt.f32 v39, v34;
	v10 =	vsel vm0, v39, v38;
	v36 =	vsel vm0, $0x5, v36  }
0x1b7: {  	v10 =	vsel vm1, v34, v10;
	v36 =	vsel vm1, v35, v36;
	v34 =	vsel vm1, v39, v34  }
0x1b8: {  	v35 =	vsel vm1, $0x5, v35;
	vm0 =	vgt.f32 v37, v10;
	v38 =	vld.idx.msk [tilespmem:v9+s2+$0x0], $0xffff;
	v9 =	vor.u32 $0x25, v3  }
0x1b9: {  	vm1 =	vgt.f32 v37, v34;
	v10 =	vsel vm0, v37, v10;
	v36 =	vsel vm0, $0x6, v36  }
0x1ba: {  	v39 =	vsel vm1, v34, v10;
	v36 =	vsel vm1, v35, v36;
	v35 =	vsel vm1, $0x6, v35  }
0x1bb: {  	v34 =	vsel vm1, v37, v34;
	v10 =	vor.u32 $0x26, v3;
	vm0 =	vgt.f32 v40, v39;
	v18 =	vld.idx.msk [tilespmem:v18+s2+$0x0], $0xffff  }
0x1bc: {  	vm1 =	vgt.f32 v40, v34;
	v37 =	vsel vm0, v40, v39;
	v36 =	vsel vm0, $0x7, v36  }
0x1bd: {  	v37 =	vsel vm1, v34, v37;
	v36 =	vsel vm1, v35, v36;
	v35 =	vsel vm1, $0x7, v35  }
0x1be: {  	v34 =	vsel vm1, v40, v34;
	vm0 =	vgt.f32 v38, v37;
	v39 =	vld.idx.msk [tilespmem:v12+s2+$0x0], $0xffff;
	v12 =	vor.u32 $0x27, v3  }
0x1bf: {  	vm1 =	vgt.f32 v38, v34;
	v37 =	vsel vm0, v38, v37;
	v36 =	vsel vm0, $0x8, v36  }
0x1c0: {  	v37 =	vsel vm1, v34, v37;
	v36 =	vsel vm1, v35, v36;
	v35 =	vsel vm1, $0x8, v35  }
0x1c1: {  	v34 =	vsel vm1, v38, v34;
	vm0 =	vgt.f32 v18, v37;
	v38 =	vld.idx.msk [tilespmem:v14+s2+$0x0], $0xffff;
	v14 =	vor.u32 $0x28, v3  }
0x1c2: {  	vm1 =	vgt.f32 v18, v34;
	v37 =	vsel vm0, v18, v37;
	v36 =	vsel vm0, $0x9, v36  }
0x1c3: {  	v37 =	vsel vm1, v34, v37;
	v36 =	vsel vm1, v35, v36;
	v35 =	vsel vm1, $0x9, v35  }
0x1c4: {  	v18 =	vsel vm1, v18, v34;
	vm0 =	vgt.f32 v39, v37;
	v34 =	vld.idx.msk [tilespmem:v15+s2+$0x0], $0xffff;
	v15 =	vor.u32 $0x29, v3  }
0x1c5: {  	vm1 =	vgt.f32 v39, v18;
	v37 =	vsel vm0, v39, v37;
	v36 =	vsel vm0, $0xA, v36  }
0x1c6: {  	v37 =	vsel vm1, v18, v37;
	v36 =	vsel vm1, v35, v36;
	v18 =	vsel vm1, v39, v18  }
0x1c7: {  	v35 =	vsel vm1, $0xA, v35;
	vm0 =	vgt.f32 v38, v37;
	v39 =	vld.idx.msk [tilespmem:v16+s2+$0x0], $0xffff;
	v16 =	vor.u32 $0x2A, v3  }
0x1c8: {  	vm1 =	vgt.f32 v38, v18;
	v37 =	vsel vm0, v38, v37;
	v36 =	vsel vm0, $0xB, v36  }
0x1c9: {  	v38 =	vsel vm1, v38, v18;
	v40 =	vsel vm1, $0xB, v35;
	v37 =	vsel vm1, v18, v37  }
0x1ca: {  	v35 =	vsel vm1, v35, v36;
	v18 =	vor.u32 $0x2B, v3;
	vm0 =	vgt.f32 v34, v37;
	v36 =	vld.idx.msk [tilespmem:v13+s2+$0x0], $0xffff  }
0x1cb: {  	vm1 =	vgt.f32 v34, v38;
	v13 =	vsel vm0, v34, v37;
	v35 =	vsel vm0, $0xC, v35  }
0x1cc: {  	v37 =	vsel vm1, v38, v13;
	v35 =	vsel vm1, v40, v35;
	v13 =	vor.u32 $0x2C, v3  }
0x1cd: {  	v34 =	vsel vm1, v34, v38;
	v38 =	vsel vm1, $0xC, v40;
	vm0 =	vgt.f32 v39, v37;
	v40 =	vld.idx.msk [tilespmem:v20+s2+$0x0], $0xffff  }
0x1ce: {  	vm1 =	vgt.f32 v39, v34;
	v20 =	vsel vm0, v39, v37;
	v35 =	vsel vm0, $0xD, v35  }
0x1cf: {  	v37 =	vsel vm1, $0xD, v38;
	v20 =	vsel vm1, v34, v20;
	v35 =	vsel vm1, v38, v35  }
0x1d0: {  	v34 =	vsel vm1, v39, v34;
	vm0 =	vgt.f32 v36, v20;
	v38 =	vld.idx.msk [tilespmem:v19+s2+$0x0], $0xffff;
	v19 =	vor.u32 $0x2D, v3  }
0x1d1: {  	vm1 =	vgt.f32 v36, v34;
	v20 =	vsel vm0, v36, v20;
	v35 =	vsel vm0, $0xE, v35  }
0x1d2: {  	v39 =	vsel vm1, v34, v20;
	v35 =	vsel vm1, v37, v35;
	v34 =	vsel vm1, v36, v34  }
0x1d3: {  	v36 =	vsel vm1, $0xE, v37;
	v20 =	vor.u32 $0x2E, v3;
	vm0 =	vgt.f32 v40, v39;
	v37 =	vld.idx.msk [tilespmem:v17+s2+$0x0], $0xffff  }
0x1d4: {  	vm1 =	vgt.f32 v40, v34;
	v17 =	vsel vm0, v40, v39;
	v35 =	vsel vm0, $0xF, v35  }
0x1d5: {  	v39 =	vsel vm1, v34, v17;
	v35 =	vsel vm1, v36, v35;
	v17 =	vor.u32 $0x2F, v3  }
0x1d6: {  	v34 =	vsel vm1, v40, v34;
	v36 =	vsel vm1, $0xF, v36;
	vm0 =	vgt.f32 v38, v39;
	v28 =	vld.idx.msk [tilespmem:v28+s2+$0x0], $0xffff  }
0x1d7: {  	vm1 =	vgt.f32 v38, v34;
	v39 =	vsel vm0, v38, v39;
	v35 =	vsel vm0, $0x10, v35  }
0x1d8: {  	v39 =	vsel vm1, v34, v39;
	v35 =	vsel vm1, v36, v35;
	v36 =	vsel vm1, $0x10, v36  }
0x1d9: {  	v34 =	vsel vm1, v38, v34;
	vm0 =	vgt.f32 v37, v39;
	v38 =	vld.idx.msk [tilespmem:v21+s2+$0x0], $0xffff;
	v21 =	vor.u32 $0x30, v3  }
0x1da: {  	vm1 =	vgt.f32 v37, v34;
	v39 =	vsel vm0, v37, v39;
	v35 =	vsel vm0, $0x11, v35  }
0x1db: {  	v39 =	vsel vm1, v34, v39;
	v35 =	vsel vm1, v36, v35;
	v34 =	vsel vm1, v37, v34  }
0x1dc: {  	v36 =	vsel vm1, $0x11, v36;
	vm0 =	vgt.f32 v28, v39;
	v37 =	vld.idx.msk [tilespmem:v22+s2+$0x0], $0xffff;
	v22 =	vor.u32 $0x31, v3  }
0x1dd: {  	vm1 =	vgt.f32 v28, v34;
	v39 =	vsel vm0, v28, v39;
	v35 =	vsel vm0, $0x12, v35  }
0x1de: {  	v28 =	vsel vm1, v28, v34;
	v39 =	vsel vm1, v34, v39;
	v35 =	vsel vm1, v36, v35  }
0x1df: {  	v34 =	vsel vm1, $0x12, v36;
	vm0 =	vgt.f32 v38, v39;
	v36 =	vld.idx.msk [tilespmem:v24+s2+$0x0], $0xffff;
	v24 =	vor.u32 $0x32, v3  }
0x1e0: {  	vm1 =	vgt.f32 v38, v28;
	v39 =	vsel vm0, v38, v39;
	v35 =	vsel vm0, $0x13, v35  }
0x1e1: {  	v39 =	vsel vm1, v28, v39;
	v28 =	vsel vm1, v38, v28;
	v38 =	vsel vm1, $0x13, v34  }
0x1e2: {  	v34 =	vsel vm1, v34, v35;
	vm0 =	vgt.f32 v37, v39;
	v35 =	vld.idx.msk [tilespmem:v26+s2+$0x0], $0xffff;
	v26 =	vor.u32 $0x33, v3  }
0x1e3: {  	vm1 =	vgt.f32 v37, v28;
	v39 =	vsel vm0, v37, v39;
	v34 =	vsel vm0, $0x14, v34  }
0x1e4: {  	v39 =	vsel vm1, v28, v39;
	v34 =	vsel vm1, v38, v34;
	v38 =	vsel vm1, $0x14, v38  }
0x1e5: {  	v37 =	vsel vm1, v37, v28;
	v28 =	vor.u32 $0x34, v3;
	vm0 =	vgt.f32 v36, v39;
	v40 =	vld.idx.msk [tilespmem:v25+s2+$0x0], $0xffff  }
0x1e6: {  	vm1 =	vgt.f32 v36, v37;
	v25 =	vsel vm0, v36, v39;
	v34 =	vsel vm0, $0x15, v34  }
0x1e7: {  	v39 =	vsel vm1, v37, v25;
	v34 =	vsel vm1, v38, v34;
	v25 =	vor.u32 $0x35, v3  }
0x1e8: {  	v36 =	vsel vm1, v36, v37;
	v37 =	vsel vm1, $0x15, v38;
	vm0 =	vgt.f32 v35, v39;
	v33 =	vld.idx.msk [tilespmem:v33+s2+$0x0], $0xffff  }
0x1e9: {  	vm1 =	vgt.f32 v35, v36;
	v38 =	vsel vm0, v35, v39;
	v34 =	vsel vm0, $0x16, v34  }
0x1ea: {  	v35 =	vsel vm1, v35, v36;
	v38 =	vsel vm1, v36, v38;
	v36 =	vsel vm1, $0x16, v37  }
0x1eb: {  	v34 =	vsel vm1, v37, v34;
	vm0 =	vgt.f32 v40, v38;
	v37 =	vld.idx.msk [tilespmem:v29+s2+$0x0], $0xffff;
	v29 =	vor.u32 $0x36, v3  }
0x1ec: {  	vm1 =	vgt.f32 v40, v35;
	v38 =	vsel vm0, v40, v38;
	v34 =	vsel vm0, $0x17, v34  }
0x1ed: {  	v38 =	vsel vm1, v35, v38;
	v34 =	vsel vm1, v36, v34;
	v36 =	vsel vm1, $0x17, v36  }
0x1ee: {  	v35 =	vsel vm1, v40, v35;
	vm0 =	vgt.f32 v33, v38;
	v39 =	vld.idx.msk [tilespmem:v30+s2+$0x0], $0xffff;
	v30 =	vor.u32 $0x37, v3  }
0x1ef: {  	vm1 =	vgt.f32 v33, v35;
	v38 =	vsel vm0, v33, v38;
	v34 =	vsel vm0, $0x18, v34  }
0x1f0: {  	v38 =	vsel vm1, v35, v38;
	v34 =	vsel vm1, v36, v34;
	v36 =	vsel vm1, $0x18, v36  }
0x1f1: {  	v33 =	vsel vm1, v33, v35;
	vm0 =	vgt.f32 v37, v38;
	v35 =	vld.idx.msk [tilespmem:v31+s2+$0x0], $0xffff;
	v31 =	vor.u32 $0x38, v3  }
0x1f2: {  	vm1 =	vgt.f32 v37, v33;
	v38 =	vsel vm0, v37, v38;
	v34 =	vsel vm0, $0x19, v34  }
0x1f3: {  	v38 =	vsel vm1, v33, v38;
	v34 =	vsel vm1, v36, v34;
	v36 =	vsel vm1, $0x19, v36  }
0x1f4: {  	v33 =	vsel vm1, v37, v33;
	vm0 =	vgt.f32 v39, v38;
	v37 =	vld.idx.msk [tilespmem:v32+s2+$0x0], $0xffff;
	v32 =	vor.u32 $0x39, v3  }
0x1f5: {  	vm1 =	vgt.f32 v39, v33;
	v38 =	vsel vm0, v39, v38;
	v34 =	vsel vm0, $0x1A, v34  }
0x1f6: {  	v39 =	vsel vm1, v39, v33;
	v38 =	vsel vm1, v33, v38;
	v34 =	vsel vm1, v36, v34  }
0x1f7: {  	v36 =	vsel vm1, $0x1A, v36;
	v33 =	vor.u32 $0x3A, v3;
	vm0 =	vgt.f32 v35, v38;
	v40 =	vld.idx.msk [tilespmem:v27+s2+$0x0], $0xffff  }
0x1f8: {  	vm1 =	vgt.f32 v35, v39;
	v27 =	vsel vm0, v35, v38;
	v34 =	vsel vm0, $0x1B, v34  }
0x1f9: {  	v38 =	vsel vm1, v39, v27;
	v34 =	vsel vm1, v36, v34;
	v27 =	vor.u32 $0x3B, v3  }
0x1fa: {  	v35 =	vsel vm1, v35, v39;
	v36 =	vsel vm1, $0x1B, v36;
	vm0 =	vgt.f32 v37, v38;
	v39 =	vld.idx.msk [tilespmem:v23+s2+$0x0], $0xffff  }
0x1fb: {  	vm1 =	vgt.f32 v37, v35;
	v23 =	vsel vm0, v37, v38;
	v34 =	vsel vm0, $0x1C, v34  }
0x1fc: {  	v23 =	vsel vm1, v35, v23;
	v34 =	vsel vm1, v36, v34;
	v36 =	vsel vm1, $0x1C, v36  }
0x1fd: {  	v35 =	vsel vm1, v37, v35;
	vm0 =	vgt.f32 v40, v23;
	v37 =	vld.idx.msk [tilespmem:v11+s2+$0x0], $0xffff;
	v11 =	vor.u32 $0x3C, v3  }
0x1fe: {  	vm1 =	vgt.f32 v40, v35;
	v23 =	vsel vm0, v40, v23;
	v34 =	vsel vm0, $0x1D, v34  }
0x1ff: {  	v38 =	vsel vm1, v35, v23;
	v34 =	vsel vm1, v36, v34;
	v36 =	vsel vm1, $0x1D, v36  }
0x200: {  	v35 =	vsel vm1, v40, v35;
	v23 =	vor.u32 $0x3D, v3;
	vm0 =	vgt.f32 v39, v38;
	v40 =	vld.idx.msk [tilespmem:v7+s2+$0x0], $0xffff  }
0x201: {  	vm1 =	vgt.f32 v39, v35;
	v7 =	vsel vm0, v39, v38;
	v34 =	vsel vm0, $0x1E, v34  }
0x202: {  	v38 =	vsel vm1, v35, v7;
	v34 =	vsel vm1, v36, v34;
	v7 =	vor.u32 $0x3E, v3  }
0x203: {  	v35 =	vsel vm1, v39, v35;
	v36 =	vsel vm1, $0x1E, v36;
	vm0 =	vgt.f32 v37, v38;
	v5 =	vld.idx.msk [tilespmem:v5+s2+$0x0], $0xffff  }
0x204: {  	vm1 =	vgt.f32 v37, v35;
	v38 =	vsel vm0, v37, v38;
	v34 =	vsel vm0, $0x1F, v34  }
0x205: {  	v38 =	vsel vm1, v35, v38;
	v34 =	vsel vm1, v36, v34;
	v36 =	vsel vm1, $0x1F, v36  }
0x206: {  	v3 =	vor.u32 $0x3F, v3;
	v35 =	vsel vm1, v37, v35;
	vm0 =	vgt.f32 v40, v38;
	v8 =	vld.idx.msk [tilespmem:v8+s2+$0x0], $0xffff  }
0x207: {  	vm1 =	vgt.f32 v40, v35;
	v37 =	vsel vm0, v40, v38;
	v34 =	vsel vm0, $0x20, v34  }
0x208: {  	v37 =	vsel vm1, v35, v37;
	v34 =	vsel vm1, v36, v34;
	v36 =	vsel vm1, $0x20, v36  }
0x209: {  	v35 =	vsel vm1, v40, v35;
	vm0 =	vgt.f32 v5, v37;
	v6 =	vld.idx.msk [tilespmem:v6+s2+$0x0], $0xffff  }
0x20a: {  	vm1 =	vgt.f32 v5, v35;
	v37 =	vsel vm0, v5, v37;
	v34 =	vsel vm0, $0x21, v34  }
0x20b: {  	v37 =	vsel vm1, v35, v37;
	v34 =	vsel vm1, v36, v34;
	v36 =	vsel vm1, $0x21, v36  }
0x20c: {  	v5 =	vsel vm1, v5, v35;
	vm0 =	vgt.f32 v8, v37;
	v4 =	vld.idx.msk [tilespmem:v4+s2+$0x0], $0xffff  }
0x20d: {  	vm1 =	vgt.f32 v8, v5;
	v35 =	vsel vm0, v8, v37;
	v34 =	vsel vm0, $0x22, v34  }
0x20e: {  	v35 =	vsel vm1, v5, v35;
	v34 =	vsel vm1, v36, v34;
	v36 =	vsel vm1, $0x22, v36  }
0x20f: {  	v5 =	vsel vm1, v8, v5;
	vm0 =	vgt.f32 v6, v35;
	v8 =	vld.idx.msk [tilespmem:v9+s2+$0x0], $0xffff  }
0x210: {  	vm1 =	vgt.f32 v6, v5;
	v9 =	vsel vm0, v6, v35;
	v34 =	vsel vm0, $0x23, v34  }
0x211: {  	v9 =	vsel vm1, v5, v9;
	v34 =	vsel vm1, v36, v34  }
0x212: {  	v5 =	vsel vm1, v6, v5;
	v6 =	vsel vm1, $0x23, v36;
	vm0 =	vgt.f32 v4, v9;
	v10 =	vld.idx.msk [tilespmem:v10+s2+$0x0], $0xffff  }
0x213: {  	vm1 =	vgt.f32 v4, v5;
	v9 =	vsel vm0, v4, v9;
	v34 =	vsel vm0, $0x24, v34  }
0x214: {  	v9 =	vsel vm1, v5, v9;
	v34 =	vsel vm1, v6, v34  }
0x215: {  	v4 =	vsel vm1, v4, v5;
	v5 =	vsel vm1, $0x24, v6;
	vm0 =	vgt.f32 v8, v9;
	v6 =	vld.idx.msk [tilespmem:v12+s2+$0x0], $0xffff  }
0x216: {  	vm1 =	vgt.f32 v8, v4;
	v9 =	vsel vm0, v8, v9;
	v12 =	vsel vm0, $0x25, v34  }
0x217: {  	v9 =	vsel vm1, v4, v9;
	v12 =	vsel vm1, v5, v12  }
0x218: {  	v4 =	vsel vm1, v8, v4;
	v5 =	vsel vm1, $0x25, v5;
	vm0 =	vgt.f32 v10, v9;
	v8 =	vld.idx.msk [tilespmem:v14+s2+$0x0], $0xffff  }
0x219: {  	vm1 =	vgt.f32 v10, v4;
	v9 =	vsel vm0, v10, v9;
	v12 =	vsel vm0, $0x26, v12  }
0x21a: {  	v9 =	vsel vm1, v4, v9;
	v12 =	vsel vm1, v5, v12  }
0x21b: {  	v4 =	vsel vm1, v10, v4;
	vm0 =	vgt.f32 v6, v9;
	v10 =	vld.idx.msk [tilespmem:v15+s2+$0x0], $0xffff  }
0x21c: {  	v5 =	vsel vm1, $0x26, v5;
	vm1 =	vgt.f32 v6, v4;
	v9 =	vsel vm0, v6, v9  }
0x21d: {  	v12 =	vsel vm0, $0x27, v12;
	v14 =	vsel vm1, $0x27, v5;
	v9 =	vsel vm1, v4, v9  }
0x21e: {  	v5 =	vsel vm1, v5, v12;
	v4 =	vsel vm1, v6, v4;
	vm0 =	vgt.f32 v8, v9;
	v6 =	vld.idx.msk [tilespmem:v16+s2+$0x0], $0xffff  }
0x21f: {  	vm1 =	vgt.f32 v8, v4;
	v9 =	vsel vm0, v8, v9;
	v5 =	vsel vm0, $0x28, v5  }
0x220: {  	v9 =	vsel vm1, v4, v9;
	v5 =	vsel vm1, v14, v5  }
0x221: {  	v4 =	vsel vm1, v8, v4;
	vm0 =	vgt.f32 v10, v9;
	v8 =	vld.idx.msk [tilespmem:v18+s2+$0x0], $0xffff  }
0x222: {  	v12 =	vsel vm1, $0x28, v14;
	vm1 =	vgt.f32 v10, v4;
	v9 =	vsel vm0, v10, v9  }
0x223: {  	v5 =	vsel vm0, $0x29, v5;
	v14 =	vsel vm1, $0x29, v12;
	v9 =	vsel vm1, v4, v9  }
0x224: {  	v5 =	vsel vm1, v12, v5;
	v4 =	vsel vm1, v10, v4;
	vm0 =	vgt.f32 v6, v9;
	v10 =	vld.idx.msk [tilespmem:v13+s2+$0x0], $0xffff  }
0x225: {  	vm1 =	vgt.f32 v6, v4;
	v9 =	vsel vm0, v6, v9;
	v5 =	vsel vm0, $0x2A, v5  }
0x226: {  	v9 =	vsel vm1, v4, v9;
	v5 =	vsel vm1, v14, v5;
	v4 =	vsel vm1, v6, v4  }
0x227: {  	v6 =	vsel vm1, $0x2A, v14;
	vm0 =	vgt.f32 v8, v9;
	v12 =	vld.idx.msk [tilespmem:v19+s2+$0x0], $0xffff  }
0x228: {  	vm1 =	vgt.f32 v8, v4;
	v9 =	vsel vm0, v8, v9;
	v5 =	vsel vm0, $0x2B, v5  }
0x229: {  	v9 =	vsel vm1, v4, v9;
	v5 =	vsel vm1, v6, v5;
	v4 =	vsel vm1, v8, v4  }
0x22a: {  	v6 =	vsel vm1, $0x2B, v6;
	vm0 =	vgt.f32 v10, v9;
	v8 =	vld.idx.msk [tilespmem:v20+s2+$0x0], $0xffff  }
0x22b: {  	vm1 =	vgt.f32 v10, v4;
	v9 =	vsel vm0, v10, v9;
	v5 =	vsel vm0, $0x2C, v5  }
0x22c: {  	v9 =	vsel vm1, v4, v9;
	v5 =	vsel vm1, v6, v5  }
0x22d: {  	v4 =	vsel vm1, v10, v4;
	v6 =	vsel vm1, $0x2C, v6;
	vm0 =	vgt.f32 v12, v9;
	v10 =	vld.idx.msk [tilespmem:v17+s2+$0x0], $0xffff  }
0x22e: {  	vm1 =	vgt.f32 v12, v4;
	v9 =	vsel vm0, v12, v9;
	v5 =	vsel vm0, $0x2D, v5  }
0x22f: {  	v9 =	vsel vm1, v4, v9;
	v5 =	vsel vm1, v6, v5  }
0x230: {  	v4 =	vsel vm1, v12, v4;
	v6 =	vsel vm1, $0x2D, v6;
	vm0 =	vgt.f32 v8, v9;
	v12 =	vld.idx.msk [tilespmem:v21+s2+$0x0], $0xffff  }
0x231: {  	vm1 =	vgt.f32 v8, v4;
	v9 =	vsel vm0, v8, v9;
	v5 =	vsel vm0, $0x2E, v5  }
0x232: {  	v9 =	vsel vm1, v4, v9;
	v5 =	vsel vm1, v6, v5  }
0x233: {  	v4 =	vsel vm1, v8, v4;
	v6 =	vsel vm1, $0x2E, v6;
	vm0 =	vgt.f32 v10, v9;
	v8 =	vld.idx.msk [tilespmem:v22+s2+$0x0], $0xffff  }
0x234: {  	vm1 =	vgt.f32 v10, v4;
	v9 =	vsel vm0, v10, v9;
	v5 =	vsel vm0, $0x2F, v5  }
0x235: {  	v9 =	vsel vm1, v4, v9;
	v5 =	vsel vm1, v6, v5  }
0x236: {  	v4 =	vsel vm1, v10, v4;
	v6 =	vsel vm1, $0x2F, v6;
	vm0 =	vgt.f32 v12, v9;
	v10 =	vld.idx.msk [tilespmem:v24+s2+$0x0], $0xffff  }
0x237: {  	vm1 =	vgt.f32 v12, v4;
	v9 =	vsel vm0, v12, v9;
	v5 =	vsel vm0, $0x30, v5  }
0x238: {  	v9 =	vsel vm1, v4, v9;
	v5 =	vsel vm1, v6, v5  }
0x239: {  	v4 =	vsel vm1, v12, v4;
	vm0 =	vgt.f32 v8, v9;
	v12 =	vld.idx.msk [tilespmem:v26+s2+$0x0], $0xffff  }
0x23a: {  	vm2 =	vgt.f32 v8, v4;
	v9 =	vsel vm0, v8, v9  }
0x23b: {  	v9 =	vsel vm2, v4, v9  }
0x23c: {  	v5 =	vsel vm0, $0x31, v5;
	v4 =	vsel vm2, v8, v4;
	vm0 =	vgt.f32 v10, v9;
	v8 =	vld.idx.msk [tilespmem:v28+s2+$0x0], $0xffff  }
0x23d: {  	v6 =	vsel vm1, $0x30, v6;
	vm1 =	vgt.f32 v10, v4;
	v9 =	vsel vm0, v10, v9  }
0x23e: {  	v13 =	vsel vm2, $0x31, v6;
	v9 =	vsel vm1, v4, v9;
	v4 =	vsel vm1, v10, v4  }
0x23f: {  	v10 =	vsel vm1, $0x32, v13;
	vm3 =	vgt.f32 v12, v4;
	vm4 =	vgt.f32 v12, v9;
	v14 =	vld.idx.msk [tilespmem:v25+s2+$0x0], $0xffff  }
0x240: {  	v5 =	vsel vm2, v6, v5;
	v6 =	vsel vm4, v12, v9;
	v9 =	vsel vm3, $0x33, v10  }
0x241: {  	v5 =	vsel vm0, $0x32, v5;
	v6 =	vsel vm3, v4, v6  }
0x242: {  	v5 =	vsel vm1, v13, v5;
	v4 =	vsel vm3, v12, v4;
	vm0 =	vgt.f32 v8, v6;
	v12 =	vld.idx.msk [tilespmem:v29+s2+$0x0], $0xffff  }
0x243: {  	v5 =	vsel vm4, $0x33, v5;
	vm1 =	vgt.f32 v8, v4;
	v6 =	vsel vm0, v8, v6  }
0x244: {  	v5 =	vsel vm3, v10, v5;
	v6 =	vsel vm1, v4, v6  }
0x245: {  	v4 =	vsel vm1, v8, v4;
	v8 =	vsel vm1, $0x34, v9;
	vm2 =	vgt.f32 v14, v6;
	v10 =	vld.idx.msk [tilespmem:v30+s2+$0x0], $0xffff  }
0x246: {  	v5 =	vsel vm0, $0x34, v5;
	vm0 =	vgt.f32 v14, v4;
	v6 =	vsel vm2, v14, v6  }
0x247: {  	v5 =	vsel vm1, v9, v5;
	v9 =	vsel vm0, $0x35, v8;
	v6 =	vsel vm0, v4, v6  }
0x248: {  	v5 =	vsel vm2, $0x35, v5;
	v4 =	vsel vm0, v14, v4;
	vm1 =	vgt.f32 v12, v6;
	v13 =	vld.idx.msk [tilespmem:v31+s2+$0x0], $0xffff  }
0x249: {  	v5 =	vsel vm0, v8, v5;
	vm0 =	vgt.f32 v12, v4;
	v6 =	vsel vm1, v12, v6  }
0x24a: {  	v5 =	vsel vm1, $0x36, v5;
	v8 =	vsel vm0, $0x36, v9;
	v6 =	vsel vm0, v4, v6  }
0x24b: {  	v5 =	vsel vm0, v9, v5;
	v4 =	vsel vm0, v12, v4;
	vm0 =	vgt.f32 v10, v6;
	v9 =	vld.idx.msk [tilespmem:v32+s2+$0x0], $0xffff  }
0x24c: {  	vm1 =	vgt.f32 v10, v4;
	v6 =	vsel vm0, v10, v6;
	v5 =	vsel vm0, $0x37, v5  }
0x24d: {  	v6 =	vsel vm1, v4, v6;
	v5 =	vsel vm1, v8, v5;
	v8 =	vsel vm1, $0x37, v8  }
0x24e: {  	v4 =	vsel vm1, v10, v4;
	vm0 =	vgt.f32 v13, v6;
	v10 =	vld.idx.msk [tilespmem:v33+s2+$0x0], $0xffff  }
0x24f: {  	vm1 =	vgt.f32 v13, v4;
	v6 =	vsel vm0, v13, v6;
	v5 =	vsel vm0, $0x38, v5  }
0x250: {  	v6 =	vsel vm1, v4, v6;
	v5 =	vsel vm1, v8, v5;
	v8 =	vsel vm1, $0x38, v8  }
0x251: {  	v4 =	vsel vm1, v13, v4;
	vm0 =	vgt.f32 v9, v6;
	v12 =	vld.idx.msk [tilespmem:v27+s2+$0x0], $0xffff  }
0x252: {  	vm1 =	vgt.f32 v9, v4;
	v6 =	vsel vm0, v9, v6;
	v5 =	vsel vm0, $0x39, v5  }
0x253: {  	v6 =	vsel vm1, v4, v6;
	v5 =	vsel vm1, v8, v5  }
0x254: {  	v4 =	vsel vm1, v9, v4;
	vm0 =	vgt.f32 v10, v6;
	v9 =	vld.idx.msk [tilespmem:v11+s2+$0x0], $0xffff  }
0x255: {  	vm2 =	vgt.f32 v10, v4;
	v6 =	vsel vm0, v10, v6  }
0x256: {  	v8 =	vsel vm1, $0x39, v8;
	v5 =	vsel vm0, $0x3A, v5;
	v6 =	vsel vm2, v4, v6  }
0x257: {  	v4 =	vsel vm2, v10, v4;
	v10 =	vsel vm2, $0x3A, v8;
	vm0 =	vgt.f32 v12, v6;
	v11 =	vld.idx.msk [tilespmem:v23+s2+$0x0], $0xffff  }
0x258: {  	v5 =	vsel vm2, v8, v5;
	vm1 =	vgt.f32 v12, v4;
	v6 =	vsel vm0, v12, v6  }
0x259: {  	v5 =	vsel vm0, $0x3B, v5;
	v8 =	vsel vm1, $0x3B, v10;
	v6 =	vsel vm1, v4, v6  }
0x25a: {  	v5 =	vsel vm1, v10, v5;
	v4 =	vsel vm1, v12, v4;
	vm0 =	vgt.f32 v9, v6;
	v7 =	vld.idx.msk [tilespmem:v7+s2+$0x0], $0xffff  }
0x25b: {  	vm1 =	vgt.f32 v9, v4;
	v6 =	vsel vm0, v9, v6;
	v5 =	vsel vm0, $0x3C, v5  }
0x25c: {  	v6 =	vsel vm1, v4, v6;
	v5 =	vsel vm1, v8, v5  }
0x25d: {  	v4 =	vsel vm1, v9, v4;
	vm0 =	vgt.f32 v11, v6;
	v3 =	vld.idx.msk [tilespmem:v3+s2+$0x0], $0xffff  }
0x25e: {  	vm2 =	vgt.f32 v11, v4;
	v6 =	vsel vm0, v11, v6;
	v9 =	vsel vm0, $0x3D, v5  }
0x25f: {  	v10 =	vshll.u32 v2, $0x1;
	v8 =	vsel vm1, $0x3C, v8;
	v6 =	vsel vm2, v4, v6  }
0x260: {  	v2 =	vsel vm2, v11, v4;
	v5 =	vor.u32 $0x1, v10;
	vm0 =	vgt.f32 v7, v6  }
0x261: {  	v4 =	vsel vm2, $0x3D, v8;
	vm1 =	vgt.f32 v7, v2;
	v6 =	vsel vm0, v7, v6  }
0x262: {  	v8 =	vsel vm2, v8, v9;
	v9 =	vsel vm1, $0x3E, v4;
	v6 =	vsel vm1, v2, v6  }
0x263: {  	v8 =	vsel vm0, $0x3E, v8;
	v2 =	vsel vm1, v7, v2;
	vm0 =	vgt.f32 v3, v6  }
0x264: {  	v4 =	vsel vm1, v4, v8;
	vm1 =	vgt.f32 v3, v2;
	v6 =	vsel vm0, v3, v6  }
0x265: {  	v6 =	vsel vm1, v2, v6;
	v2 =	vsel vm1, v3, v2;
	v3 =	vsel vm1, $0x3F, v9  }
0x266: {  	v4 =	vsel vm0, $0x3F, v4;
	v2 =	vsub.f32 v6, v2;
	[tilespmem:v10+s8+$0x0] =	vst.idx.msk $0xffff, v3  }
0x267: {  	v3 =	vsel vm1, v9, v4  }
0x268: {  	v2 =	vmul.f32 $1.442695020e+00, v2;
	[tilespmem:v5+s8+$0x0] =	vst.idx.msk $0xffff, v3;
	_ =	sdelay $0x1  }
0x269: {  	(erf) = vpow2.f32 v2;
	_ =	sdelay $0x8  }
0x26a: {  	v4 =	vpop (erf)  }
0x26b: {  	v2 =	vadd.f32 $1.000000000e+00, v4;
	_ =	sdelay $0x1  }
0x26c: {  	(erf) = vrcp.f32 v2;
	_ =	sdelay $0x6  }
.Ltmp0:
0x26d: {  	v2 =	vor.u32 s12, v0;
	(pc) =	sbr.rel @p0 .LBB2_2-.Ltmp0, $4  }
0x26e: {  	v3 =	vshll.u32 v2, $0x6  }
0x26f: {  	v17 =	vor.u32 $0x1, v3;
	v11 =	vor.u32 $0x2, v3;
	v7 =	vor.u32 $0x3, v3;
	v9 =	vpop (erf)  }
0x270: {  	v8 =	vor.u32 $0x4, v3;
	v6 =	vor.u32 $0x5, v3;
	[tilespmem:v10+s9+$0x0] =	vst.idx.msk $0xffff, v9;
	v13 =	vmul.f32 v9, v4  }
0x271: {  	v4 =	vor.u32 $0x6, v3;
	v10 =	vor.u32 $0x7, v3;
	v9 =	vor.u32 $0x8, v3  }
0x272: {  	_ =	sdelay $0x3  }
0x273: {  	[tilespmem:v5+s9+$0x0] =	vst.idx.msk $0xffff, v13  }
0x274: {  	v46 =	vimm.s32 $0x0;
	v48 =	vimm.s32 $0x0;
	v5 =	vld.idx.msk [tilespmem:v3+s2+$0x0], $0xffff  }
0x275: {  	v50 =	vimm.s32 $0x0;
	v52 =	vimm.s32 $0x0;
	v54 =	vimm.s32 $0x0;
	v12 =	vld.idx.msk [tilespmem:v17+s2+$0x0], $0xffff  }
0x276: {  	v56 =	vor.u32 $0x9, v3;
	v57 =	vimm.s32 $0x0;
	v59 =	vor.u32 $0xA, v3  }
0x277: {  	v60 =	vimm.s32 $0x0;
	v62 =	vor.u32 $0xB, v3;
	v63 =	vimm.s32 $0x0  }
0x278: {  	v14 =	vimm.s32 $0x0;
	v16 =	vor.u32 $0xD, v3;
	v19 =	vor.u32 $0xE, v3  }
0x279: {  	v20 =	vimm.s32 $0x0;
	v22 =	vor.u32 $0xF, v3;
	v11 =	vld.idx.msk [tilespmem:v11+s2+$0x0], $0xffff;
	vm0 =	vgt.f32 v5, $-Inf  }
0x27a: {  	vm8 =	vlt.f32 v12, $-Inf;
	vm1 =	vgt.f32 v12, $-Inf;
	v5 =	vnsel vm0, $0xFF800000, v5  }
0x27b: {  	v23 =	vimm.s32 $0x0;
	vm15 =	vmor vm1, vm8;
	vm2 =	vgt.f32 v12, v5  }
0x27c: {  	v7 =	vld.idx.msk [tilespmem:v7+s2+$0x0], $0xffff;
	v47 =	vnsel vm15, $0xFF800000, v12;
	v13 =	vsel vm2, $0xFFFFFFFF, v46;
	vm1 =	vmneg vm2  }
0x27d: {  	v25 =	vor.u32 $0x10, v3;
	v26 =	vimm.s32 $0x0;
	[tilespmem:$0x1F7D0] =	vst v13;
	v13 =	vsel vm1, v47, v5  }
0x27e: {  	v28 =	vor.u32 $0x11, v3;
	v5 =	vsel vm1, v5, v12;
	vm9 =	vgt.f32 v11, v13  }
0x27f: {  	v8 =	vld.idx.msk [tilespmem:v8+s2+$0x0], $0xffff;
	vm2 =	vgt.f32 v11, v5;
	v12 =	vsel vm9, $0xFFFFFFFF, v48;
	v49 =	vsel vm9, v11, v13  }
0x280: {  	v29 =	vimm.s32 $0x0;
	v31 =	vor.u32 $0x12, v3;
	[tilespmem:$0x1F7E0] =	vst v12;
	v12 =	vsel vm2, v5, v49  }
0x281: {  	v32 =	vimm.s32 $0x0;
	v5 =	vsel vm2, v11, v5;
	vm10 =	vgt.f32 v7, v12  }
0x282: {  	v6 =	vld.idx.msk [tilespmem:v6+s2+$0x0], $0xffff;
	vm3 =	vgt.f32 v7, v5;
	v11 =	vsel vm10, $0xFFFFFFFF, v50;
	v51 =	vsel vm10, v7, v12  }
0x283: {  	v35 =	vor.u32 $0x13, v3;
	v37 =	vimm.s32 $0x0;
	[tilespmem:$0x1F7F0] =	vst v11;
	v11 =	vsel vm3, v5, v51  }
0x284: {  	v39 =	vor.u32 $0x14, v3;
	v4 =	vld.idx.msk [tilespmem:v4+s2+$0x0], $0xffff;
	v5 =	vsel vm3, v7, v5;
	vm11 =	vgt.f32 v8, v11  }
0x285: {  	v55 =	vld.idx.msk [tilespmem:v10+s2+$0x0], $0xffff;
	vm4 =	vgt.f32 v8, v5;
	v7 =	vsel vm11, $0xFFFFFFFF, v52;
	v53 =	vsel vm11, v8, v11  }
0x286: {  	v40 =	vimm.s32 $0x0;
	v43 =	vor.u32 $0x15, v3;
	v58 =	vld.idx.msk [tilespmem:v9+s2+$0x0], $0xffff;
	[tilespmem:$0x1F800] =	vst v7;
	v7 =	vsel vm4, v5, v53  }
0x287: {  	v45 =	vimm.s32 $0x0;
	v61 =	vld.idx.msk [tilespmem:v56+s2+$0x0], $0xffff;
	v5 =	vsel vm4, v8, v5;
	vm12 =	vgt.f32 v6, v7  }
0x288: {  	v17 =	vimm.s32 $0x0;
	v24 =	vld.idx.msk [tilespmem:v19+s2+$0x0], $0xffff;
	vm5 =	vgt.f32 v6, v5;
	v7 =	vsel vm12, v6, v7  }
0x289: {  	v27 =	vld.idx.msk [tilespmem:v22+s2+$0x0], $0xffff;
	v56 =	vimm.s32 $0x0;
	v19 =	vimm.s32 $0x0;
	v7 =	vsel vm5, v5, v7  }
0x28a: {  	v33 =	vld.idx.msk [tilespmem:v28+s2+$0x0], $0xffff;
	v22 =	vor.u32 $0x1C, v3;
	v5 =	vsel vm5, v6, v5;
	vm13 =	vgt.f32 v4, v7  }
0x28b: {  	v9 =	vld.idx.msk [tilespmem:v31+s2+$0x0], $0xffff;
	v28 =	vimm.s32 $0x0;
	vm6 =	vgt.f32 v4, v5;
	v7 =	vsel vm13, v4, v7  }
0x28c: {  	v10 =	vld.idx.msk [tilespmem:v39+s2+$0x0], $0xffff;
	v31 =	vor.u32 $0x1E, v3;
	v39 =	vor.u32 $0x20, v3;
	v7 =	vsel vm6, v5, v7  }
0x28d: {  	vm1 =	vmand vm15, vm1;
	v4 =	vsel vm6, v4, v5;
	vm14 =	vgt.f32 v55, v7  }
0x28e: {  	v47 =	vor.u32 $0x16, v3;
	vm7 =	vgt.f32 v55, v4;
	v7 =	vsel vm14, v55, v7  }
0x28f: {  	v34 =	vsel vm1, $0x1, v1;
	v13 =	vor.u32 $0xC, v3;
	v7 =	vsel vm7, v4, v7  }
0x290: {  	v36 =	vld [tilespmem:$0x1F7D0];
	v8 =	vsel vm12, $0xFFFFFFFF, v54;
	v4 =	vsel vm7, v55, v4;
	vm8 =	vgt.f32 v58, v7  }
0x291: {  	v12 =	vld.idx.msk [tilespmem:v59+s2+$0x0], $0xffff;
	[tilespmem:$0x1F810] =	vst v8;
	v8 =	vsel vm8, $0xFFFFFFFF, v63;
	v7 =	vsel vm8, v58, v7;
	vm8 =	vgt.f32 v58, v4  }
0x292: {  	v48 =	vimm.s32 $0x0;
	v59 =	vor.u32 $0x19, v3;
	v7 =	vsel vm8, v4, v7  }
0x293: {  	v6 =	vsel vm13, $0xFFFFFFFF, v57;
	v4 =	vsel vm8, v58, v4;
	vm9 =	vgt.f32 v61, v7  }
0x294: {  	v15 =	vld.idx.msk [tilespmem:v62+s2+$0x0], $0xffff;
	[tilespmem:$0x1F820] =	vst v6;
	v6 =	vsel vm9, $0xFFFFFFFF, v14;
	v7 =	vsel vm9, v61, v7;
	vm9 =	vgt.f32 v61, v4  }
0x295: {  	v50 =	vld.idx.msk [tilespmem:v43+s2+$0x0], $0xffff;
	v43 =	vor.u32 $0x21, v3;
	vm15 =	vnez.u8 v36;
	v7 =	vsel vm9, v4, v7  }
0x296: {  	v5 =	vsel vm14, $0xFFFFFFFF, v60;
	v4 =	vsel vm9, v61, v4;
	vm10 =	vgt.f32 v12, v7  }
0x297: {  	v18 =	vld.idx.msk [tilespmem:v13+s2+$0x0], $0xffff;
	[tilespmem:$0x1F830] =	vst v5;
	v5 =	vsel vm10, $0xFFFFFFFF, v17;
	v7 =	vsel vm10, v12, v7;
	vm10 =	vgt.f32 v12, v4  }
0x298: {  	v51 =	vor.u32 $0x17, v3;
	v36 =	vor.u32 $0x1F, v3;
	v7 =	vsel vm10, v4, v7  }
0x299: {  	v55 =	vor.u32 $0x18, v3;
	v4 =	vsel vm10, v12, v4;
	vm11 =	vgt.f32 v15, v7  }
0x29a: {  	v21 =	vld.idx.msk [tilespmem:v16+s2+$0x0], $0xffff;
	[tilespmem:$0x1F840] =	vst v8;
	v8 =	vsel vm11, $0xFFFFFFFF, v20;
	v7 =	vsel vm11, v15, v7;
	vm11 =	vgt.f32 v15, v4  }
0x29b: {  	v52 =	vimm.s32 $0x0;
	v54 =	vld.idx.msk [tilespmem:v47+s2+$0x0], $0xffff;
	v47 =	vimm.s32 $0x0;
	v7 =	vsel vm11, v4, v7  }
0x29c: {  	v60 =	vimm.s32 $0x0;
	v4 =	vsel vm11, v15, v4;
	vm12 =	vgt.f32 v18, v7  }
0x29d: {  	v38 =	vld [tilespmem:$0x1F7E0];
	[tilespmem:$0x1F850] =	vst v6;
	v6 =	vsel vm12, $0xFFFFFFFF, v23;
	v7 =	vsel vm12, v18, v7;
	vm12 =	vgt.f32 v18, v4  }
0x29e: {  	v63 =	vor.u32 $0x1A, v3;
	v58 =	vld.idx.msk [tilespmem:v51+s2+$0x0], $0xffff;
	v51 =	vimm.s32 $0x0;
	v7 =	vsel vm12, v4, v7  }
0x29f: {  	v62 =	vld.idx.msk [tilespmem:v55+s2+$0x0], $0xffff;
	v55 =	vimm.s32 $0x0;
	v4 =	vsel vm12, v18, v4;
	vm13 =	vgt.f32 v21, v7  }
0x2a0: {  	[tilespmem:$0x1F860] =	vst v5;
	v5 =	vsel vm13, $0xFFFFFFFF, v26;
	v7 =	vsel vm13, v21, v7;
	vm13 =	vgt.f32 v21, v4  }
0x2a1: {  	v14 =	vimm.s32 $0x0;
	v12 =	vsel vm15, $0x1, v1;
	v7 =	vsel vm13, v4, v7  }
0x2a2: {  	v26 =	vor.u32 $0x1D, v3;
	v4 =	vsel vm13, v21, v4;
	vm14 =	vgt.f32 v24, v7  }
0x2a3: {  	v30 =	vld.idx.msk [tilespmem:v25+s2+$0x0], $0xffff;
	[tilespmem:$0x1F870] =	vst v8;
	v8 =	vsel vm14, $0xFFFFFFFF, v29;
	v7 =	vsel vm14, v24, v7;
	vm14 =	vgt.f32 v24, v4  }
0x2a4: {  	vm15 =	vnez.u8 v38;
	v15 =	vimm.s32 $0x0;
	v7 =	vsel vm14, v4, v7  }
0x2a5: {  	v42 =	vld.idx.msk [tilespmem:v35+s2+$0x0], $0xffff;
	v23 =	vimm.s32 $0x0;
	v4 =	vsel vm14, v24, v4;
	vm0 =	vgt.f32 v27, v7  }
0x2a6: {  	v41 =	vld [tilespmem:$0x1F7F0];
	[tilespmem:$0x1F880] =	vst v6;
	v6 =	vsel vm0, $0xFFFFFFFF, v32;
	v7 =	vsel vm0, v27, v7;
	vm0 =	vgt.f32 v27, v4  }
0x2a7: {  	v18 =	vor.u32 $0x1B, v3;
	v21 =	vld.idx.msk [tilespmem:v63+s2+$0x0], $0xffff;
	v63 =	vor.u32 $0x26, v3;
	v7 =	vsel vm0, v4, v7  }
0x2a8: {  	v35 =	vld.idx.msk [tilespmem:v26+s2+$0x0], $0xffff;
	v26 =	vimm.s32 $0x0;
	v4 =	vsel vm0, v27, v4;
	vm1 =	vgt.f32 v30, v7  }
0x2a9: {  	v44 =	vld [tilespmem:$0x1F800];
	[tilespmem:$0x1F890] =	vst v5;
	v5 =	vsel vm1, $0xFFFFFFFF, v37;
	v7 =	vsel vm1, v30, v7;
	vm1 =	vgt.f32 v30, v4  }
0x2aa: {  	v37 =	vimm.s32 $0x0;
	[tilespmem:$0x1F8C0] =	vst v5;
	v5 =	vsel vm15, $0x2, v34;
	v7 =	vsel vm1, v4, v7  }
0x2ab: {  	v5 =	vsel vm2, v12, v5;
	v12 =	vsel vm2, $0x2, v12;
	vm2 =	vgt.f32 v33, v7  }
0x2ac: {  	[tilespmem:$0x1F8A0] =	vst v8;
	v4 =	vsel vm1, v30, v4;
	vm15 =	vnez.u8 v41;
	v8 =	vsel vm2, $0xFFFFFFFF, v40  }
0x2ad: {  	v49 =	vld [tilespmem:$0x1F810];
	v5 =	vsel vm15, $0x3, v5;
	v7 =	vsel vm2, v33, v7;
	vm2 =	vgt.f32 v33, v4  }
0x2ae: {  	vm15 =	vnez.u8 v44;
	v46 =	vsel vm3, $0x3, v12;
	v40 =	vimm.s32 $0x0  }
0x2af: {  	v53 =	vld [tilespmem:$0x1F820];
	v44 =	vimm.s32 $0x0;
	v5 =	vsel vm3, v12, v5;
	v7 =	vsel vm2, v4, v7  }
0x2b0: {  	v4 =	vsel vm2, v33, v4;
	v5 =	vsel vm15, $0x4, v5;
	vm15 =	vgt.f32 v9, v7  }
0x2b1: {  	[tilespmem:$0x1F8B0] =	vst v6;
	v33 =	vimm.s32 $0x0;
	vm3 =	vgt.f32 v9, v4;
	v6 =	vsel vm15, $0xFFFFFFFF, v45  }
0x2b2: {  	v57 =	vld [tilespmem:$0x1F830];
	v7 =	vsel vm15, v9, v7;
	v5 =	vsel vm4, v46, v5;
	vm15 =	vnez.u8 v49  }
0x2b3: {  	v49 =	vld.idx.msk [tilespmem:v43+s2+$0x0], $0xffff;
	v43 =	vor.u32 $0x2C, v3;
	[tilespmem:$0x1F8E0] =	vst v6;
	v7 =	vsel vm3, v4, v7;
	v6 =	vsel vm4, $0x4, v46  }
0x2b4: {  	v4 =	vsel vm3, v9, v4;
	v5 =	vsel vm15, $0x5, v5;
	vm15 =	vnez.u8 v53  }
0x2b5: {  	v61 =	vld [tilespmem:$0x1F840];
	v46 =	vor.u32 $0x22, v3;
	vm4 =	vgt.f32 v42, v7;
	v5 =	vsel vm5, v6, v5  }
0x2b6: {  	v6 =	vsel vm5, $0x5, v6;
	v9 =	vsel vm4, $0xFFFFFFFF, v48;
	v7 =	vsel vm4, v42, v7  }
0x2b7: {  	vm4 =	vgt.f32 v42, v4;
	v5 =	vsel vm15, $0x6, v5;
	vm15 =	vnez.u8 v57  }
0x2b8: {  	v16 =	vld [tilespmem:$0x1F850];
	v7 =	vsel vm4, v4, v7;
	v4 =	vsel vm4, v42, v4;
	v5 =	vsel vm6, v6, v5  }
0x2b9: {  	v6 =	vsel vm6, $0x6, v6;
	vm5 =	vgt.f32 v10, v7;
	v5 =	vsel vm15, $0x7, v5  }
0x2ba: {  	v20 =	vld [tilespmem:$0x1F860];
	[tilespmem:$0x1F8D0] =	vst v8;
	vm15 =	vnez.u8 v61;
	v8 =	vsel vm5, $0xFFFFFFFF, v52;
	v7 =	vsel vm5, v10, v7  }
0x2bb: {  	vm5 =	vgt.f32 v10, v4;
	v5 =	vsel vm7, v6, v5;
	v6 =	vsel vm7, $0x7, v6  }
0x2bc: {  	v7 =	vsel vm5, v4, v7;
	v4 =	vsel vm5, v10, v4;
	v5 =	vsel vm15, $0x8, v5  }
0x2bd: {  	v24 =	vld [tilespmem:$0x1F870];
	vm15 =	vnez.u8 v16;
	vm6 =	vgt.f32 v50, v7;
	v5 =	vsel vm8, v6, v5  }
0x2be: {  	v6 =	vsel vm8, $0x8, v6;
	v10 =	vsel vm6, $0xFFFFFFFF, v56;
	v7 =	vsel vm6, v50, v7  }
0x2bf: {  	vm6 =	vgt.f32 v50, v4;
	v5 =	vsel vm15, $0x9, v5;
	vm15 =	vnez.u8 v20  }
0x2c0: {  	v20 =	vor.u32 $0x27, v3;
	v7 =	vsel vm6, v4, v7;
	v4 =	vsel vm6, v50, v4  }
0x2c1: {  	v29 =	vld [tilespmem:$0x1F880];
	v5 =	vsel vm9, v6, v5;
	v6 =	vsel vm9, $0x9, v6;
	v50 =	vor.u32 $0x23, v3  }
0x2c2: {  	vm7 =	vgt.f32 v54, v7;
	v5 =	vsel vm15, $0xA, v5;
	vm15 =	vnez.u8 v24  }
0x2c3: {  	[tilespmem:$0x1F8F0] =	vst v9;
	v24 =	vor.u32 $0x28, v3;
	v9 =	vsel vm7, $0xFFFFFFFF, v60;
	v7 =	vsel vm7, v54, v7  }
0x2c4: {  	vm7 =	vgt.f32 v54, v4;
	v5 =	vsel vm10, v6, v5;
	v6 =	vsel vm10, $0xA, v6  }
0x2c5: {  	v34 =	vld [tilespmem:$0x1F890];
	v60 =	vimm.s32 $0x0;
	v7 =	vsel vm7, v4, v7;
	v4 =	vsel vm7, v54, v4  }
0x2c6: {  	v5 =	vsel vm15, $0xB, v5;
	v27 =	vsel vm11, $0xB, v6;
	vm15 =	vnez.u8 v29  }
0x2c7: {  	v54 =	vor.u32 $0x24, v3;
	v29 =	vor.u32 $0x29, v3;
	vm8 =	vgt.f32 v58, v7  }
0x2c8: {  	v38 =	vld [tilespmem:$0x1F8A0];
	[tilespmem:$0x1F900] =	vst v8;
	v5 =	vsel vm11, v6, v5;
	v32 =	vsel vm12, $0xC, v27;
	v8 =	vsel vm8, $0xFFFFFFFF, v15  }
0x2c9: {  	v7 =	vsel vm8, v58, v7;
	vm8 =	vgt.f32 v58, v4;
	v5 =	vsel vm15, $0xC, v5  }
0x2ca: {  	v17 =	vld.idx.msk [tilespmem:v59+s2+$0x0], $0xffff;
	vm15 =	vnez.u8 v34;
	v12 =	vsel vm13, $0xD, v32;
	v34 =	vor.u32 $0x2A, v3  }
0x2cb: {  	v41 =	vld [tilespmem:$0x1F8B0];
	v7 =	vsel vm8, v4, v7;
	v4 =	vsel vm8, v58, v4;
	v5 =	vsel vm12, v27, v5  }
0x2cc: {  	[tilespmem:$0x1F930] =	vst v8;
	v8 =	vld.idx.msk [tilespmem:v31+s2+$0x0], $0xffff;
	v58 =	vor.u32 $0x25, v3;
	v31 =	vimm.s32 $0x0;
	vm9 =	vgt.f32 v62, v7  }
0x2cd: {  	v5 =	vsel vm15, $0xD, v5;
	vm15 =	vnez.u8 v38;
	v38 =	vor.u32 $0x2B, v3  }
0x2ce: {  	[tilespmem:$0x1F910] =	vst v10;
	v10 =	vsel vm9, $0xFFFFFFFF, v19;
	v7 =	vsel vm9, v62, v7;
	vm9 =	vgt.f32 v62, v4  }
0x2cf: {  	v5 =	vsel vm13, v32, v5;
	v7 =	vsel vm9, v4, v7;
	v4 =	vsel vm9, v62, v4  }
0x2d0: {  	v5 =	vsel vm15, $0xE, v5;
	vm15 =	vnez.u8 v41;
	v62 =	vld.idx.msk [tilespmem:v54+s2+$0x0], $0xffff;
	v54 =	vimm.s32 $0x0  }
0x2d1: {  	v25 =	vld.idx.msk [tilespmem:v18+s2+$0x0], $0xffff;
	vm10 =	vgt.f32 v17, v7;
	v5 =	vsel vm14, v12, v5;
	v12 =	vsel vm14, $0xE, v12  }
0x2d2: {  	v45 =	vld [tilespmem:$0x1F8C0];
	[tilespmem:$0x1F920] =	vst v9;
	v9 =	vsel vm10, $0xFFFFFFFF, v23;
	v7 =	vsel vm10, v17, v7;
	vm10 =	vgt.f32 v17, v4  }
0x2d3: {  	v41 =	vld.idx.msk [tilespmem:v34+s2+$0x0], $0xffff;
	v34 =	vor.u32 $0x35, v3;
	v5 =	vsel vm15, $0xF, v5;
	v7 =	vsel vm10, v4, v7  }
0x2d4: {  	v19 =	vld.idx.msk [tilespmem:v58+s2+$0x0], $0xffff;
	v58 =	vor.u32 $0x2F, v3;
	v4 =	vsel vm10, v17, v4;
	vm11 =	vgt.f32 v21, v7  }
0x2d5: {  	v30 =	vld.idx.msk [tilespmem:v22+s2+$0x0], $0xffff;
	v6 =	vsel vm11, $0xFFFFFFFF, v28;
	v7 =	vsel vm11, v21, v7;
	vm11 =	vgt.f32 v21, v4  }
0x2d6: {  	v23 =	vld.idx.msk [tilespmem:v63+s2+$0x0], $0xffff;
	v63 =	vor.u32 $0x30, v3;
	v5 =	vsel vm0, v12, v5;
	v7 =	vsel vm11, v4, v7  }
0x2d7: {  	v12 =	vsel vm0, $0xF, v12;
	v4 =	vsel vm11, v21, v4;
	vm12 =	vgt.f32 v25, v7  }
0x2d8: {  	[tilespmem:$0x1F940] =	vst v10;
	v10 =	vsel vm12, $0xFFFFFFFF, v33;
	v7 =	vsel vm12, v25, v7;
	vm12 =	vgt.f32 v25, v4  }
0x2d9: {  	vm0 =	vnez.u8 v45;
	v17 =	vimm.s32 $0x0;
	v7 =	vsel vm12, v4, v7  }
0x2da: {  	v48 =	vld [tilespmem:$0x1F8D0];
	v5 =	vsel vm0, $0x10, v5;
	v4 =	vsel vm12, v25, v4;
	vm13 =	vgt.f32 v30, v7  }
0x2db: {  	v53 =	vld.idx.msk [tilespmem:v46+s2+$0x0], $0xffff;
	[tilespmem:$0x1F950] =	vst v9;
	v9 =	vsel vm13, $0xFFFFFFFF, v37;
	v7 =	vsel vm13, v30, v7;
	vm13 =	vgt.f32 v30, v4  }
0x2dc: {  	v46 =	vld.idx.msk [tilespmem:v38+s2+$0x0], $0xffff;
	v38 =	vimm.s32 $0x0;
	v5 =	vsel vm1, v12, v5;
	v7 =	vsel vm13, v4, v7  }
0x2dd: {  	v42 =	vld.idx.msk [tilespmem:v36+s2+$0x0], $0xffff;
	v12 =	vsel vm1, $0x10, v12;
	v4 =	vsel vm13, v30, v4;
	vm14 =	vgt.f32 v35, v7  }
0x2de: {  	v52 =	vld [tilespmem:$0x1F8E0];
	[tilespmem:$0x1F960] =	vst v6;
	v6 =	vsel vm14, $0xFFFFFFFF, v40;
	v7 =	vsel vm14, v35, v7;
	vm14 =	vgt.f32 v35, v4  }
0x2df: {  	v21 =	vimm.s32 $0x0;
	[tilespmem:$0x1F980] =	vst v9;
	v9 =	vld.idx.msk [tilespmem:v39+s2+$0x0], $0xffff;
	v39 =	vimm.s32 $0x0;
	v7 =	vsel vm14, v4, v7  }
0x2e0: {  	v4 =	vsel vm14, v35, v4;
	v35 =	vimm.s32 $0x0;
	vm15 =	vgt.f32 v8, v7  }
0x2e1: {  	[tilespmem:$0x1F970] =	vst v10;
	vm0 =	vgt.f32 v8, v4;
	v10 =	vsel vm15, $0xFFFFFFFF, v44;
	v7 =	vsel vm15, v8, v7  }
0x2e2: {  	v56 =	vld [tilespmem:$0x1F8F0];
	vm15 =	vnez.u8 v48;
	v44 =	vimm.s32 $0x0;
	v48 =	vor.u32 $0x2D, v3  }
0x2e3: {  	v7 =	vsel vm0, v4, v7;
	v4 =	vsel vm0, v8, v4;
	v5 =	vsel vm15, $0x11, v5  }
0x2e4: {  	vm15 =	vnez.u8 v52;
	v52 =	vimm.s32 $0x0;
	vm1 =	vgt.f32 v42, v7  }
0x2e5: {  	v61 =	vld [tilespmem:$0x1F900];
	v5 =	vsel vm2, v12, v5;
	v12 =	vsel vm2, $0x11, v12;
	v8 =	vsel vm1, $0xFFFFFFFF, v47  }
0x2e6: {  	v7 =	vsel vm1, v42, v7;
	vm1 =	vgt.f32 v42, v4;
	v5 =	vsel vm15, $0x12, v5  }
0x2e7: {  	vm15 =	vnez.u8 v56;
	v47 =	vimm.s32 $0x0;
	v7 =	vsel vm1, v4, v7  }
0x2e8: {  	v4 =	vsel vm1, v42, v4;
	v5 =	vsel vm3, v12, v5;
	v12 =	vsel vm3, $0x12, v12  }
0x2e9: {  	v18 =	vld [tilespmem:$0x1F910];
	v42 =	vimm.s32 $0x0;
	vm2 =	vgt.f32 v9, v7;
	v5 =	vsel vm15, $0x13, v5  }
0x2ea: {  	v59 =	vsel vm4, $0x13, v12;
	vm15 =	vnez.u8 v61;
	v56 =	vld.idx.msk [tilespmem:v48+s2+$0x0], $0xffff;
	v48 =	vor.u32 $0x38, v3  }
0x2eb: {  	v22 =	vld [tilespmem:$0x1F920];
	[tilespmem:$0x1F990] =	vst v6;
	v6 =	vsel vm2, $0xFFFFFFFF, v51;
	v7 =	vsel vm2, v9, v7;
	vm2 =	vgt.f32 v9, v4  }
0x2ec: {  	v5 =	vsel vm4, v12, v5;
	v16 =	vsel vm5, $0x14, v59;
	v51 =	vld.idx.msk [tilespmem:v43+s2+$0x0], $0xffff;
	v43 =	vimm.s32 $0x0  }
0x2ed: {  	v7 =	vsel vm2, v4, v7;
	v4 =	vsel vm2, v9, v4;
	v5 =	vsel vm15, $0x14, v5  }
0x2ee: {  	vm15 =	vnez.u8 v18;
	v12 =	vsel vm6, $0x15, v16;
	v18 =	vimm.s32 $0x0  }
0x2ef: {  	v27 =	vld [tilespmem:$0x1F930];
	vm3 =	vgt.f32 v49, v7;
	v5 =	vsel vm5, v59, v5;
	v25 =	vsel vm7, $0x16, v12  }
0x2f0: {  	v59 =	vimm.s32 $0x0;
	v9 =	vsel vm3, $0xFFFFFFFF, v55;
	v7 =	vsel vm3, v49, v7  }
0x2f1: {  	vm3 =	vgt.f32 v49, v4;
	v5 =	vsel vm15, $0x15, v5;
	vm15 =	vnez.u8 v22  }
0x2f2: {  	v57 =	vld.idx.msk [tilespmem:v50+s2+$0x0], $0xffff;
	v30 =	vsel vm8, $0x17, v25;
	v22 =	vimm.s32 $0x0;
	v7 =	vsel vm3, v4, v7  }
0x2f3: {  	v32 =	vld [tilespmem:$0x1F940];
	v4 =	vsel vm3, v49, v4;
	v5 =	vsel vm6, v16, v5;
	v49 =	vimm.s32 $0x0  }
0x2f4: {  	vm4 =	vgt.f32 v53, v7;
	v5 =	vsel vm15, $0x16, v5;
	vm15 =	vnez.u8 v27  }
0x2f5: {  	[tilespmem:$0x1F9B0] =	vst v8;
	v27 =	vimm.s32 $0x0;
	v8 =	vsel vm4, $0xFFFFFFFF, v60;
	v7 =	vsel vm4, v53, v7  }
0x2f6: {  	v36 =	vld [tilespmem:$0x1F950];
	vm4 =	vgt.f32 v53, v4;
	v5 =	vsel vm7, v12, v5;
	v12 =	vsel vm9, $0x18, v30  }
0x2f7: {  	v7 =	vsel vm4, v4, v7;
	v4 =	vsel vm4, v53, v4;
	v5 =	vsel vm15, $0x17, v5  }
0x2f8: {  	vm15 =	vnez.u8 v32;
	v53 =	vor.u32 $0x2E, v3;
	vm5 =	vgt.f32 v57, v7  }
0x2f9: {  	v40 =	vld [tilespmem:$0x1F960];
	[tilespmem:$0x1F9C0] =	vst v6;
	v5 =	vsel vm8, v25, v5;
	v25 =	vimm.s32 $0x0;
	v6 =	vsel vm5, $0xFFFFFFFF, v17  }
0x2fa: {  	v7 =	vsel vm5, v57, v7;
	vm5 =	vgt.f32 v57, v4;
	v5 =	vsel vm15, $0x18, v5  }
0x2fb: {  	vm15 =	vnez.u8 v36;
	v17 =	vor.u32 $0x31, v3;
	v7 =	vsel vm5, v4, v7  }
0x2fc: {  	v4 =	vsel vm5, v57, v4;
	v5 =	vsel vm9, v30, v5;
	v57 =	vimm.s32 $0x0  }
0x2fd: {  	v30 =	vor.u32 $0x34, v3;
	vm6 =	vgt.f32 v62, v7;
	v5 =	vsel vm15, $0x19, v5  }
0x2fe: {  	v45 =	vld [tilespmem:$0x1F970];
	[tilespmem:$0x1F9D0] =	vst v9;
	vm15 =	vnez.u8 v40;
	v40 =	vimm.s32 $0x0;
	v9 =	vsel vm6, $0xFFFFFFFF, v21  }
0x2ff: {  	v7 =	vsel vm6, v62, v7;
	vm6 =	vgt.f32 v62, v4;
	v5 =	vsel vm10, v12, v5  }
0x300: {  	v50 =	vld [tilespmem:$0x1F980];
	v12 =	vsel vm10, $0x19, v12;
	v21 =	vor.u32 $0x32, v3;
	v7 =	vsel vm6, v4, v7  }
0x301: {  	v33 =	vld.idx.msk [tilespmem:v24+s2+$0x0], $0xffff;
	v4 =	vsel vm6, v62, v4;
	v5 =	vsel vm15, $0x1A, v5;
	v62 =	vimm.s32 $0x0  }
0x302: {  	v55 =	vld [tilespmem:$0x1F990];
	vm7 =	vgt.f32 v19, v7;
	v5 =	vsel vm11, v12, v5;
	v12 =	vsel vm11, $0x1A, v12  }
0x303: {  	vm11 =	vnez.u8 v45;
	v24 =	vld.idx.msk [tilespmem:v17+s2+$0x0], $0xffff;
	v45 =	vimm.s32 $0x0;
	v17 =	vor.u32 $0x3C, v3  }
0x304: {  	[tilespmem:$0x1F9E0] =	vst v8;
	v8 =	vsel vm7, $0xFFFFFFFF, v26;
	v7 =	vsel vm7, v19, v7;
	vm7 =	vgt.f32 v19, v4  }
0x305: {  	[tilespmem:$0x1F9A0] =	vst v10;
	v15 =	vld [tilespmem:$0x1F9B0];
	v5 =	vsel vm11, $0x1B, v5;
	vm11 =	vnez.u8 v50;
	v26 =	vor.u32 $0x33, v3  }
0x306: {  	v60 =	vld [tilespmem:$0x1F9A0];
	v7 =	vsel vm7, v4, v7;
	v4 =	vsel vm7, v19, v4;
	v5 =	vsel vm12, v12, v5  }
0x307: {  	v28 =	vld.idx.msk [tilespmem:v20+s2+$0x0], $0xffff;
	v12 =	vsel vm12, $0x1B, v12;
	vm8 =	vgt.f32 v23, v7;
	v5 =	vsel vm11, $0x1C, v5  }
0x308: {  	[tilespmem:$0x1F9F0] =	vst v6;
	vm11 =	vnez.u8 v55;
	v6 =	vsel vm8, $0xFFFFFFFF, v31;
	v7 =	vsel vm8, v23, v7  }
0x309: {  	vm8 =	vgt.f32 v23, v4;
	v5 =	vsel vm13, v12, v5;
	v12 =	vsel vm13, $0x1C, v12  }
0x30a: {  	vm13 =	vnez.u8 v15;
	v31 =	vimm.s32 $0x0;
	v7 =	vsel vm8, v4, v7  }
0x30b: {  	v4 =	vsel vm8, v23, v4;
	v5 =	vsel vm11, $0x1D, v5;
	vm11 =	vnez.u8 v60  }
0x30c: {  	vm9 =	vgt.f32 v28, v7;
	v5 =	vsel vm14, v12, v5;
	v12 =	vsel vm14, $0x1D, v12  }
0x30d: {  	[tilespmem:$0x1FA00] =	vst v9;
	v9 =	vsel vm9, $0xFFFFFFFF, v35;
	v7 =	vsel vm9, v28, v7;
	vm9 =	vgt.f32 v28, v4  }
0x30e: {  	v37 =	vld.idx.msk [tilespmem:v29+s2+$0x0], $0xffff;
	v5 =	vsel vm11, $0x1E, v5;
	v35 =	vimm.s32 $0x0;
	v7 =	vsel vm9, v4, v7  }
0x30f: {  	v4 =	vsel vm9, v28, v4;
	v5 =	vsel vm0, v12, v5;
	v12 =	vsel vm0, $0x1E, v12  }
0x310: {  	vm10 =	vgt.f32 v33, v7;
	vm15 =	vgt.f32 v33, v4;
	v5 =	vsel vm13, $0x1F, v5  }
0x311: {  	[tilespmem:$0x1FA10] =	vst v8;
	v8 =	vsel vm10, $0xFFFFFFFF, v39;
	v7 =	vsel vm10, v33, v7;
	v10 =	vsel vm15, $0xFFFFFFFF, v42  }
0x312: {  	v5 =	vsel vm1, v12, v5;
	v12 =	vsel vm1, $0x1F, v12;
	v7 =	vsel vm15, v4, v7  }
0x313: {  	v39 =	vor.u32 $0x36, v3;
	v4 =	vsel vm15, v33, v4;
	vm10 =	vgt.f32 v37, v7  }
0x314: {  	[tilespmem:$0x1FA20] =	vst v6;
	vm15 =	vgt.f32 v37, v4;
	v6 =	vsel vm10, $0xFFFFFFFF, v44;
	v7 =	vsel vm10, v37, v7  }
0x315: {  	v11 =	vsel vm15, $0xFFFFFFFF, v47;
	v7 =	vsel vm15, v4, v7;
	v4 =	vsel vm15, v37, v4  }
0x316: {  	[tilespmem:$0x1FA30] =	vst v9;
	v44 =	vor.u32 $0x37, v3;
	vm10 =	vgt.f32 v41, v7;
	vm15 =	vgt.f32 v41, v4  }
0x317: {  	[tilespmem:$0x1FA50] =	vst v10;
	v9 =	vsel vm10, $0xFFFFFFFF, v49;
	v7 =	vsel vm10, v41, v7;
	v10 =	vsel vm15, $0xFFFFFFFF, v52  }
0x318: {  	v49 =	vimm.s32 $0x0;
	v7 =	vsel vm15, v4, v7;
	v4 =	vsel vm15, v41, v4  }
0x319: {  	v28 =	vld [tilespmem:$0x1F9E0];
	[tilespmem:$0x1FA40] =	vst v8;
	v52 =	vor.u32 $0x39, v3;
	vm10 =	vgt.f32 v46, v7;
	vm15 =	vgt.f32 v46, v4  }
0x31a: {  	v19 =	vld [tilespmem:$0x1F9C0];
	[tilespmem:$0x1FA70] =	vst v11;
	v8 =	vsel vm10, $0xFFFFFFFF, v54;
	v7 =	vsel vm10, v46, v7;
	v11 =	vsel vm15, $0xFFFFFFFF, v57  }
0x31b: {  	v54 =	vimm.s32 $0x0;
	v7 =	vsel vm15, v4, v7;
	v4 =	vsel vm15, v46, v4  }
0x31c: {  	[tilespmem:$0x1FA60] =	vst v6;
	v57 =	vor.u32 $0x3A, v3;
	vm10 =	vgt.f32 v51, v7;
	vm15 =	vgt.f32 v51, v4  }
0x31d: {  	v23 =	vld [tilespmem:$0x1F9D0];
	[tilespmem:$0x1FA90] =	vst v10;
	v6 =	vsel vm10, $0xFFFFFFFF, v59;
	v7 =	vsel vm10, v51, v7;
	v10 =	vsel vm15, $0xFFFFFFFF, v62  }
0x31e: {  	v32 =	vld [tilespmem:$0x1F9F0];
	vm10 =	vnez.u8 v28;
	v59 =	vimm.s32 $0x0;
	v62 =	vor.u32 $0x3B, v3  }
0x31f: {  	v61 =	vld.idx.msk [tilespmem:v53+s2+$0x0], $0xffff;
	v7 =	vsel vm15, v4, v7;
	v4 =	vsel vm15, v51, v4;
	vm15 =	vnez.u8 v19  }
0x320: {  	v19 =	vimm.s32 $0x0;
	vm12 =	vgt.f32 v56, v7;
	vm0 =	vgt.f32 v56, v4  }
0x321: {  	[tilespmem:$0x1FA80] =	vst v9;
	v5 =	vsel vm15, $0x20, v5;
	v9 =	vsel vm12, $0xFFFFFFFF, v14;
	v7 =	vsel vm12, v56, v7  }
0x322: {  	v16 =	vld.idx.msk [tilespmem:v58+s2+$0x0], $0xffff;
	v5 =	vsel vm2, v12, v5;
	v12 =	vsel vm2, $0x20, v12;
	vm12 =	vnez.u8 v23  }
0x323: {  	v36 =	vld [tilespmem:$0x1FA00];
	v14 =	vimm.s32 $0x0;
	v7 =	vsel vm0, v4, v7;
	v4 =	vsel vm0, v56, v4  }
0x324: {  	v5 =	vsel vm12, $0x21, v5;
	vm12 =	vnez.u8 v32;
	vm14 =	vgt.f32 v61, v7  }
0x325: {  	[tilespmem:$0x1FAA0] =	vst v8;
	v5 =	vsel vm3, v12, v5;
	v12 =	vsel vm3, $0x21, v12;
	v8 =	vsel vm14, $0xFFFFFFFF, v18  }
0x326: {  	v7 =	vsel vm14, v61, v7;
	vm14 =	vgt.f32 v61, v4;
	v5 =	vsel vm10, $0x22, v5  }
0x327: {  	v60 =	vld [tilespmem:$0x1FA60];
	v7 =	vsel vm14, v4, v7;
	v4 =	vsel vm14, v61, v4;
	v5 =	vsel vm4, v12, v5  }
0x328: {  	v20 =	vld.idx.msk [tilespmem:v63+s2+$0x0], $0xffff;
	v12 =	vsel vm4, $0x22, v12;
	vm4 =	vnez.u8 v36;
	vm11 =	vgt.f32 v16, v7  }
0x329: {  	[tilespmem:$0x1FAC0] =	vst v6;
	vm13 =	vgt.f32 v16, v4;
	v5 =	vsel vm12, $0x23, v5;
	v6 =	vsel vm11, $0xFFFFFFFF, v22  }
0x32a: {  	[tilespmem:$0x1FAB0] =	vst v11;
	v7 =	vsel vm11, v16, v7;
	v11 =	vsel vm13, $0xFFFFFFFF, v25;
	v5 =	vsel vm5, v12, v5  }
0x32b: {  	v12 =	vsel vm5, $0x23, v12;
	v22 =	vor.u32 $0x3D, v3;
	v7 =	vsel vm13, v4, v7  }
0x32c: {  	v41 =	vld [tilespmem:$0x1FA10];
	v4 =	vsel vm13, v16, v4;
	v5 =	vsel vm4, $0x24, v5;
	vm4 =	vnez.u8 v60  }
0x32d: {  	vm15 =	vgt.f32 v20, v7;
	vm1 =	vgt.f32 v20, v4;
	v5 =	vsel vm6, v12, v5  }
0x32e: {  	v29 =	vld.idx.msk [tilespmem:v21+s2+$0x0], $0xffff;
	[tilespmem:$0x1FAE0] =	vst v9;
	v12 =	vsel vm6, $0x24, v12;
	v9 =	vsel vm15, $0xFFFFFFFF, v27;
	v7 =	vsel vm15, v20, v7  }
0x32f: {  	v50 =	vld [tilespmem:$0x1FA30];
	v27 =	vor.u32 $0x3E, v3;
	v7 =	vsel vm1, v4, v7;
	v4 =	vsel vm1, v20, v4  }
0x330: {  	v3 =	vor.u32 $0x3F, v3;
	vm11 =	vgt.f32 v24, v7;
	vm15 =	vgt.f32 v24, v4  }
0x331: {  	v46 =	vld [tilespmem:$0x1FA20];
	[tilespmem:$0x1FAF0] =	vst v8;
	v8 =	vsel vm11, $0xFFFFFFFF, v31;
	v7 =	vsel vm11, v24, v7;
	vm11 =	vnez.u8 v41  }
0x332: {  	v33 =	vld.idx.msk [tilespmem:v26+s2+$0x0], $0xffff;
	v7 =	vsel vm15, v4, v7;
	v4 =	vsel vm15, v24, v4;
	v5 =	vsel vm11, $0x25, v5  }
0x333: {  	v63 =	vld [tilespmem:$0x1FA70];
	v24 =	vimm.s32 $0x0;
	vm13 =	vgt.f32 v29, v7;
	vm5 =	vgt.f32 v29, v4  }
0x334: {  	[tilespmem:$0x1FAD0] =	vst v10;
	v5 =	vsel vm7, v12, v5;
	v12 =	vsel vm7, $0x25, v12;
	vm7 =	vnez.u8 v50  }
0x335: {  	v58 =	vld [tilespmem:$0x1FA50];
	[tilespmem:$0x1FB00] =	vst v6;
	v6 =	vsel vm13, $0xFFFFFFFF, v35;
	v7 =	vsel vm13, v29, v7;
	v10 =	vsel vm5, $0xFFFFFFFF, v38  }
0x336: {  	v37 =	vld.idx.msk [tilespmem:v30+s2+$0x0], $0xffff;
	v7 =	vsel vm5, v4, v7;
	v4 =	vsel vm5, v29, v4;
	vm5 =	vnez.u8 v46  }
0x337: {  	v15 =	vld [tilespmem:$0x1FA80];
	v29 =	vimm.s32 $0x0;
	vm10 =	vgt.f32 v33, v7;
	vm12 =	vgt.f32 v33, v4  }
0x338: {  	v55 =	vld [tilespmem:$0x1FA40];
	[tilespmem:$0x1FB20] =	vst v9;
	v5 =	vsel vm5, $0x26, v5;
	vm5 =	vnez.u8 v63;
	v9 =	vsel vm10, $0xFFFFFFFF, v40  }
0x339: {  	[tilespmem:$0x1FB10] =	vst v11;
	v7 =	vsel vm10, v33, v7;
	v11 =	vsel vm12, $0xFFFFFFFF, v43;
	v5 =	vsel vm8, v12, v5  }
0x33a: {  	v12 =	vsel vm8, $0x26, v12;
	vm10 =	vnez.u8 v58;
	v7 =	vsel vm12, v4, v7  }
0x33b: {  	v42 =	vld.idx.msk [tilespmem:v34+s2+$0x0], $0xffff;
	v4 =	vsel vm12, v33, v4;
	v5 =	vsel vm7, $0x27, v5;
	v53 =	vsel vm9, $0x27, v12  }
0x33c: {  	v18 =	vld [tilespmem:$0x1FA90];
	vm7 =	vnez.u8 v15;
	v33 =	vimm.s32 $0x0;
	vm13 =	vgt.f32 v37, v7  }
0x33d: {  	v30 =	vld [tilespmem:$0x1FAE0];
	vm12 =	vgt.f32 v37, v4;
	v5 =	vsel vm9, v12, v5;
	vm9 =	vnez.u8 v55  }
0x33e: {  	v47 =	vld.idx.msk [tilespmem:v39+s2+$0x0], $0xffff;
	[tilespmem:$0x1FB30] =	vst v8;
	v12 =	vsel vm10, $0x28, v53;
	v8 =	vsel vm13, $0xFFFFFFFF, v45;
	v7 =	vsel vm13, v37, v7  }
0x33f: {  	v5 =	vsel vm9, $0x28, v5;
	v13 =	vsel vm5, $0x29, v12;
	v7 =	vsel vm12, v4, v7  }
0x340: {  	v25 =	vld [tilespmem:$0x1FAC0];
	v4 =	vsel vm12, v37, v4;
	v5 =	vsel vm10, v53, v5;
	vm6 =	vgt.f32 v42, v7  }
0x341: {  	v51 =	vld.idx.msk [tilespmem:v44+s2+$0x0], $0xffff;
	vm10 =	vnez.u8 v18;
	vm11 =	vgt.f32 v42, v4;
	v7 =	vsel vm6, v42, v7  }
0x342: {  	v5 =	vsel vm4, $0x29, v5;
	vm4 =	vnez.u8 v30;
	v7 =	vsel vm11, v4, v7  }
0x343: {  	v23 =	vld [tilespmem:$0x1FAB0];
	[tilespmem:$0x1FB40] =	vst v6;
	v6 =	vsel vm6, $0xFFFFFFFF, v49;
	v4 =	vsel vm11, v42, v4;
	vm8 =	vgt.f32 v47, v7  }
0x344: {  	v56 =	vld.idx.msk [tilespmem:v48+s2+$0x0], $0xffff;
	v5 =	vsel vm5, v12, v5;
	vm9 =	vgt.f32 v47, v4;
	v7 =	vsel vm8, v47, v7  }
0x345: {  	v12 =	vsel vm10, $0x2A, v13;
	vm5 =	vnez.u8 v25;
	v7 =	vsel vm9, v4, v7  }
0x346: {  	v20 =	vld [tilespmem:$0x1FAA0];
	v5 =	vsel vm7, $0x2A, v5;
	v4 =	vsel vm9, v47, v4;
	vm13 =	vgt.f32 v51, v7  }
0x347: {  	v61 =	vld.idx.msk [tilespmem:v52+s2+$0x0], $0xffff;
	[tilespmem:$0x1FB60] =	vst v9;
	v9 =	vsel vm8, $0xFFFFFFFF, v54;
	vm8 =	vgt.f32 v51, v4;
	v7 =	vsel vm13, v51, v7  }
0x348: {  	v28 =	vld [tilespmem:$0x1FAD0];
	v5 =	vsel vm10, v13, v5;
	vm10 =	vnez.u8 v23;
	v7 =	vsel vm8, v4, v7  }
0x349: {  	[tilespmem:$0x1FB80] =	vst v8;
	v8 =	vsel vm13, $0xFFFFFFFF, v59;
	v4 =	vsel vm8, v51, v4;
	vm6 =	vgt.f32 v56, v7  }
0x34a: {  	[tilespmem:$0x1FB90] =	vst v6;
	vm7 =	vgt.f32 v56, v4;
	v6 =	vsel vm6, $0xFFFFFFFF, v14;
	v7 =	vsel vm6, v56, v7  }
0x34b: {  	v16 =	vld.idx.msk [tilespmem:v57+s2+$0x0], $0xffff;
	vm6 =	vnez.u8 v20;
	v7 =	vsel vm7, v4, v7;
	v4 =	vsel vm7, v56, v4  }
0x34c: {  	v5 =	vsel vm6, $0x2B, v5;
	vm13 =	vgt.f32 v61, v7;
	vm6 =	vgt.f32 v61, v4  }
0x34d: {  	v5 =	vsel vm10, v12, v5;
	v12 =	vsel vm10, $0x2B, v12;
	vm10 =	vnez.u8 v28  }
0x34e: {  	v21 =	vld.idx.msk [tilespmem:v62+s2+$0x0], $0xffff;
	[tilespmem:$0x1FBA0] =	vst v9;
	v9 =	vsel vm13, $0xFFFFFFFF, v19;
	v7 =	vsel vm13, v61, v7;
	v5 =	vsel vm5, $0x2C, v5  }
0x34f: {  	v41 =	vld [tilespmem:$0x1FB30];
	v7 =	vsel vm6, v4, v7;
	v4 =	vsel vm6, v61, v4;
	v5 =	vsel vm10, v12, v5  }
0x350: {  	v34 =	vld [tilespmem:$0x1FAF0];
	v12 =	vsel vm10, $0x2C, v12;
	vm13 =	vgt.f32 v16, v7;
	vm5 =	vgt.f32 v16, v4  }
0x351: {  	v26 =	vld.idx.msk [tilespmem:v17+s2+$0x0], $0xffff;
	v5 =	vsel vm4, $0x2D, v5;
	v32 =	vsel vm0, $0x2D, v12;
	v7 =	vsel vm13, v16, v7  }
0x352: {  	v37 =	vld [tilespmem:$0x1FB00];
	[tilespmem:$0x1FBB0] =	vst v8;
	v8 =	vsel vm13, $0xFFFFFFFF, v24;
	v5 =	vsel vm0, v12, v5;
	v7 =	vsel vm5, v4, v7  }
0x353: {  	v36 =	vsel vm14, $0x2E, v32;
	v4 =	vsel vm5, v16, v4;
	vm13 =	vgt.f32 v21, v7  }
0x354: {  	v38 =	vld [tilespmem:$0x1FB10];
	vm0 =	vnez.u8 v41;
	vm4 =	vgt.f32 v21, v4;
	v7 =	vsel vm13, v21, v7  }
0x355: {  	v39 =	vld [tilespmem:$0x1FB20];
	[tilespmem:$0x1FBC0] =	vst v6;
	v6 =	vsel vm13, $0xFFFFFFFF, v29;
	vm13 =	vnez.u8 v34;
	v7 =	vsel vm4, v4, v7  }
0x356: {  	v31 =	vld.idx.msk [tilespmem:v22+s2+$0x0], $0xffff;
	v4 =	vsel vm4, v21, v4;
	v5 =	vsel vm13, $0x2E, v5;
	vm10 =	vgt.f32 v26, v7  }
0x357: {  	vm3 =	vgt.f32 v26, v4;
	v5 =	vsel vm14, v32, v5;
	vm14 =	vnez.u8 v37  }
0x358: {  	v35 =	vld.idx.msk [tilespmem:v27+s2+$0x0], $0xffff;
	[tilespmem:$0x1FBD0] =	vst v9;
	v9 =	vsel vm10, $0xFFFFFFFF, v33;
	v7 =	vsel vm10, v26, v7;
	v5 =	vsel vm14, $0x2F, v5  }
0x359: {  	[tilespmem:$0x1FB50] =	vst v10;
	v43 =	vld [tilespmem:$0x1FB40];
	vm10 =	vnez.u8 v38;
	v7 =	vsel vm3, v4, v7;
	v4 =	vsel vm3, v26, v4  }
0x35a: {  	[tilespmem:$0x1FBE0] =	vst v8;
	v5 =	vsel vm10, v36, v5;
	v8 =	vsel vm10, $0x2F, v36;
	vm10 =	vnez.u8 v39  }
0x35b: {  	v45 =	vld [tilespmem:$0x1FB50];
	vm13 =	vgt.f32 v31, v7;
	vm14 =	vgt.f32 v31, v4;
	v5 =	vsel vm10, $0x30, v5  }
0x35c: {  	v3 =	vld.idx.msk [tilespmem:v3+s2+$0x0], $0xffff;
	v40 =	vsel vm1, $0x30, v8;
	v7 =	vsel vm13, v31, v7;
	v5 =	vsel vm1, v8, v5  }
0x35d: {  	v42 =	vsel vm15, $0x31, v40;
	v7 =	vsel vm14, v4, v7;
	v4 =	vsel vm14, v31, v4  }
0x35e: {  	[tilespmem:$0x1FB70] =	vst v11;
	v47 =	vld [tilespmem:$0x1FB60];
	v5 =	vsel vm0, $0x31, v5;
	vm0 =	vnez.u8 v43;
	vm10 =	vgt.f32 v35, v7  }
0x35f: {  	v48 =	vld [tilespmem:$0x1FB70];
	vm2 =	vgt.f32 v35, v4;
	v5 =	vsel vm15, v40, v5;
	v7 =	vsel vm10, v35, v7  }
0x360: {  	v49 =	vld [tilespmem:$0x1FB80];
	v5 =	vsel vm0, $0x32, v5;
	vm0 =	vnez.u8 v45;
	v7 =	vsel vm2, v4, v7  }
0x361: {  	v4 =	vsel vm2, v35, v4;
	v5 =	vsel vm0, v42, v5;
	vm15 =	vgt.f32 v3, v7  }
0x362: {  	v50 =	vld [tilespmem:$0x1FB90];
	v46 =	vsel vm0, $0x32, v42;
	vm1 =	vgt.f32 v3, v4;
	v44 =	vsel vm15, v3, v7  }
0x363: {  	[tilespmem:$0x1FBF0] =	vst v6;
	vm0 =	vnez.u8 v47;
	v3 =	vsel vm1, v3, v4;
	v6 =	vsel vm1, v4, v44  }
0x364: {  	v51 =	vld [tilespmem:$0x1FBA0];
	v5 =	vsel vm0, $0x33, v5;
	vm0 =	vnez.u8 v48;
	v3 =	vsub.f32 v6, v3  }
0x365: {  	v5 =	vsel vm0, v46, v5;
	v4 =	vsel vm0, $0x33, v46;
	vm0 =	vnez.u8 v49  }
0x366: {  	v52 =	vld [tilespmem:$0x1FBB0];
	v5 =	vsel vm0, $0x34, v5;
	v3 =	vmul.f32 $1.442695020e+00, v3  }
0x367: {  	v5 =	vsel vm12, v4, v5;
	v4 =	vsel vm12, $0x34, v4;
	vm12 =	vnez.u8 v50  }
0x368: {  	v53 =	vld [tilespmem:$0x1FBC0];
	v5 =	vsel vm12, $0x35, v5;
	(erf) = vpow2.f32 v3  }
0x369: {  	vm12 =	vnez.u8 v51;
	v3 =	vsel vm11, v4, v5  }
0x36a: {  	v54 =	vld [tilespmem:$0x1FBD0];
	v4 =	vsel vm11, $0x35, v4;
	v3 =	vsel vm12, $0x36, v3  }
0x36b: {  	vm11 =	vnez.u8 v52;
	v3 =	vsel vm9, v4, v3  }
0x36c: {  	v56 =	vld [tilespmem:$0x1FBE0];
	v4 =	vsel vm9, $0x36, v4;
	v3 =	vsel vm11, $0x37, v3  }
0x36d: {  	vm12 =	vnez.u8 v53;
	v3 =	vsel vm8, v4, v3  }
0x36e: {  	v58 =	vld [tilespmem:$0x1FBF0];
	v4 =	vsel vm8, $0x37, v4;
	v3 =	vsel vm12, $0x38, v3  }
0x36f: {  	[tilespmem:$0x1FC00] =	vst v9;
	vm8 =	vnez.u8 v54;
	v3 =	vsel vm7, v4, v3  }
0x370: {  	v59 =	vld [tilespmem:$0x1FC00];
	v4 =	vsel vm7, $0x38, v4;
	v3 =	vsel vm8, $0x39, v3  }
0x371: {  	vm9 =	vnez.u8 v56;
	v3 =	vsel vm6, v4, v3;
	v55 =	vpop (erf)  }
0x372: {  	v4 =	vsel vm6, $0x39, v4;
	v3 =	vsel vm9, $0x3A, v3;
	v57 =	vadd.f32 $1.000000000e+00, v55  }
0x373: {  	vm11 =	vnez.u8 v58;
	v3 =	vsel vm5, v4, v3  }
0x374: {  	v4 =	vsel vm5, $0x3A, v4;
	v3 =	vsel vm11, $0x3B, v3;
	(erf) = vrcp.f32 v57  }
0x375: {  	vm12 =	vnez.u8 v59;
	v3 =	vsel vm4, v4, v3  }
0x376: {  	v4 =	vsel vm4, $0x3B, v4;
	v3 =	vsel vm12, $0x3C, v3  }
0x377: {  	v3 =	vsel vm3, v4, v3  }
0x378: {  	v2 =	vshll.u32 v2, $0x1;
	v4 =	vsel vm3, $0x3C, v4;
	v3 =	vsel vm13, $0x3D, v3  }
0x379: {  	v60 =	vor.u32 $0x1, v2;
	v3 =	vsel vm14, v4, v3  }
0x37a: {  	v4 =	vsel vm14, $0x3D, v4;
	v3 =	vsel vm10, $0x3E, v3  }
0x37b: {  	v61 =	vsel vm2, $0x3E, v4;
	v3 =	vsel vm2, v4, v3  }
0x37c: {  	v62 =	vsel vm1, $0x3F, v61;
	v3 =	vsel vm15, $0x3F, v3  }
0x37d: {  	[tilespmem:v2+s8+$0x0] =	vst.idx.msk $0xffff, v62;
	v3 =	vsel vm1, v61, v3;
	v63 =	vpop (erf)  }
0x37e: {  	[tilespmem:v60+s8+$0x0] =	vst.idx.msk $0xffff, v3;
	v3 =	vmul.f32 v63, v55  }
0x37f: {  	[tilespmem:v2+s9+$0x0] =	vst.idx.msk $0xffff, v63  }
0x380: {  	[tilespmem:v60+s9+$0x0] =	vst.idx.msk $0xffff, v3  }
0x381: {  	[hbm4b:s4+s2] =	stream.linear.scatter [tilespmem:s8], [sflag:$0x1], $0x400, $0x38;
	[tilespmem:$0x8800] =	vst v63  }
0x382: {  	s10 =	sadd.s32 $0x1, s10;
	_ =	swait.ge [sflag:s7], $0x400  }
0x383: {  	p0 =	sne.s32 s10, s6;
	[sflag:s7] =	ssyncset.done $0x0  }
.Ltmp1:
0x384: {  	[sflag:s7] =	ssyncadd.s32 $0xFFFFFC00;
	(pc) =	sbr.rel @p0 .LBB2_1-.Ltmp1, $4  }
0x385: {  	[hbm4b:s5+s2] =	stream.linear.scatter [tilespmem:s9], [sflag:$0x1], $0x400, $0x38;
	[tilespmem:$0x8800] =	vst v63  }
0x386: {  	_ =	swait.ge [sflag:s7], $0x400  }
0x387: {  	[sflag:s7] =	ssyncset.done $0x0  }
0x388: {  	[sflag:s7] =	ssyncadd.s32 $0xFFFFFC00  }
0x389: {  	_ =	sfence.sel $0x180000  }
0x38a: {  	[bflag:$0x0] =	sbarrier.arrive $0xFFFF  }
0x38b: {  	p0 =	sne.s32 s1, $0x0;
	_ =	strace $0x90000047  }
0x38c: {  	s0 =	sadd.s32 @!p0 $0x100000, s0;
	[bflag:$0x2] =	sbarrier.arrive $0xFFFF  }
0x38d: {  	[sflag:s0] =	ssyncadd.tile.s32 @!p0 $0x1;
	_ =	shalt  }
.Lfunc_end2:
_tile_overlayer_lowered:
.L_overlay_start_2:
0x38e: {  	(tag) =	ssettag $0x2  }
0x38f: {  	s0 =	rddreg [dreg:$0x0];
	s2 =	stileid.u32  }
0x390: {  	s1 =	rddreg [dreg:$0x1];
	p0 =	sne.s32 s2, $0x0  }
0x391: {  	s3 =	rddreg [dreg:$0x2];
	[bflag:$0x3] =	sbarrier.arrive $0xFFFF;
	s2 =	simm.s32 @!p0 $0x1C01  }
0x392: {  	[timem:s3], [sflag:s2] =	dma.local @!p0 [hbm:s0], s1  }
0x393: {  	s0 =	simm.s32 @!p0 $0x1  }
0x394: {  	_ =	swait.ge @!p0 [sflag:s0], s1  }
0x395: {  	s1 =	ssub.s32 @!p0 $0x0, s1;
	[sflag:s0] =	ssyncset.done @!p0 $0x0  }
0x396: {  	[sflag:s0] =	ssyncadd.s32 @!p0 s1  }
0x397: {  	[bflag:$0x3] =	sbarrier.arrive $0xFFFF  }
0x398: {  	_ =	shalt  }

</sc_bundles>
